<compile_context>
chip_gen: v7x
topology: tpu7x:2x2x1
jax: 0.10.2.dev20260603
libtpu: 0.0.44.dev20260713+nightly
codegen_flags: <defaults>
</compile_context>

<pallas_src>
import functools

import jax
import jax.numpy as jnp
from jax import lax
from jax.experimental import pallas as pl
from jax.experimental.pallas import tpu as pltpu
from jax.experimental.pallas import tpu_sc as plsc

L = 2048
D = 1024
NH = 16
HD = 64
DC = 128
DFF = 2048
NE = 8
EPS = 1.1920929e-07
NEG = -1e30
BF = jnp.bfloat16
F32 = jnp.float32
I32 = jnp.int32
BT = 256
NT = (2 * L) // BT + NE
PADT = NT * BT
HIGHEST = jax.lax.Precision.HIGHEST


def _dot(a, b):
    return jax.lax.dot_general(a.astype(BF), b.astype(BF),
                               (((a.ndim - 1,), (0,)), ((), ())),
                               preferred_element_type=F32)


def _dot_t(a, b):
    return jax.lax.dot_general(a.astype(BF), b.astype(BF),
                               (((1,), (1,)), ((), ())),
                               preferred_element_type=F32)


def _dot_f32(a, b):
    return jax.lax.dot_general(a, b, (((a.ndim - 1,), (0,)), ((), ())),
                               precision=HIGHEST,
                               preferred_element_type=F32)


def _qkv_body(x_ref, anw_ref, wkv_ref, wkc_ref, wvc_ref, wqr_ref, wkr_ref,
              q_ref, kc_ref, kr_ref, v_ref):
    x = x_ref[...]
    var = jnp.mean(x * x, axis=-1, keepdims=True)
    h = x * jax.lax.rsqrt(var + EPS) * anw_ref[...]
    scale = HD ** -0.5
    q_ref[...] = (_dot(h, wqr_ref[...]) * scale).astype(BF)
    c = _dot(h, wkv_ref[...])
    kc_ref[...] = _dot(c, wkc_ref[...]).astype(BF)
    kr_ref[...] = _dot(h, wkr_ref[...]).astype(BF)
    v_ref[...] = _dot(c, wvc_ref[...]).astype(BF)


def _qkv(x2d, anw, wkv, wkc, wvc, wqr, wkr):
    blk = 512
    w_spec = lambda shape: pl.BlockSpec(shape, lambda i: (0,) * len(shape))
    row = pl.BlockSpec((blk, D), lambda i: (i, 0))
    return pl.pallas_call(
        _qkv_body,
        grid=(L // blk,),
        in_specs=[row, w_spec((1, D)), w_spec((D, DC)), w_spec((DC, D)),
                  w_spec((DC, D)), w_spec((D, D)), w_spec((D, D))],
        out_specs=[row, row, row, row],
        out_shape=[jax.ShapeDtypeStruct((L, D), BF)] * 4,
    )(x2d, anw.reshape(1, D), wkv, wkc, wvc, wqr, wkr)


def _attn_body(q_ref, kc_ref, kr_ref, v_ref, o_ref):
    cb = 512
    for hh in range(2):
        sl = slice(hh * HD, (hh + 1) * HD)
        k2 = jnp.concatenate([kc_ref[:, sl], kr_ref[:, sl]], axis=1)
        v = v_ref[:, sl]
        for c0 in range(0, L, cb):
            q = q_ref[c0:c0 + cb, sl]
            q2 = jnp.concatenate([q, q], axis=1)
            s = _dot_t(q2, k2)
            m = jnp.max(s, axis=-1, keepdims=True)
            p = jnp.exp(s - m)
            denom = jnp.sum(p, axis=-1, keepdims=True)
            o = _dot((p / denom).astype(BF), v)
            o_ref[c0:c0 + cb, sl] = o.astype(BF)


def _attention(q, kc, kr, v):
    pair = pl.BlockSpec((L, 2 * HD), lambda i: (0, i))
    return pl.pallas_call(
        _attn_body,
        grid=(NH // 2,),
        in_specs=[pair, pair, pair, pair],
        out_specs=pair,
        out_shape=jax.ShapeDtypeStruct((L, D), BF),
    )(q, kc, kr, v)


def _post_body(attn_ref, x_ref, wo_ref, fnw_ref, gw_ref, gb_ref,
               x2_ref, h2_ref, e1_ref, e2_ref, tw1_ref, tw2_ref, cnt_ref):
    i = pl.program_id(0)
    x2 = _dot(attn_ref[...], wo_ref[...]) + x_ref[...]
    x2_ref[...] = x2
    var = jnp.mean(x2 * x2, axis=-1, keepdims=True)
    h2 = x2 * jax.lax.rsqrt(var + EPS) * fnw_ref[...]
    h2b = h2.astype(BF)
    h2_ref[...] = h2
    logits = _dot(h2b, gw_ref[...]) + gb_ref[...]
    rows = logits.shape[0]
    iota = jax.lax.broadcasted_iota(I32, (rows, NE), 1)
    m1 = jnp.max(logits, axis=-1, keepdims=True)
    i1 = jnp.min(jnp.where(logits == m1, iota, NE), axis=-1, keepdims=True)
    l2 = jnp.where(iota == i1, NEG, logits)
    m2 = jnp.max(l2, axis=-1, keepdims=True)
    i2 = jnp.min(jnp.where(l2 == m2, iota, NE), axis=-1, keepdims=True)
    tw1 = 1.0 / (1.0 + jnp.exp(m2 - m1))
    e1_ref[...] = i1
    e2_ref[...] = i2
    tw1_ref[...] = tw1
    tw2_ref[...] = 1.0 - tw1
    oh = ((iota == i1) | (iota == i2)).astype(F32)
    cnt = jnp.sum(oh, axis=0, keepdims=True)

    @pl.when(i == 0)
    def _():
        cnt_ref[...] = jnp.zeros_like(cnt_ref)

    cnt_ref[...] += cnt


def _post(attn, x2d, wo, fnw, gw, gb):
    blk = 512
    w_spec = lambda shape: pl.BlockSpec(shape, lambda i: (0,) * len(shape))
    row = pl.BlockSpec((blk, D), lambda i: (i, 0))
    col = pl.BlockSpec((blk, 1), lambda i: (i, 0))
    return pl.pallas_call(
        _post_body,
        grid=(L // blk,),
        in_specs=[row, row, w_spec((D, D)), w_spec((1, D)), w_spec((D, NE)),
                  w_spec((1, NE))],
        out_specs=[row, row, col, col, col, col, w_spec((1, NE))],
        out_shape=[
            jax.ShapeDtypeStruct((L, D), F32),
            jax.ShapeDtypeStruct((L, D), F32),
            jax.ShapeDtypeStruct((L, 1), I32),
            jax.ShapeDtypeStruct((L, 1), I32),
            jax.ShapeDtypeStruct((L, 1), F32),
            jax.ShapeDtypeStruct((L, 1), F32),
            jax.ShapeDtypeStruct((1, NE), F32),
        ],
    )(attn, x2d, wo, fnw.reshape(1, D), gw, gb.reshape(1, NE))


def _meta_body(e1_ref, e2_ref, pos1_ref, pos2_ref, sc_ref):
    iota8 = jax.lax.broadcasted_iota(I32, (1, NE), 1)
    oh1 = (e1_ref[...] == iota8).astype(F32)
    oh2 = (e2_ref[...] == iota8).astype(F32)
    ch = 256
    ir = jax.lax.broadcasted_iota(I32, (ch, ch), 0)
    ic = jax.lax.broadcasted_iota(I32, (ch, ch), 1)
    tstrict = (ic < ir).astype(BF)
    carry = jnp.zeros((1, NE), F32)
    ranks = []
    for oh in (oh1, oh2):
        rs = []
        for c0 in range(0, L, ch):
            blk = oh[c0:c0 + ch, :]
            part = jax.lax.dot_general(
                tstrict, blk.astype(BF), (((1,), (0,)), ((), ())),
                preferred_element_type=F32)
            rs.append(part + carry)
            carry = carry + jnp.sum(blk, axis=0, keepdims=True)
        ranks.append(jnp.concatenate(rs, axis=0))
    counts = carry
    padded = jnp.ceil(counts / BT) * BT
    e8r = jax.lax.broadcasted_iota(I32, (NE, NE), 0)
    e8c = jax.lax.broadcasted_iota(I32, (NE, NE), 1)
    mupper = (e8r < e8c).astype(F32)
    off = _dot_f32(padded, mupper)
    pos1_ref[...] = jnp.sum(oh1 * (off + ranks[0]), axis=-1,
                            keepdims=True).astype(I32)
    pos2_ref[...] = jnp.sum(oh2 * (off + ranks[1]), axis=-1,
                            keepdims=True).astype(I32)
    tile_start = off / BT
    n_used = jnp.sum(padded) / BT
    jcol = jax.lax.broadcasted_iota(I32, (NT, 1), 0).astype(F32)
    jclamp = jnp.minimum(jcol, n_used - 1.0)
    emap = jnp.sum((tile_start <= jclamp).astype(F32), axis=-1,
                   keepdims=True) - 1.0
    active = (jcol < n_used).astype(F32)
    sc_ref[...] = jnp.concatenate([emap, active], axis=1).astype(I32)


def _meta(e1, e2):
    full = lambda shape: pl.BlockSpec(shape, lambda: (0,) * len(shape))
    return pl.pallas_call(
        _meta_body,
        in_specs=[full((L, 1)), full((L, 1))],
        out_specs=[full((L, 1)), full((L, 1)), full((NT, 2))],
        out_shape=[
            jax.ShapeDtypeStruct((L, 1), I32),
            jax.ShapeDtypeStruct((L, 1), I32),
            jax.ShapeDtypeStruct((NT, 2), I32),
        ],
    )(e1, e2)


def _silu(a):
    return a * (0.5 * (jnp.tanh(a * 0.5) + 1.0))


NW = 32
RPW = PADT // NW


HPW = RPW // 2


def _sc_dispatch(pos_all, tw_all, h2f):
    mesh = plsc.VectorSubcoreMesh(core_axis_name="c", subcore_axis_name="s")

    @functools.partial(
        pl.kernel, mesh=mesh,
        compiler_params=pltpu.CompilerParams(needs_layout_passes=False),
        out_type=[
            jax.ShapeDtypeStruct((PADT, D), jnp.float32),
            jax.ShapeDtypeStruct((PADT,), jnp.float32),
        ],
        scratch_types=[
            pltpu.VMEM((2 * L,), I32),
            pltpu.VMEM((2 * L,), jnp.float32),
            pltpu.VMEM((HPW,), I32),
            pltpu.VMEM((HPW,), I32),
            pltpu.VMEM((RPW,), jnp.float32),
            pltpu.VMEM((HPW, D), jnp.float32),
            pltpu.SemaphoreType.DMA,
        ],
    )
    def scd(pos_hbm, tw_hbm, h2_hbm, xs_hbm, wso_hbm,
            pos_v, tw_v, idxa_v, idxb_v, ws_v, rows_v, sem):
        wid = lax.axis_index("s") * 2 + lax.axis_index("c")
        lo = wid * RPW
        pltpu.sync_copy(pos_hbm, pos_v)
        pltpu.sync_copy(tw_hbm, tw_v)
        zi = jnp.zeros((16,), I32)
        zf = jnp.zeros((16,), jnp.float32)

        def init(i, _):
            idxa_v[pl.ds(i * 16, 16)] = zi
            idxb_v[pl.ds(i * 16, 16)] = zi
            return 0

        lax.fori_loop(0, HPW // 16, init, 0)

        def initw(i, _):
            ws_v[pl.ds(i * 16, 16)] = zf
            return 0

        lax.fori_loop(0, RPW // 16, initw, 0)
        iota16 = lax.iota(I32, 16)

        def scan(i, _):
            p16 = pos_v[pl.ds(i * 16, 16)]
            ma = (p16 >= lo) & (p16 < lo + HPW)
            mb = (p16 >= lo + HPW) & (p16 < lo + RPW)
            loca = jnp.clip(p16 - lo, 0, HPW - 1)
            locb = jnp.clip(p16 - (lo + HPW), 0, HPW - 1)
            locw = jnp.clip(p16 - lo, 0, RPW - 1)
            tok16 = (iota16 + i * 16) & (L - 1)
            plsc.store_scatter(idxa_v, [loca], tok16, mask=ma)
            plsc.store_scatter(idxb_v, [locb], tok16, mask=mb)
            plsc.store_scatter(ws_v, [locw], tw_v[pl.ds(i * 16, 16)],
                               mask=ma | mb)
            return 0

        lax.fori_loop(0, 1, scan, 0)
        pltpu.async_copy(h2_hbm.at[idxa_v], rows_v, sem).wait()
        pltpu.sync_copy(rows_v, xs_hbm.at[pl.ds(lo, HPW)])
        pltpu.async_copy(h2_hbm.at[idxb_v], rows_v, sem).wait()
        pltpu.sync_copy(rows_v, xs_hbm.at[pl.ds(lo + HPW, HPW)])
        pltpu.sync_copy(ws_v, wso_hbm.at[pl.ds(lo, RPW)])

    return scd(pos_all, tw_all, h2f)


def _gmlp_body(sc_ref, xs_ref, ws_ref, w1a_ref, w1b_ref, w2_ref, es_ref):
    j = pl.program_id(0)

    @pl.when(sc_ref[j, 1] == 1)
    def _():
        xsb = xs_ref[...]
        a = _dot(xsb, w1a_ref[0])
        b = _dot(xsb, w1b_ref[0])
        g = (_silu(a) * b).astype(BF)
        eo = _dot(g, w2_ref[0])
        es_ref[...] = eo * ws_ref[...]


def _gmlp(sc, xs, ws, w1a, w1b, w2):
    grid_spec = pltpu.PrefetchScalarGridSpec(
        num_scalar_prefetch=1,
        grid=(NT,),
        in_specs=[
            pl.BlockSpec((BT, D), lambda j, sc: (j, 0)),
            pl.BlockSpec((BT, 1), lambda j, sc: (j, 0)),
            pl.BlockSpec((1, D, DFF), lambda j, sc: (sc[j, 0], 0, 0)),
            pl.BlockSpec((1, D, DFF), lambda j, sc: (sc[j, 0], 0, 0)),
            pl.BlockSpec((1, DFF, D), lambda j, sc: (sc[j, 0], 0, 0)),
        ],
        out_specs=pl.BlockSpec((BT, D), lambda j, sc: (j, 0)),
    )
    return pl.pallas_call(
        _gmlp_body,
        grid_spec=grid_spec,
        out_shape=jax.ShapeDtypeStruct((PADT, D), jnp.float32),
    )(sc, xs, ws, w1a, w1b, w2)


TPW = L // NW
TCH = 32


def _sc_combine(pos1, pos2, x2, es):
    mesh = plsc.VectorSubcoreMesh(core_axis_name="c", subcore_axis_name="s")

    @functools.partial(
        pl.kernel, mesh=mesh,
        compiler_params=pltpu.CompilerParams(needs_layout_passes=False),
        out_type=jax.ShapeDtypeStruct((L, D), jnp.float32),
        scratch_types=[
            pltpu.VMEM((TCH,), I32),
            pltpu.VMEM((TCH,), I32),
            pltpu.VMEM((TCH, D), jnp.float32),
            pltpu.VMEM((TCH, D), jnp.float32),
            pltpu.VMEM((TCH, D), jnp.float32),
            pltpu.SemaphoreType.DMA,
            pltpu.SemaphoreType.DMA,
        ],
    )
    def scc(p1_hbm, p2_hbm, x2_hbm, es_hbm, out_hbm,
            p1_v, p2_v, acc_v, e1_v, e2_v, sem1, sem2):
        wid = lax.axis_index("s") * 2 + lax.axis_index("c")
        for sub in range(TPW // TCH):
            lo = wid * TPW + sub * TCH
            pltpu.sync_copy(p1_hbm.at[pl.ds(lo, TCH)], p1_v)
            pltpu.sync_copy(p2_hbm.at[pl.ds(lo, TCH)], p2_v)
            pltpu.sync_copy(x2_hbm.at[pl.ds(lo, TCH)], acc_v)
            c1 = pltpu.async_copy(es_hbm.at[p1_v], e1_v, sem1)
            c2 = pltpu.async_copy(es_hbm.at[p2_v], e2_v, sem2)
            c1.wait()
            c2.wait()

            def add(k, _):
                r = k // (D // 16)
                j = (k % (D // 16)) * 16
                acc_v[r, pl.ds(j, 16)] = (acc_v[r, pl.ds(j, 16)]
                                          + e1_v[r, pl.ds(j, 16)]
                                          + e2_v[r, pl.ds(j, 16)])
                return 0

            lax.fori_loop(0, TCH * (D // 16), add, 0)
            pltpu.sync_copy(acc_v, out_hbm.at[pl.ds(lo, TCH)])

    return scc(pos1, pos2, x2, es)


def kernel(x, attn_norm_w, ffn_norm_w, w_kv_c, w_kc_up, w_vc_up, w_qr, w_kr,
           w_o, gate_w, expert_bias, expert_w1, expert_w2):
    x2d = x.reshape(L, D)
    q, kc, kr, v = _qkv(x2d, attn_norm_w, w_kv_c, w_kc_up, w_vc_up, w_qr,
                        w_kr)
    attn = _attention(q, kc, kr, v)
    x2, h2f, e1, e2, tw1, tw2, cnt = _post(attn, x2d, w_o, ffn_norm_w,
                                           gate_w, expert_bias)
    pos1, pos2, sc = _meta(e1, e2)
    pos_all = jnp.concatenate([pos1, pos2], axis=0).reshape(2 * L)
    tw_all = jnp.concatenate([tw1, tw2], axis=0).reshape(2 * L)
    xs, ws = _sc_dispatch(pos_all, tw_all, h2f)
    w1a = expert_w1[:, :, :DFF].astype(BF)
    w1b = expert_w1[:, :, DFF:].astype(BF)
    w2b = expert_w2.astype(BF)
    es = _gmlp(sc, xs, ws.reshape(PADT, 1), w1a, w1b, w2b)
    out = _sc_combine(pos1.reshape(L), pos2.reshape(L), x2, es)
    return out.reshape(1, L, D), cnt.reshape(NE)

# --- scband reference (transcript-rebuilt; emitter-appended) ---
"""Pipeline reference for scband-transformer-block-69836168233265 (READ-ONLY COPY).

The authoritative reference and input builder live on the scoring server;
editing this copy changes nothing except your own understanding.
"""

import jax, jax.numpy as jnp
import numpy as np

B = 1
L = 2048
D_MODEL = 1024
N_HEADS = 16
HEAD_DIM = D_MODEL // N_HEADS
D_C = 128
D_FF = 2048
N_EXPERTS = 8
TOP_K = 2
EPS = 1.1920929e-07


def setup_inputs(seed: int = 0):
    key = jax.random.key(seed)
    ks = jax.random.split(key, 12)
    s = 0.02
    inp = {}
    inp["x"] = jax.random.normal(ks[0], (B, L, D_MODEL), dtype=jnp.float32)
    inp["attn_norm_w"] = jnp.ones((D_MODEL,), jnp.float32)
    inp["ffn_norm_w"] = jnp.ones((D_MODEL,), jnp.float32)
    inp["w_kv_c"] = jax.random.normal(ks[1], (D_MODEL, D_C), dtype=jnp.float32) * s
    inp["w_kc_up"] = jax.random.normal(ks[2], (D_C, D_MODEL), dtype=jnp.float32) * s
    inp["w_vc_up"] = jax.random.normal(ks[3], (D_C, D_MODEL), dtype=jnp.float32) * s
    inp["w_qr"] = jax.random.normal(ks[4], (D_MODEL, D_MODEL), dtype=jnp.float32) * s
    inp["w_kr"] = jax.random.normal(ks[5], (D_MODEL, D_MODEL), dtype=jnp.float32) * s
    inp["w_o"] = jax.random.normal(ks[6], (D_MODEL, D_MODEL), dtype=jnp.float32) * s
    inp["gate_w"] = jax.random.normal(ks[7], (D_MODEL, N_EXPERTS), dtype=jnp.float32) * s
    inp["expert_bias"] = jnp.zeros((N_EXPERTS,), jnp.float32)
    inp["expert_w1"] = jax.random.normal(ks[8], (N_EXPERTS, D_MODEL, 2 * D_FF), dtype=jnp.float32) * s
    inp["expert_w2"] = jax.random.normal(ks[9], (N_EXPERTS, D_FF, D_MODEL), dtype=jnp.float32) * s
    return inp


def rms_norm(x, w):
    var = jnp.mean(x * x, axis=-1, keepdims=True)
    return x * jax.lax.rsqrt(var + EPS) * w


def mla_attention(x, w_kv_c, w_kc_up, w_vc_up, w_qr, w_kr, w_o):
    Bq, Lq, D = x.shape
    scale = HEAD_DIM ** -0.5
    c_kv = x @ w_kv_c
    k_c = (c_kv @ w_kc_up).reshape(Bq, Lq, N_HEADS, HEAD_DIM).transpose(0, 2, 1, 3)
    v_c = (c_kv @ w_vc_up).reshape(Bq, Lq, N_HEADS, HEAD_DIM).transpose(0, 2, 1, 3)
    q_r = (x @ w_qr).reshape(Bq, Lq, N_HEADS, HEAD_DIM).transpose(0, 2, 1, 3)
    k_r = (x @ w_kr).reshape(Bq, Lq, N_HEADS, HEAD_DIM).transpose(0, 2, 1, 3)
    qs = q_r * scale
    attn = jnp.matmul(qs, jnp.swapaxes(k_c, -2, -1)) + jnp.matmul(qs, jnp.swapaxes(k_r, -2, -1))
    w = jax.nn.softmax(attn, axis=-1)
    out = jnp.matmul(w, v_c)
    out = out.transpose(0, 2, 1, 3).reshape(Bq, Lq, D)
    return out @ w_o


def moe_ffn(x, gate_w, expert_bias, expert_w1, expert_w2):
    Bq, Lq, D = x.shape
    xf = x.reshape(-1, D)
    logits = xf @ gate_w + expert_bias[None, :]
    probs = jax.nn.softmax(logits, axis=-1)
    tw, ti = jax.lax.top_k(probs, TOP_K)
    tw = tw / jnp.sum(tw, axis=-1, keepdims=True)
    out = jnp.zeros_like(xf)
    counts = []
    for i in range(N_EXPERTS):
        sel = (ti == i)
        w_i = jnp.sum(jnp.where(sel, tw, 0.0), axis=-1)
        h = xf @ expert_w1[i]
        a, b = jnp.split(h, 2, axis=-1)
        h = jax.nn.silu(a) * b
        eo = h @ expert_w2[i]
        out = out + eo * w_i[:, None]
        counts.append(jnp.sum(jnp.any(sel, axis=-1).astype(jnp.float32)))
    return out.reshape(Bq, Lq, D), jnp.stack(counts)


def reference(x, attn_norm_w, ffn_norm_w, w_kv_c, w_kc_up, w_vc_up, w_qr, w_kr, w_o, gate_w, expert_bias, expert_w1, expert_w2):
    residual = x
    h = rms_norm(x, attn_norm_w)
    h = mla_attention(h, w_kv_c, w_kc_up, w_vc_up, w_qr, w_kr, w_o)
    x = h + residual
    residual = x
    h = rms_norm(x, ffn_norm_w)
    h, expert_counts = moe_ffn(h, gate_w, expert_bias, expert_w1, expert_w2)
    x = h + residual
    return x, expert_counts

if __name__ == "__main__":
    import jax
    _d = setup_inputs()
    print(jax.jit(kernel)(*tuple(_d.values())))

</pallas_src>

<mosaic_0001>
#map = affine_map<(d0, d1) -> (0)>
#map1 = affine_map<(d0, d1) -> (0, 0)>
module attributes {stable_mosaic.version = 14 : i64} {
  func.func @scc(%arg0: i32, %arg1: i32, %arg2: memref<2048xi32, #tpu.memory_space<hbm>>, %arg3: memref<2048xi32, #tpu.memory_space<hbm>>, %arg4: memref<2048x1024xf32, #tpu.memory_space<hbm>>, %arg5: memref<6144x1024xf32, #tpu.memory_space<hbm>>, %arg6: memref<2048x1024xf32, #tpu.memory_space<hbm>>, %arg7: memref<32xi32, #tpu.memory_space<vmem>>, %arg8: memref<32xi32, #tpu.memory_space<vmem>>, %arg9: memref<32x1024xf32, #tpu.memory_space<vmem>>, %arg10: memref<32x1024xf32, #tpu.memory_space<vmem>>, %arg11: memref<32x1024xf32, #tpu.memory_space<vmem>>, %arg12: memref<!tpu.dma_semaphore, #tpu.memory_space<semaphore_mem>>, %arg13: memref<!tpu.dma_semaphore, #tpu.memory_space<semaphore_mem>>) attributes {dimension_semantics = [#tpu.dimension_semantics<core_parallel>, #tpu.dimension_semantics<subcore_parallel>], iteration_bounds = array<i64: 2, 16>, scalar_prefetch = 0 : i64, scratch_operands = 7 : i64, tpu.core_type = #tpu.core_type<sc_vector_subcore>, window_params = [{transform_indices = #map}, {transform_indices = #map}, {transform_indices = #map1}, {transform_indices = #map1}, {transform_indices = #map1}]} {
    %mul3A = arith.constant 2 : i32
    %mul3A_0 = arith.muli %arg1, %mul3A : i32
    %add3A = arith.addi %mul3A_0, %arg0 : i32
    %mul3A_1 = arith.constant 64 : i32
    %mul3A_2 = arith.muli %add3A, %mul3A_1 : i32
    %add3A_3 = arith.constant 0 : i32
    %add3A_4 = arith.addi %mul3A_2, %add3A_3 : i32
    "tpu.region"() ({
      %run_scoped3A = tpu.sem_alloc : memref<!tpu.dma_semaphore, #tpu.memory_space<semaphore_mem>>
      %dma_start3A_44 = tpu.memref_slice %arg2[%add3A_4] : memref<2048xi32, #tpu.memory_space<hbm>> -> memref<32xi32, #tpu.memory_space<hbm>>
      %dma_start3A_45 = tpu.memref_slice %arg2[%add3A_4] : memref<2048xi32, #tpu.memory_space<hbm>> -> memref<32xi32, #tpu.memory_space<hbm>>
      tpu.enqueue_dma source(%dma_start3A_45 : memref<32xi32, #tpu.memory_space<hbm>>) target(%arg7 : memref<32xi32, #tpu.memory_space<vmem>>) target_semaphore(%run_scoped3A : memref<!tpu.dma_semaphore, #tpu.memory_space<semaphore_mem>>)
      %dma_wait3A_46 = tpu.memref_slice %arg2[%add3A_4] : memref<2048xi32, #tpu.memory_space<hbm>> -> memref<32xi32, #tpu.memory_space<hbm>>
      %dma_wait3A_47 = tpu.memref_slice %arg2[%add3A_4] : memref<2048xi32, #tpu.memory_space<hbm>> -> memref<32xi32, #tpu.memory_space<hbm>>
      tpu.wait_dma2 semaphore(%run_scoped3A : memref<!tpu.dma_semaphore, #tpu.memory_space<semaphore_mem>>) src(%dma_wait3A_47 : memref<32xi32, #tpu.memory_space<hbm>>) dst(%arg7 : memref<32xi32, #tpu.memory_space<vmem>>)
      tpu.yield
    }) : () -> ()
    "tpu.region"() ({
      %run_scoped3A = tpu.sem_alloc : memref<!tpu.dma_semaphore, #tpu.memory_space<semaphore_mem>>
      %dma_start3A_44 = tpu.memref_slice %arg3[%add3A_4] : memref<2048xi32, #tpu.memory_space<hbm>> -> memref<32xi32, #tpu.memory_space<hbm>>
      %dma_start3A_45 = tpu.memref_slice %arg3[%add3A_4] : memref<2048xi32, #tpu.memory_space<hbm>> -> memref<32xi32, #tpu.memory_space<hbm>>
      tpu.enqueue_dma source(%dma_start3A_45 : memref<32xi32, #tpu.memory_space<hbm>>) target(%arg8 : memref<32xi32, #tpu.memory_space<vmem>>) target_semaphore(%run_scoped3A : memref<!tpu.dma_semaphore, #tpu.memory_space<semaphore_mem>>)
      %dma_wait3A_46 = tpu.memref_slice %arg3[%add3A_4] : memref<2048xi32, #tpu.memory_space<hbm>> -> memref<32xi32, #tpu.memory_space<hbm>>
      %dma_wait3A_47 = tpu.memref_slice %arg3[%add3A_4] : memref<2048xi32, #tpu.memory_space<hbm>> -> memref<32xi32, #tpu.memory_space<hbm>>
      tpu.wait_dma2 semaphore(%run_scoped3A : memref<!tpu.dma_semaphore, #tpu.memory_space<semaphore_mem>>) src(%dma_wait3A_47 : memref<32xi32, #tpu.memory_space<hbm>>) dst(%arg8 : memref<32xi32, #tpu.memory_space<vmem>>)
      tpu.yield
    }) : () -> ()
    "tpu.region"() ({
      %run_scoped3A = tpu.sem_alloc : memref<!tpu.dma_semaphore, #tpu.memory_space<semaphore_mem>>
      %dma_start3A_44 = arith.constant 0 : i32
      %dma_start3A_45 = tpu.memref_slice %arg4[%add3A_4, %dma_start3A_44] : memref<2048x1024xf32, #tpu.memory_space<hbm>> -> memref<32x1024xf32, #tpu.memory_space<hbm>>
      %dma_start3A_46 = arith.constant 0 : i32
      %dma_start3A_47 = tpu.memref_slice %arg4[%add3A_4, %dma_start3A_46] : memref<2048x1024xf32, #tpu.memory_space<hbm>> -> memref<32x1024xf32, #tpu.memory_space<hbm>>
      tpu.enqueue_dma source(%dma_start3A_47 : memref<32x1024xf32, #tpu.memory_space<hbm>>) target(%arg9 : memref<32x1024xf32, #tpu.memory_space<vmem>>) target_semaphore(%run_scoped3A : memref<!tpu.dma_semaphore, #tpu.memory_space<semaphore_mem>>)
      %dma_wait3A_48 = arith.constant 0 : i32
      %dma_wait3A_49 = tpu.memref_slice %arg4[%add3A_4, %dma_wait3A_48] : memref<2048x1024xf32, #tpu.memory_space<hbm>> -> memref<32x1024xf32, #tpu.memory_space<hbm>>
      %dma_wait3A_50 = arith.constant 0 : i32
      %dma_wait3A_51 = tpu.memref_slice %arg4[%add3A_4, %dma_wait3A_50] : memref<2048x1024xf32, #tpu.memory_space<hbm>> -> memref<32x1024xf32, #tpu.memory_space<hbm>>
      tpu.wait_dma2 semaphore(%run_scoped3A : memref<!tpu.dma_semaphore, #tpu.memory_space<semaphore_mem>>) src(%dma_wait3A_51 : memref<32x1024xf32, #tpu.memory_space<hbm>>) dst(%arg9 : memref<32x1024xf32, #tpu.memory_space<vmem>>)
      tpu.yield
    }) : () -> ()
    %dma_start3A = arith.constant 0 : i32
    %dma_start3A_5 = arith.constant 0 : i32
    %dma_start3A_6 = tpu.memref_slice %arg5[%dma_start3A, %dma_start3A_5] : memref<6144x1024xf32, #tpu.memory_space<hbm>> -> memref<6144x1024xf32, #tpu.memory_space<hbm>>
    tpu.enqueue_indirect_dma source(%dma_start3A_6 : memref<6144x1024xf32, #tpu.memory_space<hbm>>) target(%arg10 : memref<32x1024xf32, #tpu.memory_space<vmem>>) offsets(%arg7 : memref<32xi32, #tpu.memory_space<vmem>>) semaphore(%arg12 : memref<!tpu.dma_semaphore, #tpu.memory_space<semaphore_mem>>)
    %dma_start3A_7 = arith.constant 0 : i32
    %dma_start3A_8 = arith.constant 0 : i32
    %dma_start3A_9 = tpu.memref_slice %arg5[%dma_start3A_7, %dma_start3A_8] : memref<6144x1024xf32, #tpu.memory_space<hbm>> -> memref<6144x1024xf32, #tpu.memory_space<hbm>>
    tpu.enqueue_indirect_dma source(%dma_start3A_9 : memref<6144x1024xf32, #tpu.memory_space<hbm>>) target(%arg11 : memref<32x1024xf32, #tpu.memory_space<vmem>>) offsets(%arg8 : memref<32xi32, #tpu.memory_space<vmem>>) semaphore(%arg13 : memref<!tpu.dma_semaphore, #tpu.memory_space<semaphore_mem>>)
    %dma_wait3A = arith.constant 0 : i32
    %dma_wait3A_10 = arith.constant 0 : i32
    %dma_wait3A_11 = tpu.memref_slice %arg5[%dma_wait3A, %dma_wait3A_10] : memref<6144x1024xf32, #tpu.memory_space<hbm>> -> memref<6144x1024xf32, #tpu.memory_space<hbm>>
    tpu.wait_indirect_dma semaphore(%arg12 : memref<!tpu.dma_semaphore, #tpu.memory_space<semaphore_mem>>) src(%dma_wait3A_11 : memref<6144x1024xf32, #tpu.memory_space<hbm>>) dst(%arg10 : memref<32x1024xf32, #tpu.memory_space<vmem>>)
    %dma_wait3A_12 = arith.constant 0 : i32
    %dma_wait3A_13 = arith.constant 0 : i32
    %dma_wait3A_14 = tpu.memref_slice %arg5[%dma_wait3A_12, %dma_wait3A_13] : memref<6144x1024xf32, #tpu.memory_space<hbm>> -> memref<6144x1024xf32, #tpu.memory_space<hbm>>
    tpu.wait_indirect_dma semaphore(%arg13 : memref<!tpu.dma_semaphore, #tpu.memory_space<semaphore_mem>>) src(%dma_wait3A_14 : memref<6144x1024xf32, #tpu.memory_space<hbm>>) dst(%arg11 : memref<32x1024xf32, #tpu.memory_space<vmem>>)
    %scan3A = arith.constant 0 : i32
    %scan3A_15 = arith.constant 0 : i32
    %scan3A_16 = arith.constant 2048 : i32
    %scan3A_17 = arith.addi %scan3A_15, %scan3A_16 : i32
    %scan3A_18 = arith.constant 1 : i32
    %scan3A_19 = scf.for %scan3A_44 = %scan3A_15 to %scan3A_17 step %scan3A_18 iter_args(%scan3A_45 = %scan3A) -> (i32)  : i32 {
      %jit3A = arith.constant 64 : i32
      %div3A = arith.divsi %scan3A_44, %jit3A : i32
      %sign3A = arith.constant 0 : i32
      %sign3A_46 = arith.cmpi sgt, %scan3A_44, %sign3A : i32
      %sign3A_47 = arith.extui %sign3A_46 : i1 to i32
      %sign3A_48 = arith.constant 0 : i32
      %sign3A_49 = arith.cmpi slt, %scan3A_44, %sign3A_48 : i32
      %sign3A_50 = arith.extui %sign3A_49 : i1 to i32
      %sign3A_51 = arith.subi %sign3A_47, %sign3A_50 : i32
      %sign3A_52 = arith.constant 0 : i32
      %sign3A_53 = arith.cmpi sgt, %jit3A, %sign3A_52 : i32
      %sign3A_54 = arith.extui %sign3A_53 : i1 to i32
      %sign3A_55 = arith.constant 0 : i32
      %sign3A_56 = arith.cmpi slt, %jit3A, %sign3A_55 : i32
      %sign3A_57 = arith.extui %sign3A_56 : i1 to i32
      %sign3A_58 = arith.subi %sign3A_54, %sign3A_57 : i32
      %ne3A = arith.cmpi ne, %sign3A_51, %sign3A_58 : i32
      %rem3A = arith.remsi %scan3A_44, %jit3A : i32
      %ne3A_59 = arith.constant 0 : i32
      %ne3A_60 = arith.cmpi ne, %rem3A, %ne3A_59 : i32
      %and3A = arith.andi %ne3A, %ne3A_60 : i1
      %sub3A = arith.constant 1 : i32
      %sub3A_61 = arith.subi %div3A, %sub3A : i32
      %select_n3A = arith.select %and3A, %sub3A_61, %div3A : i32
      %jit3A_62 = arith.constant 64 : i32
      %eq3A = arith.constant 0 : i32
      %eq3A_63 = arith.cmpi eq, %jit3A_62, %eq3A : i32
      %jit3A_64 = arith.constant 1 : i32
      %select_n3A_65 = arith.select %eq3A_63, %jit3A_64, %jit3A_62 : i32
      %rem3A_66 = arith.remsi %scan3A_44, %select_n3A_65 : i32
      %ne3A_67 = arith.constant 0 : i32
      %ne3A_68 = arith.cmpi ne, %rem3A_66, %ne3A_67 : i32
      %lt3A = arith.constant 0 : i32
      %lt3A_69 = arith.cmpi slt, %rem3A_66, %lt3A : i32
      %lt3A_70 = arith.constant 0 : i32
      %lt3A_71 = arith.cmpi slt, %select_n3A_65, %lt3A_70 : i32
      %ne3A_72 = arith.xori %lt3A_69, %lt3A_71 : i1
      %and3A_73 = arith.andi %ne3A_72, %ne3A_68 : i1
      %add3A_74 = arith.addi %rem3A_66, %select_n3A_65 : i32
      %select_n3A_75 = arith.select %and3A_73, %add3A_74, %rem3A_66 : i32
      %mul3A_76 = arith.constant 16 : i32
      %mul3A_77 = arith.muli %select_n3A_75, %mul3A_76 : i32
      %get3A = arith.index_cast %select_n3A : i32 to index
      %get3A_78 = arith.index_cast %mul3A_77 : i32 to index
      %get3A_79 = tpu.vector_load %arg9[%get3A, %get3A_78] {strides = array<i32>} : memref<32x1024xf32, #tpu.memory_space<vmem>>, vector<16xf32>,
      %get3A_80 = arith.index_cast %select_n3A : i32 to index
      %get3A_81 = arith.index_cast %mul3A_77 : i32 to index
      %get3A_82 = tpu.vector_load %arg10[%get3A_80, %get3A_81] {strides = array<i32>} : memref<32x1024xf32, #tpu.memory_space<vmem>>, vector<16xf32>,
      %add3A_83 = arith.addf %get3A_79, %get3A_82 : vector<16xf32>
      %get3A_84 = arith.index_cast %select_n3A : i32 to index
      %get3A_85 = arith.index_cast %mul3A_77 : i32 to index
      %get3A_86 = tpu.vector_load %arg11[%get3A_84, %get3A_85] {strides = array<i32>} : memref<32x1024xf32, #tpu.memory_space<vmem>>, vector<16xf32>,
      %add3A_87 = arith.addf %add3A_83, %get3A_86 : vector<16xf32>
      %swap3A = arith.index_cast %select_n3A : i32 to index
      %swap3A_88 = arith.index_cast %mul3A_77 : i32 to index
      %swap3A_89 = tpu.vector_load %arg9[%swap3A, %swap3A_88] {strides = array<i32>} : memref<32x1024xf32, #tpu.memory_space<vmem>>, vector<16xf32>,
      tpu.vector_store %arg9[%swap3A, %swap3A_88], %add3A_87 {strides = array<i32>} : memref<32x1024xf32, #tpu.memory_space<vmem>>, vector<16xf32>,
      %scan3A_90 = arith.constant 0 : i32
      scf.yield %scan3A_90 : i32
    }
    %scan3A_20 = arith.constant 2048 : i32
    "tpu.region"() ({
      %run_scoped3A = tpu.sem_alloc : memref<!tpu.dma_semaphore, #tpu.memory_space<semaphore_mem>>
      %dma_start3A_44 = arith.constant 0 : i32
      %dma_start3A_45 = tpu.memref_slice %arg6[%add3A_4, %dma_start3A_44] : memref<2048x1024xf32, #tpu.memory_space<hbm>> -> memref<32x1024xf32, #tpu.memory_space<hbm>>
      %dma_start3A_46 = arith.constant 0 : i32
      %dma_start3A_47 = tpu.memref_slice %arg6[%add3A_4, %dma_start3A_46] : memref<2048x1024xf32, #tpu.memory_space<hbm>> -> memref<32x1024xf32, #tpu.memory_space<hbm>>
      tpu.enqueue_dma source(%arg9 : memref<32x1024xf32, #tpu.memory_space<vmem>>) target(%dma_start3A_47 : memref<32x1024xf32, #tpu.memory_space<hbm>>) target_semaphore(%run_scoped3A : memref<!tpu.dma_semaphore, #tpu.memory_space<semaphore_mem>>)
      %dma_wait3A_48 = arith.constant 0 : i32
      %dma_wait3A_49 = tpu.memref_slice %arg6[%add3A_4, %dma_wait3A_48] : memref<2048x1024xf32, #tpu.memory_space<hbm>> -> memref<32x1024xf32, #tpu.memory_space<hbm>>
      %dma_wait3A_50 = arith.constant 0 : i32
      %dma_wait3A_51 = tpu.memref_slice %arg6[%add3A_4, %dma_wait3A_50] : memref<2048x1024xf32, #tpu.memory_space<hbm>> -> memref<32x1024xf32, #tpu.memory_space<hbm>>
      tpu.wait_dma2 semaphore(%run_scoped3A : memref<!tpu.dma_semaphore, #tpu.memory_space<semaphore_mem>>) src(%arg9 : memref<32x1024xf32, #tpu.memory_space<vmem>>) dst(%dma_wait3A_51 : memref<32x1024xf32, #tpu.memory_space<hbm>>)
      tpu.yield
    }) : () -> ()
    %mul3A_21 = arith.constant 64 : i32
    %mul3A_22 = arith.muli %add3A, %mul3A_21 : i32
    %add3A_23 = arith.constant 32 : i32
    %add3A_24 = arith.addi %mul3A_22, %add3A_23 : i32
    "tpu.region"() ({
      %run_scoped3A = tpu.sem_alloc : memref<!tpu.dma_semaphore, #tpu.memory_space<semaphore_mem>>
      %dma_start3A_44 = tpu.memref_slice %arg2[%add3A_24] : memref<2048xi32, #tpu.memory_space<hbm>> -> memref<32xi32, #tpu.memory_space<hbm>>
      %dma_start3A_45 = tpu.memref_slice %arg2[%add3A_24] : memref<2048xi32, #tpu.memory_space<hbm>> -> memref<32xi32, #tpu.memory_space<hbm>>
      tpu.enqueue_dma source(%dma_start3A_45 : memref<32xi32, #tpu.memory_space<hbm>>) target(%arg7 : memref<32xi32, #tpu.memory_space<vmem>>) target_semaphore(%run_scoped3A : memref<!tpu.dma_semaphore, #tpu.memory_space<semaphore_mem>>)
      %dma_wait3A_46 = tpu.memref_slice %arg2[%add3A_24] : memref<2048xi32, #tpu.memory_space<hbm>> -> memref<32xi32, #tpu.memory_space<hbm>>
      %dma_wait3A_47 = tpu.memref_slice %arg2[%add3A_24] : memref<2048xi32, #tpu.memory_space<hbm>> -> memref<32xi32, #tpu.memory_space<hbm>>
      tpu.wait_dma2 semaphore(%run_scoped3A : memref<!tpu.dma_semaphore, #tpu.memory_space<semaphore_mem>>) src(%dma_wait3A_47 : memref<32xi32, #tpu.memory_space<hbm>>) dst(%arg7 : memref<32xi32, #tpu.memory_space<vmem>>)
      tpu.yield
    }) : () -> ()
    "tpu.region"() ({
      %run_scoped3A = tpu.sem_alloc : memref<!tpu.dma_semaphore, #tpu.memory_space<semaphore_mem>>
      %dma_start3A_44 = tpu.memref_slice %arg3[%add3A_24] : memref<2048xi32, #tpu.memory_space<hbm>> -> memref<32xi32, #tpu.memory_space<hbm>>
      %dma_start3A_45 = tpu.memref_slice %arg3[%add3A_24] : memref<2048xi32, #tpu.memory_space<hbm>> -> memref<32xi32, #tpu.memory_space<hbm>>
      tpu.enqueue_dma source(%dma_start3A_45 : memref<32xi32, #tpu.memory_space<hbm>>) target(%arg8 : memref<32xi32, #tpu.memory_space<vmem>>) target_semaphore(%run_scoped3A : memref<!tpu.dma_semaphore, #tpu.memory_space<semaphore_mem>>)
      %dma_wait3A_46 = tpu.memref_slice %arg3[%add3A_24] : memref<2048xi32, #tpu.memory_space<hbm>> -> memref<32xi32, #tpu.memory_space<hbm>>
      %dma_wait3A_47 = tpu.memref_slice %arg3[%add3A_24] : memref<2048xi32, #tpu.memory_space<hbm>> -> memref<32xi32, #tpu.memory_space<hbm>>
      tpu.wait_dma2 semaphore(%run_scoped3A : memref<!tpu.dma_semaphore, #tpu.memory_space<semaphore_mem>>) src(%dma_wait3A_47 : memref<32xi32, #tpu.memory_space<hbm>>) dst(%arg8 : memref<32xi32, #tpu.memory_space<vmem>>)
      tpu.yield
    }) : () -> ()
    "tpu.region"() ({
      %run_scoped3A = tpu.sem_alloc : memref<!tpu.dma_semaphore, #tpu.memory_space<semaphore_mem>>
      %dma_start3A_44 = arith.constant 0 : i32
      %dma_start3A_45 = tpu.memref_slice %arg4[%add3A_24, %dma_start3A_44] : memref<2048x1024xf32, #tpu.memory_space<hbm>> -> memref<32x1024xf32, #tpu.memory_space<hbm>>
      %dma_start3A_46 = arith.constant 0 : i32
      %dma_start3A_47 = tpu.memref_slice %arg4[%add3A_24, %dma_start3A_46] : memref<2048x1024xf32, #tpu.memory_space<hbm>> -> memref<32x1024xf32, #tpu.memory_space<hbm>>
      tpu.enqueue_dma source(%dma_start3A_47 : memref<32x1024xf32, #tpu.memory_space<hbm>>) target(%arg9 : memref<32x1024xf32, #tpu.memory_space<vmem>>) target_semaphore(%run_scoped3A : memref<!tpu.dma_semaphore, #tpu.memory_space<semaphore_mem>>)
      %dma_wait3A_48 = arith.constant 0 : i32
      %dma_wait3A_49 = tpu.memref_slice %arg4[%add3A_24, %dma_wait3A_48] : memref<2048x1024xf32, #tpu.memory_space<hbm>> -> memref<32x1024xf32, #tpu.memory_space<hbm>>
      %dma_wait3A_50 = arith.constant 0 : i32
      %dma_wait3A_51 = tpu.memref_slice %arg4[%add3A_24, %dma_wait3A_50] : memref<2048x1024xf32, #tpu.memory_space<hbm>> -> memref<32x1024xf32, #tpu.memory_space<hbm>>
      tpu.wait_dma2 semaphore(%run_scoped3A : memref<!tpu.dma_semaphore, #tpu.memory_space<semaphore_mem>>) src(%dma_wait3A_51 : memref<32x1024xf32, #tpu.memory_space<hbm>>) dst(%arg9 : memref<32x1024xf32, #tpu.memory_space<vmem>>)
      tpu.yield
    }) : () -> ()
    %dma_start3A_25 = arith.constant 0 : i32
    %dma_start3A_26 = arith.constant 0 : i32
    %dma_start3A_27 = tpu.memref_slice %arg5[%dma_start3A_25, %dma_start3A_26] : memref<6144x1024xf32, #tpu.memory_space<hbm>> -> memref<6144x1024xf32, #tpu.memory_space<hbm>>
    tpu.enqueue_indirect_dma source(%dma_start3A_27 : memref<6144x1024xf32, #tpu.memory_space<hbm>>) target(%arg10 : memref<32x1024xf32, #tpu.memory_space<vmem>>) offsets(%arg7 : memref<32xi32, #tpu.memory_space<vmem>>) semaphore(%arg12 : memref<!tpu.dma_semaphore, #tpu.memory_space<semaphore_mem>>)
    %dma_start3A_28 = arith.constant 0 : i32
    %dma_start3A_29 = arith.constant 0 : i32
    %dma_start3A_30 = tpu.memref_slice %arg5[%dma_start3A_28, %dma_start3A_29] : memref<6144x1024xf32, #tpu.memory_space<hbm>> -> memref<6144x1024xf32, #tpu.memory_space<hbm>>
    tpu.enqueue_indirect_dma source(%dma_start3A_30 : memref<6144x1024xf32, #tpu.memory_space<hbm>>) target(%arg11 : memref<32x1024xf32, #tpu.memory_space<vmem>>) offsets(%arg8 : memref<32xi32, #tpu.memory_space<vmem>>) semaphore(%arg13 : memref<!tpu.dma_semaphore, #tpu.memory_space<semaphore_mem>>)
    %dma_wait3A_31 = arith.constant 0 : i32
    %dma_wait3A_32 = arith.constant 0 : i32
    %dma_wait3A_33 = tpu.memref_slice %arg5[%dma_wait3A_31, %dma_wait3A_32] : memref<6144x1024xf32, #tpu.memory_space<hbm>> -> memref<6144x1024xf32, #tpu.memory_space<hbm>>
    tpu.wait_indirect_dma semaphore(%arg12 : memref<!tpu.dma_semaphore, #tpu.memory_space<semaphore_mem>>) src(%dma_wait3A_33 : memref<6144x1024xf32, #tpu.memory_space<hbm>>) dst(%arg10 : memref<32x1024xf32, #tpu.memory_space<vmem>>)
    %dma_wait3A_34 = arith.constant 0 : i32
    %dma_wait3A_35 = arith.constant 0 : i32
    %dma_wait3A_36 = tpu.memref_slice %arg5[%dma_wait3A_34, %dma_wait3A_35] : memref<6144x1024xf32, #tpu.memory_space<hbm>> -> memref<6144x1024xf32, #tpu.memory_space<hbm>>
    tpu.wait_indirect_dma semaphore(%arg13 : memref<!tpu.dma_semaphore, #tpu.memory_space<semaphore_mem>>) src(%dma_wait3A_36 : memref<6144x1024xf32, #tpu.memory_space<hbm>>) dst(%arg11 : memref<32x1024xf32, #tpu.memory_space<vmem>>)
    %scan3A_37 = arith.constant 0 : i32
    %scan3A_38 = arith.constant 0 : i32
    %scan3A_39 = arith.constant 2048 : i32
    %scan3A_40 = arith.addi %scan3A_38, %scan3A_39 : i32
    %scan3A_41 = arith.constant 1 : i32
    %scan3A_42 = scf.for %scan3A_44 = %scan3A_38 to %scan3A_40 step %scan3A_41 iter_args(%scan3A_45 = %scan3A_37) -> (i32)  : i32 {
      %jit3A = arith.constant 64 : i32
      %div3A = arith.divsi %scan3A_44, %jit3A : i32
      %sign3A = arith.constant 0 : i32
      %sign3A_46 = arith.cmpi sgt, %scan3A_44, %sign3A : i32
      %sign3A_47 = arith.extui %sign3A_46 : i1 to i32
      %sign3A_48 = arith.constant 0 : i32
      %sign3A_49 = arith.cmpi slt, %scan3A_44, %sign3A_48 : i32
      %sign3A_50 = arith.extui %sign3A_49 : i1 to i32
      %sign3A_51 = arith.subi %sign3A_47, %sign3A_50 : i32
      %sign3A_52 = arith.constant 0 : i32
      %sign3A_53 = arith.cmpi sgt, %jit3A, %sign3A_52 : i32
      %sign3A_54 = arith.extui %sign3A_53 : i1 to i32
      %sign3A_55 = arith.constant 0 : i32
      %sign3A_56 = arith.cmpi slt, %jit3A, %sign3A_55 : i32
      %sign3A_57 = arith.extui %sign3A_56 : i1 to i32
      %sign3A_58 = arith.subi %sign3A_54, %sign3A_57 : i32
      %ne3A = arith.cmpi ne, %sign3A_51, %sign3A_58 : i32
      %rem3A = arith.remsi %scan3A_44, %jit3A : i32
      %ne3A_59 = arith.constant 0 : i32
      %ne3A_60 = arith.cmpi ne, %rem3A, %ne3A_59 : i32
      %and3A = arith.andi %ne3A, %ne3A_60 : i1
      %sub3A = arith.constant 1 : i32
      %sub3A_61 = arith.subi %div3A, %sub3A : i32
      %select_n3A = arith.select %and3A, %sub3A_61, %div3A : i32
      %jit3A_62 = arith.constant 64 : i32
      %eq3A = arith.constant 0 : i32
      %eq3A_63 = arith.cmpi eq, %jit3A_62, %eq3A : i32
      %jit3A_64 = arith.constant 1 : i32
      %select_n3A_65 = arith.select %eq3A_63, %jit3A_64, %jit3A_62 : i32
      %rem3A_66 = arith.remsi %scan3A_44, %select_n3A_65 : i32
      %ne3A_67 = arith.constant 0 : i32
      %ne3A_68 = arith.cmpi ne, %rem3A_66, %ne3A_67 : i32
      %lt3A = arith.constant 0 : i32
      %lt3A_69 = arith.cmpi slt, %rem3A_66, %lt3A : i32
      %lt3A_70 = arith.constant 0 : i32
      %lt3A_71 = arith.cmpi slt, %select_n3A_65, %lt3A_70 : i32
      %ne3A_72 = arith.xori %lt3A_69, %lt3A_71 : i1
      %and3A_73 = arith.andi %ne3A_72, %ne3A_68 : i1
      %add3A_74 = arith.addi %rem3A_66, %select_n3A_65 : i32
      %select_n3A_75 = arith.select %and3A_73, %add3A_74, %rem3A_66 : i32
      %mul3A_76 = arith.constant 16 : i32
      %mul3A_77 = arith.muli %select_n3A_75, %mul3A_76 : i32
      %get3A = arith.index_cast %select_n3A : i32 to index
      %get3A_78 = arith.index_cast %mul3A_77 : i32 to index
      %get3A_79 = tpu.vector_load %arg9[%get3A, %get3A_78] {strides = array<i32>} : memref<32x1024xf32, #tpu.memory_space<vmem>>, vector<16xf32>,
      %get3A_80 = arith.index_cast %select_n3A : i32 to index
      %get3A_81 = arith.index_cast %mul3A_77 : i32 to index
      %get3A_82 = tpu.vector_load %arg10[%get3A_80, %get3A_81] {strides = array<i32>} : memref<32x1024xf32, #tpu.memory_space<vmem>>, vector<16xf32>,
      %add3A_83 = arith.addf %get3A_79, %get3A_82 : vector<16xf32>
      %get3A_84 = arith.index_cast %select_n3A : i32 to index
      %get3A_85 = arith.index_cast %mul3A_77 : i32 to index
      %get3A_86 = tpu.vector_load %arg11[%get3A_84, %get3A_85] {strides = array<i32>} : memref<32x1024xf32, #tpu.memory_space<vmem>>, vector<16xf32>,
      %add3A_87 = arith.addf %add3A_83, %get3A_86 : vector<16xf32>
      %swap3A = arith.index_cast %select_n3A : i32 to index
      %swap3A_88 = arith.index_cast %mul3A_77 : i32 to index
      %swap3A_89 = tpu.vector_load %arg9[%swap3A, %swap3A_88] {strides = array<i32>} : memref<32x1024xf32, #tpu.memory_space<vmem>>, vector<16xf32>,
      tpu.vector_store %arg9[%swap3A, %swap3A_88], %add3A_87 {strides = array<i32>} : memref<32x1024xf32, #tpu.memory_space<vmem>>, vector<16xf32>,
      %scan3A_90 = arith.constant 0 : i32
      scf.yield %scan3A_90 : i32
    }
    %scan3A_43 = arith.constant 2048 : i32
    "tpu.region"() ({
      %run_scoped3A = tpu.sem_alloc : memref<!tpu.dma_semaphore, #tpu.memory_space<semaphore_mem>>
      %dma_start3A_44 = arith.constant 0 : i32
      %dma_start3A_45 = tpu.memref_slice %arg6[%add3A_24, %dma_start3A_44] : memref<2048x1024xf32, #tpu.memory_space<hbm>> -> memref<32x1024xf32, #tpu.memory_space<hbm>>
      %dma_start3A_46 = arith.constant 0 : i32
      %dma_start3A_47 = tpu.memref_slice %arg6[%add3A_24, %dma_start3A_46] : memref<2048x1024xf32, #tpu.memory_space<hbm>> -> memref<32x1024xf32, #tpu.memory_space<hbm>>
      tpu.enqueue_dma source(%arg9 : memref<32x1024xf32, #tpu.memory_space<vmem>>) target(%dma_start3A_47 : memref<32x1024xf32, #tpu.memory_space<hbm>>) target_semaphore(%run_scoped3A : memref<!tpu.dma_semaphore, #tpu.memory_space<semaphore_mem>>)
      %dma_wait3A_48 = arith.constant 0 : i32
      %dma_wait3A_49 = tpu.memref_slice %arg6[%add3A_24, %dma_wait3A_48] : memref<2048x1024xf32, #tpu.memory_space<hbm>> -> memref<32x1024xf32, #tpu.memory_space<hbm>>
      %dma_wait3A_50 = arith.constant 0 : i32
      %dma_wait3A_51 = tpu.memref_slice %arg6[%add3A_24, %dma_wait3A_50] : memref<2048x1024xf32, #tpu.memory_space<hbm>> -> memref<32x1024xf32, #tpu.memory_space<hbm>>
      tpu.wait_dma2 semaphore(%run_scoped3A : memref<!tpu.dma_semaphore, #tpu.memory_space<semaphore_mem>>) src(%arg9 : memref<32x1024xf32, #tpu.memory_space<vmem>>) dst(%dma_wait3A_51 : memref<32x1024xf32, #tpu.memory_space<hbm>>)
      tpu.yield
    }) : () -> ()
    return
  }
}

#map = affine_map<(d0, d1) -> (0)>
#map1 = affine_map<(d0, d1) -> (0, 0)>
module attributes {stable_mosaic.version = 14 : i64} {
  func.func @scd(%arg0: i32, %arg1: i32, %arg2: memref<4096xi32, #tpu.memory_space<hbm>>, %arg3: memref<4096xf32, #tpu.memory_space<hbm>>, %arg4: memref<2048x1024xf32, #tpu.memory_space<hbm>>, %arg5: memref<6144x1024xf32, #tpu.memory_space<hbm>>, %arg6: memref<6144xf32, #tpu.memory_space<hbm>>, %arg7: memref<4096xi32, #tpu.memory_space<vmem>>, %arg8: memref<4096xf32, #tpu.memory_space<vmem>>, %arg9: memref<96xi32, #tpu.memory_space<vmem>>, %arg10: memref<96xi32, #tpu.memory_space<vmem>>, %arg11: memref<192xf32, #tpu.memory_space<vmem>>, %arg12: memref<96x1024xf32, #tpu.memory_space<vmem>>, %arg13: memref<!tpu.dma_semaphore, #tpu.memory_space<semaphore_mem>>) attributes {dimension_semantics = [#tpu.dimension_semantics<core_parallel>, #tpu.dimension_semantics<subcore_parallel>], iteration_bounds = array<i64: 2, 16>, scalar_prefetch = 0 : i64, scratch_operands = 7 : i64, tpu.core_type = #tpu.core_type<sc_vector_subcore>, window_params = [{transform_indices = #map}, {transform_indices = #map}, {transform_indices = #map1}, {transform_indices = #map1}, {transform_indices = #map}]} {
    %mul3A = arith.constant 2 : i32
    %mul3A_0 = arith.muli %arg1, %mul3A : i32
    %add3A = arith.addi %mul3A_0, %arg0 : i32
    %mul3A_1 = arith.constant 192 : i32
    %mul3A_2 = arith.muli %add3A, %mul3A_1 : i32
    "tpu.region"() ({
      %run_scoped3A = tpu.sem_alloc : memref<!tpu.dma_semaphore, #tpu.memory_space<semaphore_mem>>
      tpu.enqueue_dma source(%arg2 : memref<4096xi32, #tpu.memory_space<hbm>>) target(%arg7 : memref<4096xi32, #tpu.memory_space<vmem>>) target_semaphore(%run_scoped3A : memref<!tpu.dma_semaphore, #tpu.memory_space<semaphore_mem>>)
      tpu.wait_dma2 semaphore(%run_scoped3A : memref<!tpu.dma_semaphore, #tpu.memory_space<semaphore_mem>>) src(%arg2 : memref<4096xi32, #tpu.memory_space<hbm>>) dst(%arg7 : memref<4096xi32, #tpu.memory_space<vmem>>)
      tpu.yield
    }) : () -> ()
    "tpu.region"() ({
      %run_scoped3A = tpu.sem_alloc : memref<!tpu.dma_semaphore, #tpu.memory_space<semaphore_mem>>
      tpu.enqueue_dma source(%arg3 : memref<4096xf32, #tpu.memory_space<hbm>>) target(%arg8 : memref<4096xf32, #tpu.memory_space<vmem>>) target_semaphore(%run_scoped3A : memref<!tpu.dma_semaphore, #tpu.memory_space<semaphore_mem>>)
      tpu.wait_dma2 semaphore(%run_scoped3A : memref<!tpu.dma_semaphore, #tpu.memory_space<semaphore_mem>>) src(%arg3 : memref<4096xf32, #tpu.memory_space<hbm>>) dst(%arg8 : memref<4096xf32, #tpu.memory_space<vmem>>)
      tpu.yield
    }) : () -> ()
    %broadcast_in_dim3A = arith.constant 0 : i32
    %broadcast_in_dim3A_3 = vector.broadcast %broadcast_in_dim3A : i32 to vector<16xi32>
    %broadcast_in_dim3A_4 = arith.constant 0.000000e+00 : f32
    %broadcast_in_dim3A_5 = vector.broadcast %broadcast_in_dim3A_4 : f32 to vector<16xf32>
    %scan3A = arith.constant 0 : i32
    %scan3A_6 = arith.constant 0 : i32
    %scan3A_7 = arith.constant 6 : i32
    %scan3A_8 = arith.addi %scan3A_6, %scan3A_7 : i32
    %scan3A_9 = arith.constant 1 : i32
    %scan3A_10 = scf.for %scan3A_84 = %scan3A_6 to %scan3A_8 step %scan3A_9 iter_args(%scan3A_85 = %scan3A) -> (i32)  : i32 {
      %mul3A_86 = arith.constant 16 : i32
      %mul3A_87 = arith.muli %scan3A_84, %mul3A_86 : i32
      %swap3A = arith.index_cast %mul3A_87 : i32 to index
      %swap3A_88 = tpu.vector_load %arg9[%swap3A] {strides = array<i32>} : memref<96xi32, #tpu.memory_space<vmem>>, vector<16xi32>,
      tpu.vector_store %arg9[%swap3A], %broadcast_in_dim3A_3 {strides = array<i32>} : memref<96xi32, #tpu.memory_space<vmem>>, vector<16xi32>,
      %mul3A_89 = arith.constant 16 : i32
      %mul3A_90 = arith.muli %scan3A_84, %mul3A_89 : i32
      %swap3A_91 = arith.index_cast %mul3A_90 : i32 to index
      %swap3A_92 = tpu.vector_load %arg10[%swap3A_91] {strides = array<i32>} : memref<96xi32, #tpu.memory_space<vmem>>, vector<16xi32>,
      tpu.vector_store %arg10[%swap3A_91], %broadcast_in_dim3A_3 {strides = array<i32>} : memref<96xi32, #tpu.memory_space<vmem>>, vector<16xi32>,
      %scan3A_93 = arith.constant 0 : i32
      scf.yield %scan3A_93 : i32
    }
    %scan3A_11 = arith.constant 6 : i32
    %scan3A_12 = arith.constant 0 : i32
    %scan3A_13 = arith.constant 0 : i32
    %scan3A_14 = arith.constant 12 : i32
    %scan3A_15 = arith.addi %scan3A_13, %scan3A_14 : i32
    %scan3A_16 = arith.constant 1 : i32
    %scan3A_17 = scf.for %scan3A_84 = %scan3A_13 to %scan3A_15 step %scan3A_16 iter_args(%scan3A_85 = %scan3A_12) -> (i32)  : i32 {
      %mul3A_86 = arith.constant 16 : i32
      %mul3A_87 = arith.muli %scan3A_84, %mul3A_86 : i32
      %swap3A = arith.index_cast %mul3A_87 : i32 to index
      %swap3A_88 = tpu.vector_load %arg11[%swap3A] {strides = array<i32>} : memref<192xf32, #tpu.memory_space<vmem>>, vector<16xf32>,
      tpu.vector_store %arg11[%swap3A], %broadcast_in_dim3A_5 {strides = array<i32>} : memref<192xf32, #tpu.memory_space<vmem>>, vector<16xf32>,
      %scan3A_89 = arith.constant 0 : i32
      scf.yield %scan3A_89 : i32
    }
    %scan3A_18 = arith.constant 12 : i32
    %iota3A = tpu.iota {dimensions = array<i32: 0>} : vector<16xi32>
    %scan3A_19 = arith.constant 0 : i32
    %scan3A_20 = arith.constant 0 : i32
    %mul3A_21 = arith.constant 16 : i32
    %mul3A_22 = arith.muli %scan3A_20, %mul3A_21 : i32
    %get3A = arith.index_cast %mul3A_22 : i32 to index
    %get3A_23 = tpu.vector_load %arg7[%get3A] {strides = array<i32>} : memref<4096xi32, #tpu.memory_space<vmem>>, vector<16xi32>,
    %ge3A = vector.broadcast %mul3A_2 : i32 to vector<16xi32>
    %ge3A_24 = arith.cmpi sge, %get3A_23, %ge3A : vector<16xi32>
    %add3A_25 = arith.constant 96 : i32
    %add3A_26 = arith.addi %mul3A_2, %add3A_25 : i32
    %lt3A = vector.broadcast %add3A_26 : i32 to vector<16xi32>
    %lt3A_27 = arith.cmpi slt, %get3A_23, %lt3A : vector<16xi32>
    %and3A = arith.andi %ge3A_24, %lt3A_27 : vector<16xi1>
    %add3A_28 = arith.constant 96 : i32
    %add3A_29 = arith.addi %mul3A_2, %add3A_28 : i32
    %ge3A_30 = vector.broadcast %add3A_29 : i32 to vector<16xi32>
    %ge3A_31 = arith.cmpi sge, %get3A_23, %ge3A_30 : vector<16xi32>
    %add3A_32 = arith.constant 192 : i32
    %add3A_33 = arith.addi %mul3A_2, %add3A_32 : i32
    %lt3A_34 = vector.broadcast %add3A_33 : i32 to vector<16xi32>
    %lt3A_35 = arith.cmpi slt, %get3A_23, %lt3A_34 : vector<16xi32>
    %and3A_36 = arith.andi %ge3A_31, %lt3A_35 : vector<16xi1>
    %sub3A = vector.broadcast %mul3A_2 : i32 to vector<16xi32>
    %sub3A_37 = arith.subi %get3A_23, %sub3A : vector<16xi32>
    %jit3A = arith.constant 0 : i32
    %jit3A_38 = arith.constant 95 : i32
    %max3A = vector.broadcast %jit3A : i32 to vector<16xi32>
    %max3A_39 = arith.maxsi %max3A, %sub3A_37 : vector<16xi32>
    %min3A = vector.broadcast %jit3A_38 : i32 to vector<16xi32>
    %min3A_40 = arith.minsi %min3A, %max3A_39 : vector<16xi32>
    %add3A_41 = arith.constant 96 : i32
    %add3A_42 = arith.addi %mul3A_2, %add3A_41 : i32
    %sub3A_43 = vector.broadcast %add3A_42 : i32 to vector<16xi32>
    %sub3A_44 = arith.subi %get3A_23, %sub3A_43 : vector<16xi32>
    %jit3A_45 = arith.constant 0 : i32
    %jit3A_46 = arith.constant 95 : i32
    %max3A_47 = vector.broadcast %jit3A_45 : i32 to vector<16xi32>
    %max3A_48 = arith.maxsi %max3A_47, %sub3A_44 : vector<16xi32>
    %min3A_49 = vector.broadcast %jit3A_46 : i32 to vector<16xi32>
    %min3A_50 = arith.minsi %min3A_49, %max3A_48 : vector<16xi32>
    %sub3A_51 = vector.broadcast %mul3A_2 : i32 to vector<16xi32>
    %sub3A_52 = arith.subi %get3A_23, %sub3A_51 : vector<16xi32>
    %jit3A_53 = arith.constant 0 : i32
    %jit3A_54 = arith.constant 191 : i32
    %max3A_55 = vector.broadcast %jit3A_53 : i32 to vector<16xi32>
    %max3A_56 = arith.maxsi %max3A_55, %sub3A_52 : vector<16xi32>
    %min3A_57 = vector.broadcast %jit3A_54 : i32 to vector<16xi32>
    %min3A_58 = arith.minsi %min3A_57, %max3A_56 : vector<16xi32>
    %mul3A_59 = arith.constant 16 : i32
    %mul3A_60 = arith.muli %scan3A_20, %mul3A_59 : i32
    %add3A_61 = vector.broadcast %mul3A_60 : i32 to vector<16xi32>
    %add3A_62 = arith.addi %iota3A, %add3A_61 : vector<16xi32>
    %and3A_63 = arith.constant 2047 : i32
    %and3A_64 = vector.broadcast %and3A_63 : i32 to vector<16xi32>
    %and3A_65 = arith.andi %add3A_62, %and3A_64 : vector<16xi32>
    tpu.vector_store_idx %arg9[%min3A_40], %and3A_65 masked %and3A : memref<96xi32, #tpu.memory_space<vmem>>[vector<16xi32>], vector<16xi32>, vector<16xi1>
    tpu.vector_store_idx %arg10[%min3A_50], %and3A_65 masked %and3A_36 : memref<96xi32, #tpu.memory_space<vmem>>[vector<16xi32>], vector<16xi32>, vector<16xi1>
    %mul3A_66 = arith.constant 16 : i32
    %mul3A_67 = arith.muli %scan3A_20, %mul3A_66 : i32
    %get3A_68 = arith.index_cast %mul3A_67 : i32 to index
    %get3A_69 = tpu.vector_load %arg8[%get3A_68] {strides = array<i32>} : memref<4096xf32, #tpu.memory_space<vmem>>, vector<16xf32>,
    %or3A = arith.ori %and3A, %and3A_36 : vector<16xi1>
    tpu.vector_store_idx %arg11[%min3A_58], %get3A_69 masked %or3A : memref<192xf32, #tpu.memory_space<vmem>>[vector<16xi32>], vector<16xf32>, vector<16xi1>
    %scan3A_70 = arith.constant 0 : i32
    %scan3A_71 = arith.constant 1 : i32
    %dma_start3A = arith.constant 0 : i32
    %dma_start3A_72 = arith.constant 0 : i32
    %dma_start3A_73 = tpu.memref_slice %arg4[%dma_start3A, %dma_start3A_72] : memref<2048x1024xf32, #tpu.memory_space<hbm>> -> memref<2048x1024xf32, #tpu.memory_space<hbm>>
    tpu.enqueue_indirect_dma source(%dma_start3A_73 : memref<2048x1024xf32, #tpu.memory_space<hbm>>) target(%arg12 : memref<96x1024xf32, #tpu.memory_space<vmem>>) offsets(%arg9 : memref<96xi32, #tpu.memory_space<vmem>>) semaphore(%arg13 : memref<!tpu.dma_semaphore, #tpu.memory_space<semaphore_mem>>)
    %dma_wait3A = arith.constant 0 : i32
    %dma_wait3A_74 = arith.constant 0 : i32
    %dma_wait3A_75 = tpu.memref_slice %arg4[%dma_wait3A, %dma_wait3A_74] : memref<2048x1024xf32, #tpu.memory_space<hbm>> -> memref<2048x1024xf32, #tpu.memory_space<hbm>>
    tpu.wait_indirect_dma semaphore(%arg13 : memref<!tpu.dma_semaphore, #tpu.memory_space<semaphore_mem>>) src(%dma_wait3A_75 : memref<2048x1024xf32, #tpu.memory_space<hbm>>) dst(%arg12 : memref<96x1024xf32, #tpu.memory_space<vmem>>)
    "tpu.region"() ({
      %run_scoped3A = tpu.sem_alloc : memref<!tpu.dma_semaphore, #tpu.memory_space<semaphore_mem>>
      %dma_start3A_84 = arith.constant 0 : i32
      %dma_start3A_85 = tpu.memref_slice %arg5[%mul3A_2, %dma_start3A_84] : memref<6144x1024xf32, #tpu.memory_space<hbm>> -> memref<96x1024xf32, #tpu.memory_space<hbm>>
      %dma_start3A_86 = arith.constant 0 : i32
      %dma_start3A_87 = tpu.memref_slice %arg5[%mul3A_2, %dma_start3A_86] : memref<6144x1024xf32, #tpu.memory_space<hbm>> -> memref<96x1024xf32, #tpu.memory_space<hbm>>
      tpu.enqueue_dma source(%arg12 : memref<96x1024xf32, #tpu.memory_space<vmem>>) target(%dma_start3A_87 : memref<96x1024xf32, #tpu.memory_space<hbm>>) target_semaphore(%run_scoped3A : memref<!tpu.dma_semaphore, #tpu.memory_space<semaphore_mem>>)
      %dma_wait3A_88 = arith.constant 0 : i32
      %dma_wait3A_89 = tpu.memref_slice %arg5[%mul3A_2, %dma_wait3A_88] : memref<6144x1024xf32, #tpu.memory_space<hbm>> -> memref<96x1024xf32, #tpu.memory_space<hbm>>
      %dma_wait3A_90 = arith.constant 0 : i32
      %dma_wait3A_91 = tpu.memref_slice %arg5[%mul3A_2, %dma_wait3A_90] : memref<6144x1024xf32, #tpu.memory_space<hbm>> -> memref<96x1024xf32, #tpu.memory_space<hbm>>
      tpu.wait_dma2 semaphore(%run_scoped3A : memref<!tpu.dma_semaphore, #tpu.memory_space<semaphore_mem>>) src(%arg12 : memref<96x1024xf32, #tpu.memory_space<vmem>>) dst(%dma_wait3A_91 : memref<96x1024xf32, #tpu.memory_space<hbm>>)
      tpu.yield
    }) : () -> ()
    %dma_start3A_76 = arith.constant 0 : i32
    %dma_start3A_77 = arith.constant 0 : i32
    %dma_start3A_78 = tpu.memref_slice %arg4[%dma_start3A_76, %dma_start3A_77] : memref<2048x1024xf32, #tpu.memory_space<hbm>> -> memref<2048x1024xf32, #tpu.memory_space<hbm>>
    tpu.enqueue_indirect_dma source(%dma_start3A_78 : memref<2048x1024xf32, #tpu.memory_space<hbm>>) target(%arg12 : memref<96x1024xf32, #tpu.memory_space<vmem>>) offsets(%arg10 : memref<96xi32, #tpu.memory_space<vmem>>) semaphore(%arg13 : memref<!tpu.dma_semaphore, #tpu.memory_space<semaphore_mem>>)
    %dma_wait3A_79 = arith.constant 0 : i32
    %dma_wait3A_80 = arith.constant 0 : i32
    %dma_wait3A_81 = tpu.memref_slice %arg4[%dma_wait3A_79, %dma_wait3A_80] : memref<2048x1024xf32, #tpu.memory_space<hbm>> -> memref<2048x1024xf32, #tpu.memory_space<hbm>>
    tpu.wait_indirect_dma semaphore(%arg13 : memref<!tpu.dma_semaphore, #tpu.memory_space<semaphore_mem>>) src(%dma_wait3A_81 : memref<2048x1024xf32, #tpu.memory_space<hbm>>) dst(%arg12 : memref<96x1024xf32, #tpu.memory_space<vmem>>)
    %add3A_82 = arith.constant 96 : i32
    %add3A_83 = arith.addi %mul3A_2, %add3A_82 : i32
    "tpu.region"() ({
      %run_scoped3A = tpu.sem_alloc : memref<!tpu.dma_semaphore, #tpu.memory_space<semaphore_mem>>
      %dma_start3A_84 = arith.constant 0 : i32
      %dma_start3A_85 = tpu.memref_slice %arg5[%add3A_83, %dma_start3A_84] : memref<6144x1024xf32, #tpu.memory_space<hbm>> -> memref<96x1024xf32, #tpu.memory_space<hbm>>
      %dma_start3A_86 = arith.constant 0 : i32
      %dma_start3A_87 = tpu.memref_slice %arg5[%add3A_83, %dma_start3A_86] : memref<6144x1024xf32, #tpu.memory_space<hbm>> -> memref<96x1024xf32, #tpu.memory_space<hbm>>
      tpu.enqueue_dma source(%arg12 : memref<96x1024xf32, #tpu.memory_space<vmem>>) target(%dma_start3A_87 : memref<96x1024xf32, #tpu.memory_space<hbm>>) target_semaphore(%run_scoped3A : memref<!tpu.dma_semaphore, #tpu.memory_space<semaphore_mem>>)
      %dma_wait3A_88 = arith.constant 0 : i32
      %dma_wait3A_89 = tpu.memref_slice %arg5[%add3A_83, %dma_wait3A_88] : memref<6144x1024xf32, #tpu.memory_space<hbm>> -> memref<96x1024xf32, #tpu.memory_space<hbm>>
      %dma_wait3A_90 = arith.constant 0 : i32
      %dma_wait3A_91 = tpu.memref_slice %arg5[%add3A_83, %dma_wait3A_90] : memref<6144x1024xf32, #tpu.memory_space<hbm>> -> memref<96x1024xf32, #tpu.memory_space<hbm>>
      tpu.wait_dma2 semaphore(%run_scoped3A : memref<!tpu.dma_semaphore, #tpu.memory_space<semaphore_mem>>) src(%arg12 : memref<96x1024xf32, #tpu.memory_space<vmem>>) dst(%dma_wait3A_91 : memref<96x1024xf32, #tpu.memory_space<hbm>>)
      tpu.yield
    }) : () -> ()
    "tpu.region"() ({
      %run_scoped3A = tpu.sem_alloc : memref<!tpu.dma_semaphore, #tpu.memory_space<semaphore_mem>>
      %dma_start3A_84 = tpu.memref_slice %arg6[%mul3A_2] : memref<6144xf32, #tpu.memory_space<hbm>> -> memref<192xf32, #tpu.memory_space<hbm>>
      %dma_start3A_85 = tpu.memref_slice %arg6[%mul3A_2] : memref<6144xf32, #tpu.memory_space<hbm>> -> memref<192xf32, #tpu.memory_space<hbm>>
      tpu.enqueue_dma source(%arg11 : memref<192xf32, #tpu.memory_space<vmem>>) target(%dma_start3A_85 : memref<192xf32, #tpu.memory_space<hbm>>) target_semaphore(%run_scoped3A : memref<!tpu.dma_semaphore, #tpu.memory_space<semaphore_mem>>)
      %dma_wait3A_86 = tpu.memref_slice %arg6[%mul3A_2] : memref<6144xf32, #tpu.memory_space<hbm>> -> memref<192xf32, #tpu.memory_space<hbm>>
      %dma_wait3A_87 = tpu.memref_slice %arg6[%mul3A_2] : memref<6144xf32, #tpu.memory_space<hbm>> -> memref<192xf32, #tpu.memory_space<hbm>>
      tpu.wait_dma2 semaphore(%run_scoped3A : memref<!tpu.dma_semaphore, #tpu.memory_space<semaphore_mem>>) src(%arg11 : memref<192xf32, #tpu.memory_space<vmem>>) dst(%dma_wait3A_87 : memref<192xf32, #tpu.memory_space<hbm>>)
      tpu.yield
    }) : () -> ()
    return
  }
}

module attributes {stable_mosaic.version = 14 : i64} {
  func.func @_qkv_body(%arg0: i32, %arg1: memref<512x1024xf32, #tpu.memory_space<vmem>>, %arg2: memref<1x1024xf32, #tpu.memory_space<vmem>>, %arg3: memref<1024x128xf32, #tpu.memory_space<vmem>>, %arg4: memref<128x1024xf32, #tpu.memory_space<vmem>>, %arg5: memref<128x1024xf32, #tpu.memory_space<vmem>>, %arg6: memref<1024x1024xf32, #tpu.memory_space<vmem>>, %arg7: memref<1024x1024xf32, #tpu.memory_space<vmem>>, %arg8: memref<512x1024xbf16, #tpu.memory_space<vmem>>, %arg9: memref<512x1024xbf16, #tpu.memory_space<vmem>>, %arg10: memref<512x1024xbf16, #tpu.memory_space<vmem>>, %arg11: memref<512x1024xbf16, #tpu.memory_space<vmem>>) attributes {dimension_semantics = [#tpu.dimension_semantics<arbitrary>], iteration_bounds = array<i64: 4>, scalar_prefetch = 0 : i64, scratch_operands = 0 : i64, tpu.core_type = #tpu.core_type<tc>, window_params = [{transform_indices = @transform_0, window_bounds = array<i64: 512, 1024>}, {pipeline_mode = #tpu.pipeline_mode<synchronous>, transform_indices = @transform_1, window_bounds = array<i64: 1, 1024>}, {pipeline_mode = #tpu.pipeline_mode<synchronous>, transform_indices = @transform_2, window_bounds = array<i64: 1024, 128>}, {pipeline_mode = #tpu.pipeline_mode<synchronous>, transform_indices = @transform_3, window_bounds = array<i64: 128, 1024>}, {pipeline_mode = #tpu.pipeline_mode<synchronous>, transform_indices = @transform_4, window_bounds = array<i64: 128, 1024>}, {pipeline_mode = #tpu.pipeline_mode<synchronous>, transform_indices = @transform_5, window_bounds = array<i64: 1024, 1024>}, {pipeline_mode = #tpu.pipeline_mode<synchronous>, transform_indices = @transform_6, window_bounds = array<i64: 1024, 1024>}, {transform_indices = @transform_7, window_bounds = array<i64: 512, 1024>}, {transform_indices = @transform_8, window_bounds = array<i64: 512, 1024>}, {transform_indices = @transform_9, window_bounds = array<i64: 512, 1024>}, {transform_indices = @transform_10, window_bounds = array<i64: 512, 1024>}]} {
    %get3A = arith.constant 0 : index
    %get3A_0 = arith.constant 0 : index
    %get3A_1 = vector.load %arg1[%get3A, %get3A_0] : memref<512x1024xf32, #tpu.memory_space<vmem>>, vector<512x1024xf32>
    %mul3A = arith.mulf %get3A_1, %get3A_1 : vector<512x1024xf32>
    %reduce_sum3A = arith.constant dense<0.000000e+00> : vector<512xf32>
    %reduce_sum3A_2 = vector.multi_reduction <add>, %mul3A, %reduce_sum3A [1] : vector<512x1024xf32> to vector<512xf32>
    %broadcast_in_dim3A = vector.shape_cast %reduce_sum3A_2 : vector<512xf32> to vector<512x1xf32>
    %div3A = arith.constant 1.024000e+03 : f32
    %div3A_3 = vector.broadcast %div3A : f32 to vector<512x1xf32>
    %div3A_4 = arith.divf %broadcast_in_dim3A, %div3A_3 : vector<512x1xf32>
    %add3A = arith.constant 1.1920929E-7 : f32
    %add3A_5 = vector.broadcast %add3A : f32 to vector<512x1xf32>
    %add3A_6 = arith.addf %div3A_4, %add3A_5 : vector<512x1xf32>
    %rsqrt3A = math.rsqrt %add3A_6 : vector<512x1xf32>
    %mul3A_7 = vector.broadcast %rsqrt3A : vector<512x1xf32> to vector<512x1024xf32>
    %mul3A_8 = arith.mulf %get3A_1, %mul3A_7 : vector<512x1024xf32>
    %get3A_9 = arith.constant 0 : index
    %get3A_10 = arith.constant 0 : index
    %get3A_11 = vector.load %arg2[%get3A_9, %get3A_10] : memref<1x1024xf32, #tpu.memory_space<vmem>>, vector<1x1024xf32>
    %mul3A_12 = vector.broadcast %get3A_11 : vector<1x1024xf32> to vector<512x1024xf32>
    %mul3A_13 = arith.mulf %mul3A_8, %mul3A_12 : vector<512x1024xf32>
    %get3A_14 = arith.constant 0 : index
    %get3A_15 = arith.constant 0 : index
    %get3A_16 = vector.load %arg6[%get3A_14, %get3A_15] : memref<1024x1024xf32, #tpu.memory_space<vmem>>, vector<1024x1024xf32>
    %convert_element_type3A = arith.truncf %mul3A_13 : vector<512x1024xf32> to vector<512x1024xbf16>
    %convert_element_type3A_17 = arith.truncf %get3A_16 : vector<1024x1024xf32> to vector<1024x1024xbf16>
    %dot_general3A = arith.constant dense<0.000000e+00> : vector<512x1024xf32>
    %dot_general3A_18 = tpu.matmul %convert_element_type3A, %convert_element_type3A_17, %dot_general3A {dimension_numbers = #tpu.dot_dimension_numbers<[1], [0], [0], [1], [0, 0, 1, 1], [], []>, transpose_lhs_hint = false} : vector<512x1024xbf16>, vector<1024x1024xbf16>, vector<512x1024xf32> -> vector<512x1024xf32>
    %mul3A_19 = arith.constant 1.250000e-01 : f32
    %mul3A_20 = vector.broadcast %mul3A_19 : f32 to vector<512x1024xf32>
    %mul3A_21 = arith.mulf %dot_general3A_18, %mul3A_20 : vector<512x1024xf32>
    %convert_element_type3A_22 = arith.truncf %mul3A_21 : vector<512x1024xf32> to vector<512x1024xbf16>
    %swap3A = arith.constant 0 : index
    %swap3A_23 = arith.constant 0 : index
    %swap3A_24 = vector.load %arg8[%swap3A, %swap3A_23] : memref<512x1024xbf16, #tpu.memory_space<vmem>>, vector<512x1024xbf16>
    tpu.vector_store %arg8[%swap3A, %swap3A_23], %convert_element_type3A_22 {strides = array<i32>} : memref<512x1024xbf16, #tpu.memory_space<vmem>>, vector<512x1024xbf16>,
    %get3A_25 = arith.constant 0 : index
    %get3A_26 = arith.constant 0 : index
    %get3A_27 = vector.load %arg3[%get3A_25, %get3A_26] : memref<1024x128xf32, #tpu.memory_space<vmem>>, vector<1024x128xf32>
    %convert_element_type3A_28 = arith.truncf %mul3A_13 : vector<512x1024xf32> to vector<512x1024xbf16>
    %convert_element_type3A_29 = arith.truncf %get3A_27 : vector<1024x128xf32> to vector<1024x128xbf16>
    %dot_general3A_30 = arith.constant dense<0.000000e+00> : vector<512x128xf32>
    %dot_general3A_31 = tpu.matmul %convert_element_type3A_28, %convert_element_type3A_29, %dot_general3A_30 {dimension_numbers = #tpu.dot_dimension_numbers<[1], [0], [0], [1], [0, 0, 1, 1], [], []>, transpose_lhs_hint = false} : vector<512x1024xbf16>, vector<1024x128xbf16>, vector<512x128xf32> -> vector<512x128xf32>
    %get3A_32 = arith.constant 0 : index
    %get3A_33 = arith.constant 0 : index
    %get3A_34 = vector.load %arg4[%get3A_32, %get3A_33] : memref<128x1024xf32, #tpu.memory_space<vmem>>, vector<128x1024xf32>
    %convert_element_type3A_35 = arith.truncf %dot_general3A_31 : vector<512x128xf32> to vector<512x128xbf16>
    %convert_element_type3A_36 = arith.truncf %get3A_34 : vector<128x1024xf32> to vector<128x1024xbf16>
    %dot_general3A_37 = arith.constant dense<0.000000e+00> : vector<512x1024xf32>
    %dot_general3A_38 = tpu.matmul %convert_element_type3A_35, %convert_element_type3A_36, %dot_general3A_37 {dimension_numbers = #tpu.dot_dimension_numbers<[1], [0], [0], [1], [0, 0, 1, 1], [], []>, transpose_lhs_hint = false} : vector<512x128xbf16>, vector<128x1024xbf16>, vector<512x1024xf32> -> vector<512x1024xf32>
    %convert_element_type3A_39 = arith.truncf %dot_general3A_38 : vector<512x1024xf32> to vector<512x1024xbf16>
    %swap3A_40 = arith.constant 0 : index
    %swap3A_41 = arith.constant 0 : index
    %swap3A_42 = vector.load %arg9[%swap3A_40, %swap3A_41] : memref<512x1024xbf16, #tpu.memory_space<vmem>>, vector<512x1024xbf16>
    tpu.vector_store %arg9[%swap3A_40, %swap3A_41], %convert_element_type3A_39 {strides = array<i32>} : memref<512x1024xbf16, #tpu.memory_space<vmem>>, vector<512x1024xbf16>,
    %get3A_43 = arith.constant 0 : index
    %get3A_44 = arith.constant 0 : index
    %get3A_45 = vector.load %arg7[%get3A_43, %get3A_44] : memref<1024x1024xf32, #tpu.memory_space<vmem>>, vector<1024x1024xf32>
    %convert_element_type3A_46 = arith.truncf %mul3A_13 : vector<512x1024xf32> to vector<512x1024xbf16>
    %convert_element_type3A_47 = arith.truncf %get3A_45 : vector<1024x1024xf32> to vector<1024x1024xbf16>
    %dot_general3A_48 = arith.constant dense<0.000000e+00> : vector<512x1024xf32>
    %dot_general3A_49 = tpu.matmul %convert_element_type3A_46, %convert_element_type3A_47, %dot_general3A_48 {dimension_numbers = #tpu.dot_dimension_numbers<[1], [0], [0], [1], [0, 0, 1, 1], [], []>, transpose_lhs_hint = false} : vector<512x1024xbf16>, vector<1024x1024xbf16>, vector<512x1024xf32> -> vector<512x1024xf32>
    %convert_element_type3A_50 = arith.truncf %dot_general3A_49 : vector<512x1024xf32> to vector<512x1024xbf16>
    %swap3A_51 = arith.constant 0 : index
    %swap3A_52 = arith.constant 0 : index
    %swap3A_53 = vector.load %arg10[%swap3A_51, %swap3A_52] : memref<512x1024xbf16, #tpu.memory_space<vmem>>, vector<512x1024xbf16>
    tpu.vector_store %arg10[%swap3A_51, %swap3A_52], %convert_element_type3A_50 {strides = array<i32>} : memref<512x1024xbf16, #tpu.memory_space<vmem>>, vector<512x1024xbf16>,
    %get3A_54 = arith.constant 0 : index
    %get3A_55 = arith.constant 0 : index
    %get3A_56 = vector.load %arg5[%get3A_54, %get3A_55] : memref<128x1024xf32, #tpu.memory_space<vmem>>, vector<128x1024xf32>
    %convert_element_type3A_57 = arith.truncf %dot_general3A_31 : vector<512x128xf32> to vector<512x128xbf16>
    %convert_element_type3A_58 = arith.truncf %get3A_56 : vector<128x1024xf32> to vector<128x1024xbf16>
    %dot_general3A_59 = arith.constant dense<0.000000e+00> : vector<512x1024xf32>
    %dot_general3A_60 = tpu.matmul %convert_element_type3A_57, %convert_element_type3A_58, %dot_general3A_59 {dimension_numbers = #tpu.dot_dimension_numbers<[1], [0], [0], [1], [0, 0, 1, 1], [], []>, transpose_lhs_hint = false} : vector<512x128xbf16>, vector<128x1024xbf16>, vector<512x1024xf32> -> vector<512x1024xf32>
    %convert_element_type3A_61 = arith.truncf %dot_general3A_60 : vector<512x1024xf32> to vector<512x1024xbf16>
    %swap3A_62 = arith.constant 0 : index
    %swap3A_63 = arith.constant 0 : index
    %swap3A_64 = vector.load %arg11[%swap3A_62, %swap3A_63] : memref<512x1024xbf16, #tpu.memory_space<vmem>>, vector<512x1024xbf16>
    tpu.vector_store %arg11[%swap3A_62, %swap3A_63], %convert_element_type3A_61 {strides = array<i32>} : memref<512x1024xbf16, #tpu.memory_space<vmem>>, vector<512x1024xbf16>,
    return
  }
  func.func @transform_0(%arg0: i32) -> (i32, i32) {
    %c0_i32 = arith.constant 0 : i32
    %c0_i32_0 = arith.constant 0 : i32
    return %arg0, %c0_i32 : i32, i32
  }
  func.func @transform_1(%arg0: i32) -> (i32, i32) {
    %c0_i32 = arith.constant 0 : i32
    %c0_i32_0 = arith.constant 0 : i32
    %c0_i32_1 = arith.constant 0 : i32
    return %c0_i32, %c0_i32_0 : i32, i32
  }
  func.func @transform_2(%arg0: i32) -> (i32, i32) {
    %c0_i32 = arith.constant 0 : i32
    %c0_i32_0 = arith.constant 0 : i32
    %c0_i32_1 = arith.constant 0 : i32
    return %c0_i32, %c0_i32_0 : i32, i32
  }
  func.func @transform_3(%arg0: i32) -> (i32, i32) {
    %c0_i32 = arith.constant 0 : i32
    %c0_i32_0 = arith.constant 0 : i32
    %c0_i32_1 = arith.constant 0 : i32
    return %c0_i32, %c0_i32_0 : i32, i32
  }
  func.func @transform_4(%arg0: i32) -> (i32, i32) {
    %c0_i32 = arith.constant 0 : i32
    %c0_i32_0 = arith.constant 0 : i32
    %c0_i32_1 = arith.constant 0 : i32
    return %c0_i32, %c0_i32_0 : i32, i32
  }
  func.func @transform_5(%arg0: i32) -> (i32, i32) {
    %c0_i32 = arith.constant 0 : i32
    %c0_i32_0 = arith.constant 0 : i32
    %c0_i32_1 = arith.constant 0 : i32
    return %c0_i32, %c0_i32_0 : i32, i32
  }
  func.func @transform_6(%arg0: i32) -> (i32, i32) {
    %c0_i32 = arith.constant 0 : i32
    %c0_i32_0 = arith.constant 0 : i32
    %c0_i32_1 = arith.constant 0 : i32
    return %c0_i32, %c0_i32_0 : i32, i32
  }
  func.func @transform_7(%arg0: i32) -> (i32, i32) {
    %c0_i32 = arith.constant 0 : i32
    %c0_i32_0 = arith.constant 0 : i32
    return %arg0, %c0_i32 : i32, i32
  }
  func.func @transform_8(%arg0: i32) -> (i32, i32) {
    %c0_i32 = arith.constant 0 : i32
    %c0_i32_0 = arith.constant 0 : i32
    return %arg0, %c0_i32 : i32, i32
  }
  func.func @transform_9(%arg0: i32) -> (i32, i32) {
    %c0_i32 = arith.constant 0 : i32
    %c0_i32_0 = arith.constant 0 : i32
    return %arg0, %c0_i32 : i32, i32
  }
  func.func @transform_10(%arg0: i32) -> (i32, i32) {
    %c0_i32 = arith.constant 0 : i32
    %c0_i32_0 = arith.constant 0 : i32
    return %arg0, %c0_i32 : i32, i32
  }
}

module attributes {stable_mosaic.version = 14 : i64} {
  func.func @_post_body(%arg0: i32, %arg1: memref<512x1024xbf16, #tpu.memory_space<vmem>>, %arg2: memref<512x1024xf32, #tpu.memory_space<vmem>>, %arg3: memref<1024x1024xf32, #tpu.memory_space<vmem>>, %arg4: memref<1x1024xf32, #tpu.memory_space<vmem>>, %arg5: memref<1024x8xf32, #tpu.memory_space<vmem>>, %arg6: memref<1x8xf32, #tpu.memory_space<vmem>>, %arg7: memref<512x1024xf32, #tpu.memory_space<vmem>>, %arg8: memref<512x1024xf32, #tpu.memory_space<vmem>>, %arg9: memref<512x1xi32, #tpu.memory_space<vmem>>, %arg10: memref<512x1xi32, #tpu.memory_space<vmem>>, %arg11: memref<512x1xf32, #tpu.memory_space<vmem>>, %arg12: memref<512x1xf32, #tpu.memory_space<vmem>>, %arg13: memref<1x8xf32, #tpu.memory_space<vmem>>) attributes {dimension_semantics = [#tpu.dimension_semantics<arbitrary>], iteration_bounds = array<i64: 4>, scalar_prefetch = 0 : i64, scratch_operands = 0 : i64, tpu.core_type = #tpu.core_type<tc>, window_params = [{transform_indices = @transform_0, window_bounds = array<i64: 512, 1024>}, {transform_indices = @transform_1, window_bounds = array<i64: 512, 1024>}, {pipeline_mode = #tpu.pipeline_mode<synchronous>, transform_indices = @transform_2, window_bounds = array<i64: 1024, 1024>}, {pipeline_mode = #tpu.pipeline_mode<synchronous>, transform_indices = @transform_3, window_bounds = array<i64: 1, 1024>}, {pipeline_mode = #tpu.pipeline_mode<synchronous>, transform_indices = @transform_4, window_bounds = array<i64: 1024, 8>}, {pipeline_mode = #tpu.pipeline_mode<synchronous>, transform_indices = @transform_5, window_bounds = array<i64: 1, 8>}, {transform_indices = @transform_6, window_bounds = array<i64: 512, 1024>}, {transform_indices = @transform_7, window_bounds = array<i64: 512, 1024>}, {transform_indices = @transform_8, window_bounds = array<i64: 512, 1>}, {transform_indices = @transform_9, window_bounds = array<i64: 512, 1>}, {transform_indices = @transform_10, window_bounds = array<i64: 512, 1>}, {transform_indices = @transform_11, window_bounds = array<i64: 512, 1>}, {pipeline_mode = #tpu.pipeline_mode<synchronous>, transform_indices = @transform_12, window_bounds = array<i64: 1, 8>}]} {
    %get3A = arith.constant 0 : index
    %get3A_0 = arith.constant 0 : index
    %get3A_1 = vector.load %arg1[%get3A, %get3A_0] : memref<512x1024xbf16, #tpu.memory_space<vmem>>, vector<512x1024xbf16>
    %get3A_2 = arith.constant 0 : index
    %get3A_3 = arith.constant 0 : index
    %get3A_4 = vector.load %arg3[%get3A_2, %get3A_3] : memref<1024x1024xf32, #tpu.memory_space<vmem>>, vector<1024x1024xf32>
    %convert_element_type3A = arith.truncf %get3A_4 : vector<1024x1024xf32> to vector<1024x1024xbf16>
    %dot_general3A = arith.constant dense<0.000000e+00> : vector<512x1024xf32>
    %dot_general3A_5 = tpu.matmul %get3A_1, %convert_element_type3A, %dot_general3A {dimension_numbers = #tpu.dot_dimension_numbers<[1], [0], [0], [1], [0, 0, 1, 1], [], []>, transpose_lhs_hint = false} : vector<512x1024xbf16>, vector<1024x1024xbf16>, vector<512x1024xf32> -> vector<512x1024xf32>
    %get3A_6 = arith.constant 0 : index
    %get3A_7 = arith.constant 0 : index
    %get3A_8 = vector.load %arg2[%get3A_6, %get3A_7] : memref<512x1024xf32, #tpu.memory_space<vmem>>, vector<512x1024xf32>
    %add3A = arith.addf %dot_general3A_5, %get3A_8 : vector<512x1024xf32>
    %swap3A = arith.constant 0 : index
    %swap3A_9 = arith.constant 0 : index
    %swap3A_10 = vector.load %arg7[%swap3A, %swap3A_9] : memref<512x1024xf32, #tpu.memory_space<vmem>>, vector<512x1024xf32>
    tpu.vector_store %arg7[%swap3A, %swap3A_9], %add3A {strides = array<i32>} : memref<512x1024xf32, #tpu.memory_space<vmem>>, vector<512x1024xf32>,
    %mul3A = arith.mulf %add3A, %add3A : vector<512x1024xf32>
    %reduce_sum3A = arith.constant dense<0.000000e+00> : vector<512xf32>
    %reduce_sum3A_11 = vector.multi_reduction <add>, %mul3A, %reduce_sum3A [1] : vector<512x1024xf32> to vector<512xf32>
    %broadcast_in_dim3A = vector.shape_cast %reduce_sum3A_11 : vector<512xf32> to vector<512x1xf32>
    %div3A = arith.constant 1.024000e+03 : f32
    %div3A_12 = vector.broadcast %div3A : f32 to vector<512x1xf32>
    %div3A_13 = arith.divf %broadcast_in_dim3A, %div3A_12 : vector<512x1xf32>
    %add3A_14 = arith.constant 1.1920929E-7 : f32
    %add3A_15 = vector.broadcast %add3A_14 : f32 to vector<512x1xf32>
    %add3A_16 = arith.addf %div3A_13, %add3A_15 : vector<512x1xf32>
    %rsqrt3A = math.rsqrt %add3A_16 : vector<512x1xf32>
    %mul3A_17 = vector.broadcast %rsqrt3A : vector<512x1xf32> to vector<512x1024xf32>
    %mul3A_18 = arith.mulf %add3A, %mul3A_17 : vector<512x1024xf32>
    %get3A_19 = arith.constant 0 : index
    %get3A_20 = arith.constant 0 : index
    %get3A_21 = vector.load %arg4[%get3A_19, %get3A_20] : memref<1x1024xf32, #tpu.memory_space<vmem>>, vector<1x1024xf32>
    %mul3A_22 = vector.broadcast %get3A_21 : vector<1x1024xf32> to vector<512x1024xf32>
    %mul3A_23 = arith.mulf %mul3A_18, %mul3A_22 : vector<512x1024xf32>
    %convert_element_type3A_24 = arith.truncf %mul3A_23 : vector<512x1024xf32> to vector<512x1024xbf16>
    %swap3A_25 = arith.constant 0 : index
    %swap3A_26 = arith.constant 0 : index
    %swap3A_27 = vector.load %arg8[%swap3A_25, %swap3A_26] : memref<512x1024xf32, #tpu.memory_space<vmem>>, vector<512x1024xf32>
    tpu.vector_store %arg8[%swap3A_25, %swap3A_26], %mul3A_23 {strides = array<i32>} : memref<512x1024xf32, #tpu.memory_space<vmem>>, vector<512x1024xf32>,
    %get3A_28 = arith.constant 0 : index
    %get3A_29 = arith.constant 0 : index
    %get3A_30 = vector.load %arg5[%get3A_28, %get3A_29] : memref<1024x8xf32, #tpu.memory_space<vmem>>, vector<1024x8xf32>
    %convert_element_type3A_31 = arith.truncf %get3A_30 : vector<1024x8xf32> to vector<1024x8xbf16>
    %dot_general3A_32 = arith.constant dense<0.000000e+00> : vector<512x8xf32>
    %dot_general3A_33 = tpu.matmul %convert_element_type3A_24, %convert_element_type3A_31, %dot_general3A_32 {dimension_numbers = #tpu.dot_dimension_numbers<[1], [0], [0], [1], [0, 0, 1, 1], [], []>, transpose_lhs_hint = false} : vector<512x1024xbf16>, vector<1024x8xbf16>, vector<512x8xf32> -> vector<512x8xf32>
    %get3A_34 = arith.constant 0 : index
    %get3A_35 = arith.constant 0 : index
    %get3A_36 = vector.load %arg6[%get3A_34, %get3A_35] : memref<1x8xf32, #tpu.memory_space<vmem>>, vector<1x8xf32>
    %add3A_37 = vector.broadcast %get3A_36 : vector<1x8xf32> to vector<512x8xf32>
    %add3A_38 = arith.addf %dot_general3A_33, %add3A_37 : vector<512x8xf32>
    %iota3A = tpu.iota {dimensions = array<i32: 1>} : vector<512x8xi32>
    %reduce_max3A = arith.constant dense<0xFF800000> : vector<512xf32>
    %reduce_max3A_39 = vector.multi_reduction <maximumf>, %add3A_38, %reduce_max3A [1] : vector<512x8xf32> to vector<512xf32>
    %broadcast_in_dim3A_40 = vector.shape_cast %reduce_max3A_39 : vector<512xf32> to vector<512x1xf32>
    %eq3A = vector.broadcast %broadcast_in_dim3A_40 : vector<512x1xf32> to vector<512x8xf32>
    %eq3A_41 = arith.cmpf oeq, %add3A_38, %eq3A : vector<512x8xf32>
    %jit3A = arith.constant 8 : i32
    %broadcast_in_dim3A_42 = vector.broadcast %jit3A : i32 to vector<512x8xi32>
    %select_n3A = arith.select %eq3A_41, %iota3A, %broadcast_in_dim3A_42 : vector<512x8xi1>, vector<512x8xi32>
    %reduce_min3A = arith.constant dense<2147483647> : vector<512xi32>
    %reduce_min3A_43 = vector.multi_reduction <minsi>, %select_n3A, %reduce_min3A [1] : vector<512x8xi32> to vector<512xi32>
    %broadcast_in_dim3A_44 = vector.shape_cast %reduce_min3A_43 : vector<512xi32> to vector<512x1xi32>
    %eq3A_45 = vector.broadcast %broadcast_in_dim3A_44 : vector<512x1xi32> to vector<512x8xi32>
    %eq3A_46 = arith.cmpi eq, %iota3A, %eq3A_45 : vector<512x8xi32>
    %jit3A_47 = arith.constant -1.000000e+30 : f32
    %broadcast_in_dim3A_48 = vector.broadcast %jit3A_47 : f32 to vector<512x8xf32>
    %select_n3A_49 = arith.select %eq3A_46, %broadcast_in_dim3A_48, %add3A_38 : vector<512x8xi1>, vector<512x8xf32>
    %reduce_max3A_50 = arith.constant dense<0xFF800000> : vector<512xf32>
    %reduce_max3A_51 = vector.multi_reduction <maximumf>, %select_n3A_49, %reduce_max3A_50 [1] : vector<512x8xf32> to vector<512xf32>
    %broadcast_in_dim3A_52 = vector.shape_cast %reduce_max3A_51 : vector<512xf32> to vector<512x1xf32>
    %eq3A_53 = vector.broadcast %broadcast_in_dim3A_52 : vector<512x1xf32> to vector<512x8xf32>
    %eq3A_54 = arith.cmpf oeq, %select_n3A_49, %eq3A_53 : vector<512x8xf32>
    %jit3A_55 = arith.constant 8 : i32
    %broadcast_in_dim3A_56 = vector.broadcast %jit3A_55 : i32 to vector<512x8xi32>
    %select_n3A_57 = arith.select %eq3A_54, %iota3A, %broadcast_in_dim3A_56 : vector<512x8xi1>, vector<512x8xi32>
    %reduce_min3A_58 = arith.constant dense<2147483647> : vector<512xi32>
    %reduce_min3A_59 = vector.multi_reduction <minsi>, %select_n3A_57, %reduce_min3A_58 [1] : vector<512x8xi32> to vector<512xi32>
    %broadcast_in_dim3A_60 = vector.shape_cast %reduce_min3A_59 : vector<512xi32> to vector<512x1xi32>
    %sub3A = arith.subf %broadcast_in_dim3A_52, %broadcast_in_dim3A_40 : vector<512x1xf32>
    %exp3A = math.exp %sub3A : vector<512x1xf32>
    %add3A_61 = arith.constant 1.000000e+00 : f32
    %add3A_62 = vector.broadcast %add3A_61 : f32 to vector<512x1xf32>
    %add3A_63 = arith.addf %add3A_62, %exp3A : vector<512x1xf32>
    %div3A_64 = arith.constant 1.000000e+00 : f32
    %div3A_65 = vector.broadcast %div3A_64 : f32 to vector<512x1xf32>
    %div3A_66 = arith.divf %div3A_65, %add3A_63 : vector<512x1xf32>
    %swap3A_67 = arith.constant 0 : index
    %swap3A_68 = arith.constant 0 : index
    %swap3A_69 = vector.load %arg9[%swap3A_67, %swap3A_68] : memref<512x1xi32, #tpu.memory_space<vmem>>, vector<512x1xi32>
    tpu.vector_store %arg9[%swap3A_67, %swap3A_68], %broadcast_in_dim3A_44 {strides = array<i32>} : memref<512x1xi32, #tpu.memory_space<vmem>>, vector<512x1xi32>,
    %swap3A_70 = arith.constant 0 : index
    %swap3A_71 = arith.constant 0 : index
    %swap3A_72 = vector.load %arg10[%swap3A_70, %swap3A_71] : memref<512x1xi32, #tpu.memory_space<vmem>>, vector<512x1xi32>
    tpu.vector_store %arg10[%swap3A_70, %swap3A_71], %broadcast_in_dim3A_60 {strides = array<i32>} : memref<512x1xi32, #tpu.memory_space<vmem>>, vector<512x1xi32>,
    %swap3A_73 = arith.constant 0 : index
    %swap3A_74 = arith.constant 0 : index
    %swap3A_75 = vector.load %arg11[%swap3A_73, %swap3A_74] : memref<512x1xf32, #tpu.memory_space<vmem>>, vector<512x1xf32>
    tpu.vector_store %arg11[%swap3A_73, %swap3A_74], %div3A_66 {strides = array<i32>} : memref<512x1xf32, #tpu.memory_space<vmem>>, vector<512x1xf32>,
    %sub3A_76 = arith.constant 1.000000e+00 : f32
    %sub3A_77 = vector.broadcast %sub3A_76 : f32 to vector<512x1xf32>
    %sub3A_78 = arith.subf %sub3A_77, %div3A_66 : vector<512x1xf32>
    %swap3A_79 = arith.constant 0 : index
    %swap3A_80 = arith.constant 0 : index
    %swap3A_81 = vector.load %arg12[%swap3A_79, %swap3A_80] : memref<512x1xf32, #tpu.memory_space<vmem>>, vector<512x1xf32>
    tpu.vector_store %arg12[%swap3A_79, %swap3A_80], %sub3A_78 {strides = array<i32>} : memref<512x1xf32, #tpu.memory_space<vmem>>, vector<512x1xf32>,
    %eq3A_82 = vector.broadcast %broadcast_in_dim3A_44 : vector<512x1xi32> to vector<512x8xi32>
    %eq3A_83 = arith.cmpi eq, %iota3A, %eq3A_82 : vector<512x8xi32>
    %eq3A_84 = vector.broadcast %broadcast_in_dim3A_60 : vector<512x1xi32> to vector<512x8xi32>
    %eq3A_85 = arith.cmpi eq, %iota3A, %eq3A_84 : vector<512x8xi32>
    %or3A = arith.ori %eq3A_83, %eq3A_85 : vector<512x8xi1>
    %convert_element_type3A_86 = arith.extui %or3A : vector<512x8xi1> to vector<512x8xi32>
    %convert_element_type3A_87 = arith.sitofp %convert_element_type3A_86 : vector<512x8xi32> to vector<512x8xf32>
    %reduce_sum3A_88 = arith.constant dense<0.000000e+00> : vector<8xf32>
    %reduce_sum3A_89 = vector.multi_reduction <add>, %convert_element_type3A_87, %reduce_sum3A_88 [0] : vector<512x8xf32> to vector<8xf32>
    %broadcast_in_dim3A_90 = vector.shape_cast %reduce_sum3A_89 : vector<8xf32> to vector<1x8xf32>
    %eq3A_91 = arith.constant 0 : i32
    %eq3A_92 = arith.cmpi eq, %arg0, %eq3A_91 : i32
    %convert_element_type3A_93 = arith.extui %eq3A_92 : i1 to i32
    %cond3A = arith.constant 0 : i32
    %cond3A_94 = arith.cmpi ne, %convert_element_type3A_93, %cond3A : i32
    scf.if %cond3A_94 {
      %broadcast_in_dim3A_102 = arith.constant 0.000000e+00 : f32
      %broadcast_in_dim3A_103 = vector.broadcast %broadcast_in_dim3A_102 : f32 to vector<1x8xf32>
      %swap3A_104 = arith.constant 0 : index
      %swap3A_105 = arith.constant 0 : index
      %swap3A_106 = vector.load %arg13[%swap3A_104, %swap3A_105] : memref<1x8xf32, #tpu.memory_space<vmem>>, vector<1x8xf32>
      tpu.vector_store %arg13[%swap3A_104, %swap3A_105], %broadcast_in_dim3A_103 {strides = array<i32>} : memref<1x8xf32, #tpu.memory_space<vmem>>, vector<1x8xf32>,
    } else {
    }
    %get3A_95 = arith.constant 0 : index
    %get3A_96 = arith.constant 0 : index
    %get3A_97 = vector.load %arg13[%get3A_95, %get3A_96] : memref<1x8xf32, #tpu.memory_space<vmem>>, vector<1x8xf32>
    %add3A_98 = arith.addf %get3A_97, %broadcast_in_dim3A_90 : vector<1x8xf32>
    %swap3A_99 = arith.constant 0 : index
    %swap3A_100 = arith.constant 0 : index
    %swap3A_101 = vector.load %arg13[%swap3A_99, %swap3A_100] : memref<1x8xf32, #tpu.memory_space<vmem>>, vector<1x8xf32>
    tpu.vector_store %arg13[%swap3A_99, %swap3A_100], %add3A_98 {strides = array<i32>} : memref<1x8xf32, #tpu.memory_space<vmem>>, vector<1x8xf32>,
    return
  }
  func.func @transform_0(%arg0: i32) -> (i32, i32) {
    %c0_i32 = arith.constant 0 : i32
    %c0_i32_0 = arith.constant 0 : i32
    return %arg0, %c0_i32 : i32, i32
  }
  func.func @transform_1(%arg0: i32) -> (i32, i32) {
    %c0_i32 = arith.constant 0 : i32
    %c0_i32_0 = arith.constant 0 : i32
    return %arg0, %c0_i32 : i32, i32
  }
  func.func @transform_2(%arg0: i32) -> (i32, i32) {
    %c0_i32 = arith.constant 0 : i32
    %c0_i32_0 = arith.constant 0 : i32
    %c0_i32_1 = arith.constant 0 : i32
    return %c0_i32, %c0_i32_0 : i32, i32
  }
  func.func @transform_3(%arg0: i32) -> (i32, i32) {
    %c0_i32 = arith.constant 0 : i32
    %c0_i32_0 = arith.constant 0 : i32
    %c0_i32_1 = arith.constant 0 : i32
    return %c0_i32, %c0_i32_0 : i32, i32
  }
  func.func @transform_4(%arg0: i32) -> (i32, i32) {
    %c0_i32 = arith.constant 0 : i32
    %c0_i32_0 = arith.constant 0 : i32
    %c0_i32_1 = arith.constant 0 : i32
    return %c0_i32, %c0_i32_0 : i32, i32
  }
  func.func @transform_5(%arg0: i32) -> (i32, i32) {
    %c0_i32 = arith.constant 0 : i32
    %c0_i32_0 = arith.constant 0 : i32
    %c0_i32_1 = arith.constant 0 : i32
    return %c0_i32, %c0_i32_0 : i32, i32
  }
  func.func @transform_6(%arg0: i32) -> (i32, i32) {
    %c0_i32 = arith.constant 0 : i32
    %c0_i32_0 = arith.constant 0 : i32
    return %arg0, %c0_i32 : i32, i32
  }
  func.func @transform_7(%arg0: i32) -> (i32, i32) {
    %c0_i32 = arith.constant 0 : i32
    %c0_i32_0 = arith.constant 0 : i32
    return %arg0, %c0_i32 : i32, i32
  }
  func.func @transform_8(%arg0: i32) -> (i32, i32) {
    %c0_i32 = arith.constant 0 : i32
    %c0_i32_0 = arith.constant 0 : i32
    return %arg0, %c0_i32 : i32, i32
  }
  func.func @transform_9(%arg0: i32) -> (i32, i32) {
    %c0_i32 = arith.constant 0 : i32
    %c0_i32_0 = arith.constant 0 : i32
    return %arg0, %c0_i32 : i32, i32
  }
  func.func @transform_10(%arg0: i32) -> (i32, i32) {
    %c0_i32 = arith.constant 0 : i32
    %c0_i32_0 = arith.constant 0 : i32
    return %arg0, %c0_i32 : i32, i32
  }
  func.func @transform_11(%arg0: i32) -> (i32, i32) {
    %c0_i32 = arith.constant 0 : i32
    %c0_i32_0 = arith.constant 0 : i32
    return %arg0, %c0_i32 : i32, i32
  }
  func.func @transform_12(%arg0: i32) -> (i32, i32) {
    %c0_i32 = arith.constant 0 : i32
    %c0_i32_0 = arith.constant 0 : i32
    %c0_i32_1 = arith.constant 0 : i32
    return %c0_i32, %c0_i32_0 : i32, i32
  }
}

module attributes {stable_mosaic.version = 14 : i64} {
  func.func @_attn_body(%arg0: i32, %arg1: memref<2048x128xbf16, #tpu.memory_space<vmem>>, %arg2: memref<2048x128xbf16, #tpu.memory_space<vmem>>, %arg3: memref<2048x128xbf16, #tpu.memory_space<vmem>>, %arg4: memref<2048x128xbf16, #tpu.memory_space<vmem>>, %arg5: memref<2048x128xbf16, #tpu.memory_space<vmem>>) attributes {dimension_semantics = [#tpu.dimension_semantics<arbitrary>], iteration_bounds = array<i64: 8>, scalar_prefetch = 0 : i64, scratch_operands = 0 : i64, tpu.core_type = #tpu.core_type<tc>, window_params = [{transform_indices = @transform_0, window_bounds = array<i64: 2048, 128>}, {transform_indices = @transform_1, window_bounds = array<i64: 2048, 128>}, {transform_indices = @transform_2, window_bounds = array<i64: 2048, 128>}, {transform_indices = @transform_3, window_bounds = array<i64: 2048, 128>}, {transform_indices = @transform_4, window_bounds = array<i64: 2048, 128>}]} {
    %get3A = arith.constant 0 : index
    %get3A_0 = arith.constant 0 : index
    %get3A_1 = vector.load %arg2[%get3A, %get3A_0] : memref<2048x128xbf16, #tpu.memory_space<vmem>>, vector<2048x64xbf16>
    %get3A_2 = arith.constant 0 : index
    %get3A_3 = arith.constant 0 : index
    %get3A_4 = vector.load %arg3[%get3A_2, %get3A_3] : memref<2048x128xbf16, #tpu.memory_space<vmem>>, vector<2048x64xbf16>
    %concatenate3A = tpu.concatenate %get3A_1, %get3A_4 in 1 : vector<2048x64xbf16>, vector<2048x64xbf16> -> vector<2048x128xbf16>
    %get3A_5 = arith.constant 0 : index
    %get3A_6 = arith.constant 0 : index
    %get3A_7 = vector.load %arg4[%get3A_5, %get3A_6] : memref<2048x128xbf16, #tpu.memory_space<vmem>>, vector<2048x64xbf16>
    %get3A_8 = arith.constant 0 : index
    %get3A_9 = arith.constant 0 : index
    %get3A_10 = vector.load %arg1[%get3A_8, %get3A_9] : memref<2048x128xbf16, #tpu.memory_space<vmem>>, vector<512x64xbf16>
    %concatenate3A_11 = tpu.concatenate %get3A_10, %get3A_10 in 1 : vector<512x64xbf16>, vector<512x64xbf16> -> vector<512x128xbf16>
    %dot_general3A = arith.constant dense<0.000000e+00> : vector<512x2048xf32>
    %dot_general3A_12 = tpu.matmul %concatenate3A_11, %concatenate3A, %dot_general3A {dimension_numbers = #tpu.dot_dimension_numbers<[1], [1], [0], [0], [0, 0, 1, 0], [], []>, transpose_lhs_hint = false} : vector<512x128xbf16>, vector<2048x128xbf16>, vector<512x2048xf32> -> vector<512x2048xf32>
    %reduce_max3A = arith.constant dense<0xFF800000> : vector<512xf32>
    %reduce_max3A_13 = vector.multi_reduction <maximumf>, %dot_general3A_12, %reduce_max3A [1] : vector<512x2048xf32> to vector<512xf32>
    %broadcast_in_dim3A = vector.shape_cast %reduce_max3A_13 : vector<512xf32> to vector<512x1xf32>
    %sub3A = vector.broadcast %broadcast_in_dim3A : vector<512x1xf32> to vector<512x2048xf32>
    %sub3A_14 = arith.subf %dot_general3A_12, %sub3A : vector<512x2048xf32>
    %exp3A = math.exp %sub3A_14 : vector<512x2048xf32>
    %reduce_sum3A = arith.constant dense<0.000000e+00> : vector<512xf32>
    %reduce_sum3A_15 = vector.multi_reduction <add>, %exp3A, %reduce_sum3A [1] : vector<512x2048xf32> to vector<512xf32>
    %broadcast_in_dim3A_16 = vector.shape_cast %reduce_sum3A_15 : vector<512xf32> to vector<512x1xf32>
    %div3A = vector.broadcast %broadcast_in_dim3A_16 : vector<512x1xf32> to vector<512x2048xf32>
    %div3A_17 = arith.divf %exp3A, %div3A : vector<512x2048xf32>
    %convert_element_type3A = arith.truncf %div3A_17 : vector<512x2048xf32> to vector<512x2048xbf16>
    %dot_general3A_18 = arith.constant dense<0.000000e+00> : vector<512x64xf32>
    %dot_general3A_19 = tpu.matmul %convert_element_type3A, %get3A_7, %dot_general3A_18 {dimension_numbers = #tpu.dot_dimension_numbers<[1], [0], [0], [1], [0, 0, 1, 1], [], []>, transpose_lhs_hint = false} : vector<512x2048xbf16>, vector<2048x64xbf16>, vector<512x64xf32> -> vector<512x64xf32>
    %convert_element_type3A_20 = arith.truncf %dot_general3A_19 : vector<512x64xf32> to vector<512x64xbf16>
    %swap3A = arith.constant 0 : index
    %swap3A_21 = arith.constant 0 : index
    %swap3A_22 = vector.load %arg5[%swap3A, %swap3A_21] : memref<2048x128xbf16, #tpu.memory_space<vmem>>, vector<512x64xbf16>
    tpu.vector_store %arg5[%swap3A, %swap3A_21], %convert_element_type3A_20 {strides = array<i32>} : memref<2048x128xbf16, #tpu.memory_space<vmem>>, vector<512x64xbf16>,
    %get3A_23 = arith.constant 512 : index
    %get3A_24 = arith.constant 0 : index
    %get3A_25 = vector.load %arg1[%get3A_23, %get3A_24] : memref<2048x128xbf16, #tpu.memory_space<vmem>>, vector<512x64xbf16>
    %concatenate3A_26 = tpu.concatenate %get3A_25, %get3A_25 in 1 : vector<512x64xbf16>, vector<512x64xbf16> -> vector<512x128xbf16>
    %dot_general3A_27 = arith.constant dense<0.000000e+00> : vector<512x2048xf32>
    %dot_general3A_28 = tpu.matmul %concatenate3A_26, %concatenate3A, %dot_general3A_27 {dimension_numbers = #tpu.dot_dimension_numbers<[1], [1], [0], [0], [0, 0, 1, 0], [], []>, transpose_lhs_hint = false} : vector<512x128xbf16>, vector<2048x128xbf16>, vector<512x2048xf32> -> vector<512x2048xf32>
    %reduce_max3A_29 = arith.constant dense<0xFF800000> : vector<512xf32>
    %reduce_max3A_30 = vector.multi_reduction <maximumf>, %dot_general3A_28, %reduce_max3A_29 [1] : vector<512x2048xf32> to vector<512xf32>
    %broadcast_in_dim3A_31 = vector.shape_cast %reduce_max3A_30 : vector<512xf32> to vector<512x1xf32>
    %sub3A_32 = vector.broadcast %broadcast_in_dim3A_31 : vector<512x1xf32> to vector<512x2048xf32>
    %sub3A_33 = arith.subf %dot_general3A_28, %sub3A_32 : vector<512x2048xf32>
    %exp3A_34 = math.exp %sub3A_33 : vector<512x2048xf32>
    %reduce_sum3A_35 = arith.constant dense<0.000000e+00> : vector<512xf32>
    %reduce_sum3A_36 = vector.multi_reduction <add>, %exp3A_34, %reduce_sum3A_35 [1] : vector<512x2048xf32> to vector<512xf32>
    %broadcast_in_dim3A_37 = vector.shape_cast %reduce_sum3A_36 : vector<512xf32> to vector<512x1xf32>
    %div3A_38 = vector.broadcast %broadcast_in_dim3A_37 : vector<512x1xf32> to vector<512x2048xf32>
    %div3A_39 = arith.divf %exp3A_34, %div3A_38 : vector<512x2048xf32>
    %convert_element_type3A_40 = arith.truncf %div3A_39 : vector<512x2048xf32> to vector<512x2048xbf16>
    %dot_general3A_41 = arith.constant dense<0.000000e+00> : vector<512x64xf32>
    %dot_general3A_42 = tpu.matmul %convert_element_type3A_40, %get3A_7, %dot_general3A_41 {dimension_numbers = #tpu.dot_dimension_numbers<[1], [0], [0], [1], [0, 0, 1, 1], [], []>, transpose_lhs_hint = false} : vector<512x2048xbf16>, vector<2048x64xbf16>, vector<512x64xf32> -> vector<512x64xf32>
    %convert_element_type3A_43 = arith.truncf %dot_general3A_42 : vector<512x64xf32> to vector<512x64xbf16>
    %swap3A_44 = arith.constant 512 : index
    %swap3A_45 = arith.constant 0 : index
    %swap3A_46 = vector.load %arg5[%swap3A_44, %swap3A_45] : memref<2048x128xbf16, #tpu.memory_space<vmem>>, vector<512x64xbf16>
    tpu.vector_store %arg5[%swap3A_44, %swap3A_45], %convert_element_type3A_43 {strides = array<i32>} : memref<2048x128xbf16, #tpu.memory_space<vmem>>, vector<512x64xbf16>,
    %get3A_47 = arith.constant 1024 : index
    %get3A_48 = arith.constant 0 : index
    %get3A_49 = vector.load %arg1[%get3A_47, %get3A_48] : memref<2048x128xbf16, #tpu.memory_space<vmem>>, vector<512x64xbf16>
    %concatenate3A_50 = tpu.concatenate %get3A_49, %get3A_49 in 1 : vector<512x64xbf16>, vector<512x64xbf16> -> vector<512x128xbf16>
    %dot_general3A_51 = arith.constant dense<0.000000e+00> : vector<512x2048xf32>
    %dot_general3A_52 = tpu.matmul %concatenate3A_50, %concatenate3A, %dot_general3A_51 {dimension_numbers = #tpu.dot_dimension_numbers<[1], [1], [0], [0], [0, 0, 1, 0], [], []>, transpose_lhs_hint = false} : vector<512x128xbf16>, vector<2048x128xbf16>, vector<512x2048xf32> -> vector<512x2048xf32>
    %reduce_max3A_53 = arith.constant dense<0xFF800000> : vector<512xf32>
    %reduce_max3A_54 = vector.multi_reduction <maximumf>, %dot_general3A_52, %reduce_max3A_53 [1] : vector<512x2048xf32> to vector<512xf32>
    %broadcast_in_dim3A_55 = vector.shape_cast %reduce_max3A_54 : vector<512xf32> to vector<512x1xf32>
    %sub3A_56 = vector.broadcast %broadcast_in_dim3A_55 : vector<512x1xf32> to vector<512x2048xf32>
    %sub3A_57 = arith.subf %dot_general3A_52, %sub3A_56 : vector<512x2048xf32>
    %exp3A_58 = math.exp %sub3A_57 : vector<512x2048xf32>
    %reduce_sum3A_59 = arith.constant dense<0.000000e+00> : vector<512xf32>
    %reduce_sum3A_60 = vector.multi_reduction <add>, %exp3A_58, %reduce_sum3A_59 [1] : vector<512x2048xf32> to vector<512xf32>
    %broadcast_in_dim3A_61 = vector.shape_cast %reduce_sum3A_60 : vector<512xf32> to vector<512x1xf32>
    %div3A_62 = vector.broadcast %broadcast_in_dim3A_61 : vector<512x1xf32> to vector<512x2048xf32>
    %div3A_63 = arith.divf %exp3A_58, %div3A_62 : vector<512x2048xf32>
    %convert_element_type3A_64 = arith.truncf %div3A_63 : vector<512x2048xf32> to vector<512x2048xbf16>
    %dot_general3A_65 = arith.constant dense<0.000000e+00> : vector<512x64xf32>
    %dot_general3A_66 = tpu.matmul %convert_element_type3A_64, %get3A_7, %dot_general3A_65 {dimension_numbers = #tpu.dot_dimension_numbers<[1], [0], [0], [1], [0, 0, 1, 1], [], []>, transpose_lhs_hint = false} : vector<512x2048xbf16>, vector<2048x64xbf16>, vector<512x64xf32> -> vector<512x64xf32>
    %convert_element_type3A_67 = arith.truncf %dot_general3A_66 : vector<512x64xf32> to vector<512x64xbf16>
    %swap3A_68 = arith.constant 1024 : index
    %swap3A_69 = arith.constant 0 : index
    %swap3A_70 = vector.load %arg5[%swap3A_68, %swap3A_69] : memref<2048x128xbf16, #tpu.memory_space<vmem>>, vector<512x64xbf16>
    tpu.vector_store %arg5[%swap3A_68, %swap3A_69], %convert_element_type3A_67 {strides = array<i32>} : memref<2048x128xbf16, #tpu.memory_space<vmem>>, vector<512x64xbf16>,
    %get3A_71 = arith.constant 1536 : index
    %get3A_72 = arith.constant 0 : index
    %get3A_73 = vector.load %arg1[%get3A_71, %get3A_72] : memref<2048x128xbf16, #tpu.memory_space<vmem>>, vector<512x64xbf16>
    %concatenate3A_74 = tpu.concatenate %get3A_73, %get3A_73 in 1 : vector<512x64xbf16>, vector<512x64xbf16> -> vector<512x128xbf16>
    %dot_general3A_75 = arith.constant dense<0.000000e+00> : vector<512x2048xf32>
    %dot_general3A_76 = tpu.matmul %concatenate3A_74, %concatenate3A, %dot_general3A_75 {dimension_numbers = #tpu.dot_dimension_numbers<[1], [1], [0], [0], [0, 0, 1, 0], [], []>, transpose_lhs_hint = false} : vector<512x128xbf16>, vector<2048x128xbf16>, vector<512x2048xf32> -> vector<512x2048xf32>
    %reduce_max3A_77 = arith.constant dense<0xFF800000> : vector<512xf32>
    %reduce_max3A_78 = vector.multi_reduction <maximumf>, %dot_general3A_76, %reduce_max3A_77 [1] : vector<512x2048xf32> to vector<512xf32>
    %broadcast_in_dim3A_79 = vector.shape_cast %reduce_max3A_78 : vector<512xf32> to vector<512x1xf32>
    %sub3A_80 = vector.broadcast %broadcast_in_dim3A_79 : vector<512x1xf32> to vector<512x2048xf32>
    %sub3A_81 = arith.subf %dot_general3A_76, %sub3A_80 : vector<512x2048xf32>
    %exp3A_82 = math.exp %sub3A_81 : vector<512x2048xf32>
    %reduce_sum3A_83 = arith.constant dense<0.000000e+00> : vector<512xf32>
    %reduce_sum3A_84 = vector.multi_reduction <add>, %exp3A_82, %reduce_sum3A_83 [1] : vector<512x2048xf32> to vector<512xf32>
    %broadcast_in_dim3A_85 = vector.shape_cast %reduce_sum3A_84 : vector<512xf32> to vector<512x1xf32>
    %div3A_86 = vector.broadcast %broadcast_in_dim3A_85 : vector<512x1xf32> to vector<512x2048xf32>
    %div3A_87 = arith.divf %exp3A_82, %div3A_86 : vector<512x2048xf32>
    %convert_element_type3A_88 = arith.truncf %div3A_87 : vector<512x2048xf32> to vector<512x2048xbf16>
    %dot_general3A_89 = arith.constant dense<0.000000e+00> : vector<512x64xf32>
    %dot_general3A_90 = tpu.matmul %convert_element_type3A_88, %get3A_7, %dot_general3A_89 {dimension_numbers = #tpu.dot_dimension_numbers<[1], [0], [0], [1], [0, 0, 1, 1], [], []>, transpose_lhs_hint = false} : vector<512x2048xbf16>, vector<2048x64xbf16>, vector<512x64xf32> -> vector<512x64xf32>
    %convert_element_type3A_91 = arith.truncf %dot_general3A_90 : vector<512x64xf32> to vector<512x64xbf16>
    %swap3A_92 = arith.constant 1536 : index
    %swap3A_93 = arith.constant 0 : index
    %swap3A_94 = vector.load %arg5[%swap3A_92, %swap3A_93] : memref<2048x128xbf16, #tpu.memory_space<vmem>>, vector<512x64xbf16>
    tpu.vector_store %arg5[%swap3A_92, %swap3A_93], %convert_element_type3A_91 {strides = array<i32>} : memref<2048x128xbf16, #tpu.memory_space<vmem>>, vector<512x64xbf16>,
    %get3A_95 = arith.constant 0 : index
    %get3A_96 = arith.constant 64 : index
    %get3A_97 = vector.load %arg2[%get3A_95, %get3A_96] : memref<2048x128xbf16, #tpu.memory_space<vmem>>, vector<2048x64xbf16>
    %get3A_98 = arith.constant 0 : index
    %get3A_99 = arith.constant 64 : index
    %get3A_100 = vector.load %arg3[%get3A_98, %get3A_99] : memref<2048x128xbf16, #tpu.memory_space<vmem>>, vector<2048x64xbf16>
    %concatenate3A_101 = tpu.concatenate %get3A_97, %get3A_100 in 1 : vector<2048x64xbf16>, vector<2048x64xbf16> -> vector<2048x128xbf16>
    %get3A_102 = arith.constant 0 : index
    %get3A_103 = arith.constant 64 : index
    %get3A_104 = vector.load %arg4[%get3A_102, %get3A_103] : memref<2048x128xbf16, #tpu.memory_space<vmem>>, vector<2048x64xbf16>
    %get3A_105 = arith.constant 0 : index
    %get3A_106 = arith.constant 64 : index
    %get3A_107 = vector.load %arg1[%get3A_105, %get3A_106] : memref<2048x128xbf16, #tpu.memory_space<vmem>>, vector<512x64xbf16>
    %concatenate3A_108 = tpu.concatenate %get3A_107, %get3A_107 in 1 : vector<512x64xbf16>, vector<512x64xbf16> -> vector<512x128xbf16>
    %dot_general3A_109 = arith.constant dense<0.000000e+00> : vector<512x2048xf32>
    %dot_general3A_110 = tpu.matmul %concatenate3A_108, %concatenate3A_101, %dot_general3A_109 {dimension_numbers = #tpu.dot_dimension_numbers<[1], [1], [0], [0], [0, 0, 1, 0], [], []>, transpose_lhs_hint = false} : vector<512x128xbf16>, vector<2048x128xbf16>, vector<512x2048xf32> -> vector<512x2048xf32>
    %reduce_max3A_111 = arith.constant dense<0xFF800000> : vector<512xf32>
    %reduce_max3A_112 = vector.multi_reduction <maximumf>, %dot_general3A_110, %reduce_max3A_111 [1] : vector<512x2048xf32> to vector<512xf32>
    %broadcast_in_dim3A_113 = vector.shape_cast %reduce_max3A_112 : vector<512xf32> to vector<512x1xf32>
    %sub3A_114 = vector.broadcast %broadcast_in_dim3A_113 : vector<512x1xf32> to vector<512x2048xf32>
    %sub3A_115 = arith.subf %dot_general3A_110, %sub3A_114 : vector<512x2048xf32>
    %exp3A_116 = math.exp %sub3A_115 : vector<512x2048xf32>
    %reduce_sum3A_117 = arith.constant dense<0.000000e+00> : vector<512xf32>
    %reduce_sum3A_118 = vector.multi_reduction <add>, %exp3A_116, %reduce_sum3A_117 [1] : vector<512x2048xf32> to vector<512xf32>
    %broadcast_in_dim3A_119 = vector.shape_cast %reduce_sum3A_118 : vector<512xf32> to vector<512x1xf32>
    %div3A_120 = vector.broadcast %broadcast_in_dim3A_119 : vector<512x1xf32> to vector<512x2048xf32>
    %div3A_121 = arith.divf %exp3A_116, %div3A_120 : vector<512x2048xf32>
    %convert_element_type3A_122 = arith.truncf %div3A_121 : vector<512x2048xf32> to vector<512x2048xbf16>
    %dot_general3A_123 = arith.constant dense<0.000000e+00> : vector<512x64xf32>
    %dot_general3A_124 = tpu.matmul %convert_element_type3A_122, %get3A_104, %dot_general3A_123 {dimension_numbers = #tpu.dot_dimension_numbers<[1], [0], [0], [1], [0, 0, 1, 1], [], []>, transpose_lhs_hint = false} : vector<512x2048xbf16>, vector<2048x64xbf16>, vector<512x64xf32> -> vector<512x64xf32>
    %convert_element_type3A_125 = arith.truncf %dot_general3A_124 : vector<512x64xf32> to vector<512x64xbf16>
    %swap3A_126 = arith.constant 0 : index
    %swap3A_127 = arith.constant 64 : index
    %swap3A_128 = vector.load %arg5[%swap3A_126, %swap3A_127] : memref<2048x128xbf16, #tpu.memory_space<vmem>>, vector<512x64xbf16>
    tpu.vector_store %arg5[%swap3A_126, %swap3A_127], %convert_element_type3A_125 {strides = array<i32>} : memref<2048x128xbf16, #tpu.memory_space<vmem>>, vector<512x64xbf16>,
    %get3A_129 = arith.constant 512 : index
    %get3A_130 = arith.constant 64 : index
    %get3A_131 = vector.load %arg1[%get3A_129, %get3A_130] : memref<2048x128xbf16, #tpu.memory_space<vmem>>, vector<512x64xbf16>
    %concatenate3A_132 = tpu.concatenate %get3A_131, %get3A_131 in 1 : vector<512x64xbf16>, vector<512x64xbf16> -> vector<512x128xbf16>
    %dot_general3A_133 = arith.constant dense<0.000000e+00> : vector<512x2048xf32>
    %dot_general3A_134 = tpu.matmul %concatenate3A_132, %concatenate3A_101, %dot_general3A_133 {dimension_numbers = #tpu.dot_dimension_numbers<[1], [1], [0], [0], [0, 0, 1, 0], [], []>, transpose_lhs_hint = false} : vector<512x128xbf16>, vector<2048x128xbf16>, vector<512x2048xf32> -> vector<512x2048xf32>
    %reduce_max3A_135 = arith.constant dense<0xFF800000> : vector<512xf32>
    %reduce_max3A_136 = vector.multi_reduction <maximumf>, %dot_general3A_134, %reduce_max3A_135 [1] : vector<512x2048xf32> to vector<512xf32>
    %broadcast_in_dim3A_137 = vector.shape_cast %reduce_max3A_136 : vector<512xf32> to vector<512x1xf32>
    %sub3A_138 = vector.broadcast %broadcast_in_dim3A_137 : vector<512x1xf32> to vector<512x2048xf32>
    %sub3A_139 = arith.subf %dot_general3A_134, %sub3A_138 : vector<512x2048xf32>
    %exp3A_140 = math.exp %sub3A_139 : vector<512x2048xf32>
    %reduce_sum3A_141 = arith.constant dense<0.000000e+00> : vector<512xf32>
    %reduce_sum3A_142 = vector.multi_reduction <add>, %exp3A_140, %reduce_sum3A_141 [1] : vector<512x2048xf32> to vector<512xf32>
    %broadcast_in_dim3A_143 = vector.shape_cast %reduce_sum3A_142 : vector<512xf32> to vector<512x1xf32>
    %div3A_144 = vector.broadcast %broadcast_in_dim3A_143 : vector<512x1xf32> to vector<512x2048xf32>
    %div3A_145 = arith.divf %exp3A_140, %div3A_144 : vector<512x2048xf32>
    %convert_element_type3A_146 = arith.truncf %div3A_145 : vector<512x2048xf32> to vector<512x2048xbf16>
    %dot_general3A_147 = arith.constant dense<0.000000e+00> : vector<512x64xf32>
    %dot_general3A_148 = tpu.matmul %convert_element_type3A_146, %get3A_104, %dot_general3A_147 {dimension_numbers = #tpu.dot_dimension_numbers<[1], [0], [0], [1], [0, 0, 1, 1], [], []>, transpose_lhs_hint = false} : vector<512x2048xbf16>, vector<2048x64xbf16>, vector<512x64xf32> -> vector<512x64xf32>
    %convert_element_type3A_149 = arith.truncf %dot_general3A_148 : vector<512x64xf32> to vector<512x64xbf16>
    %swap3A_150 = arith.constant 512 : index
    %swap3A_151 = arith.constant 64 : index
    %swap3A_152 = vector.load %arg5[%swap3A_150, %swap3A_151] : memref<2048x128xbf16, #tpu.memory_space<vmem>>, vector<512x64xbf16>
    tpu.vector_store %arg5[%swap3A_150, %swap3A_151], %convert_element_type3A_149 {strides = array<i32>} : memref<2048x128xbf16, #tpu.memory_space<vmem>>, vector<512x64xbf16>,
    %get3A_153 = arith.constant 1024 : index
    %get3A_154 = arith.constant 64 : index
    %get3A_155 = vector.load %arg1[%get3A_153, %get3A_154] : memref<2048x128xbf16, #tpu.memory_space<vmem>>, vector<512x64xbf16>
    %concatenate3A_156 = tpu.concatenate %get3A_155, %get3A_155 in 1 : vector<512x64xbf16>, vector<512x64xbf16> -> vector<512x128xbf16>
    %dot_general3A_157 = arith.constant dense<0.000000e+00> : vector<512x2048xf32>
    %dot_general3A_158 = tpu.matmul %concatenate3A_156, %concatenate3A_101, %dot_general3A_157 {dimension_numbers = #tpu.dot_dimension_numbers<[1], [1], [0], [0], [0, 0, 1, 0], [], []>, transpose_lhs_hint = false} : vector<512x128xbf16>, vector<2048x128xbf16>, vector<512x2048xf32> -> vector<512x2048xf32>
    %reduce_max3A_159 = arith.constant dense<0xFF800000> : vector<512xf32>
    %reduce_max3A_160 = vector.multi_reduction <maximumf>, %dot_general3A_158, %reduce_max3A_159 [1] : vector<512x2048xf32> to vector<512xf32>
    %broadcast_in_dim3A_161 = vector.shape_cast %reduce_max3A_160 : vector<512xf32> to vector<512x1xf32>
    %sub3A_162 = vector.broadcast %broadcast_in_dim3A_161 : vector<512x1xf32> to vector<512x2048xf32>
    %sub3A_163 = arith.subf %dot_general3A_158, %sub3A_162 : vector<512x2048xf32>
    %exp3A_164 = math.exp %sub3A_163 : vector<512x2048xf32>
    %reduce_sum3A_165 = arith.constant dense<0.000000e+00> : vector<512xf32>
    %reduce_sum3A_166 = vector.multi_reduction <add>, %exp3A_164, %reduce_sum3A_165 [1] : vector<512x2048xf32> to vector<512xf32>
    %broadcast_in_dim3A_167 = vector.shape_cast %reduce_sum3A_166 : vector<512xf32> to vector<512x1xf32>
    %div3A_168 = vector.broadcast %broadcast_in_dim3A_167 : vector<512x1xf32> to vector<512x2048xf32>
    %div3A_169 = arith.divf %exp3A_164, %div3A_168 : vector<512x2048xf32>
    %convert_element_type3A_170 = arith.truncf %div3A_169 : vector<512x2048xf32> to vector<512x2048xbf16>
    %dot_general3A_171 = arith.constant dense<0.000000e+00> : vector<512x64xf32>
    %dot_general3A_172 = tpu.matmul %convert_element_type3A_170, %get3A_104, %dot_general3A_171 {dimension_numbers = #tpu.dot_dimension_numbers<[1], [0], [0], [1], [0, 0, 1, 1], [], []>, transpose_lhs_hint = false} : vector<512x2048xbf16>, vector<2048x64xbf16>, vector<512x64xf32> -> vector<512x64xf32>
    %convert_element_type3A_173 = arith.truncf %dot_general3A_172 : vector<512x64xf32> to vector<512x64xbf16>
    %swap3A_174 = arith.constant 1024 : index
    %swap3A_175 = arith.constant 64 : index
    %swap3A_176 = vector.load %arg5[%swap3A_174, %swap3A_175] : memref<2048x128xbf16, #tpu.memory_space<vmem>>, vector<512x64xbf16>
    tpu.vector_store %arg5[%swap3A_174, %swap3A_175], %convert_element_type3A_173 {strides = array<i32>} : memref<2048x128xbf16, #tpu.memory_space<vmem>>, vector<512x64xbf16>,
    %get3A_177 = arith.constant 1536 : index
    %get3A_178 = arith.constant 64 : index
    %get3A_179 = vector.load %arg1[%get3A_177, %get3A_178] : memref<2048x128xbf16, #tpu.memory_space<vmem>>, vector<512x64xbf16>
    %concatenate3A_180 = tpu.concatenate %get3A_179, %get3A_179 in 1 : vector<512x64xbf16>, vector<512x64xbf16> -> vector<512x128xbf16>
    %dot_general3A_181 = arith.constant dense<0.000000e+00> : vector<512x2048xf32>
    %dot_general3A_182 = tpu.matmul %concatenate3A_180, %concatenate3A_101, %dot_general3A_181 {dimension_numbers = #tpu.dot_dimension_numbers<[1], [1], [0], [0], [0, 0, 1, 0], [], []>, transpose_lhs_hint = false} : vector<512x128xbf16>, vector<2048x128xbf16>, vector<512x2048xf32> -> vector<512x2048xf32>
    %reduce_max3A_183 = arith.constant dense<0xFF800000> : vector<512xf32>
    %reduce_max3A_184 = vector.multi_reduction <maximumf>, %dot_general3A_182, %reduce_max3A_183 [1] : vector<512x2048xf32> to vector<512xf32>
    %broadcast_in_dim3A_185 = vector.shape_cast %reduce_max3A_184 : vector<512xf32> to vector<512x1xf32>
    %sub3A_186 = vector.broadcast %broadcast_in_dim3A_185 : vector<512x1xf32> to vector<512x2048xf32>
    %sub3A_187 = arith.subf %dot_general3A_182, %sub3A_186 : vector<512x2048xf32>
    %exp3A_188 = math.exp %sub3A_187 : vector<512x2048xf32>
    %reduce_sum3A_189 = arith.constant dense<0.000000e+00> : vector<512xf32>
    %reduce_sum3A_190 = vector.multi_reduction <add>, %exp3A_188, %reduce_sum3A_189 [1] : vector<512x2048xf32> to vector<512xf32>
    %broadcast_in_dim3A_191 = vector.shape_cast %reduce_sum3A_190 : vector<512xf32> to vector<512x1xf32>
    %div3A_192 = vector.broadcast %broadcast_in_dim3A_191 : vector<512x1xf32> to vector<512x2048xf32>
    %div3A_193 = arith.divf %exp3A_188, %div3A_192 : vector<512x2048xf32>
    %convert_element_type3A_194 = arith.truncf %div3A_193 : vector<512x2048xf32> to vector<512x2048xbf16>
    %dot_general3A_195 = arith.constant dense<0.000000e+00> : vector<512x64xf32>
    %dot_general3A_196 = tpu.matmul %convert_element_type3A_194, %get3A_104, %dot_general3A_195 {dimension_numbers = #tpu.dot_dimension_numbers<[1], [0], [0], [1], [0, 0, 1, 1], [], []>, transpose_lhs_hint = false} : vector<512x2048xbf16>, vector<2048x64xbf16>, vector<512x64xf32> -> vector<512x64xf32>
    %convert_element_type3A_197 = arith.truncf %dot_general3A_196 : vector<512x64xf32> to vector<512x64xbf16>
    %swap3A_198 = arith.constant 1536 : index
    %swap3A_199 = arith.constant 64 : index
    %swap3A_200 = vector.load %arg5[%swap3A_198, %swap3A_199] : memref<2048x128xbf16, #tpu.memory_space<vmem>>, vector<512x64xbf16>
    tpu.vector_store %arg5[%swap3A_198, %swap3A_199], %convert_element_type3A_197 {strides = array<i32>} : memref<2048x128xbf16, #tpu.memory_space<vmem>>, vector<512x64xbf16>,
    return
  }
  func.func @transform_0(%arg0: i32) -> (i32, i32) {
    %c0_i32 = arith.constant 0 : i32
    %c0_i32_0 = arith.constant 0 : i32
    return %c0_i32, %arg0 : i32, i32
  }
  func.func @transform_1(%arg0: i32) -> (i32, i32) {
    %c0_i32 = arith.constant 0 : i32
    %c0_i32_0 = arith.constant 0 : i32
    return %c0_i32, %arg0 : i32, i32
  }
  func.func @transform_2(%arg0: i32) -> (i32, i32) {
    %c0_i32 = arith.constant 0 : i32
    %c0_i32_0 = arith.constant 0 : i32
    return %c0_i32, %arg0 : i32, i32
  }
  func.func @transform_3(%arg0: i32) -> (i32, i32) {
    %c0_i32 = arith.constant 0 : i32
    %c0_i32_0 = arith.constant 0 : i32
    return %c0_i32, %arg0 : i32, i32
  }
  func.func @transform_4(%arg0: i32) -> (i32, i32) {
    %c0_i32 = arith.constant 0 : i32
    %c0_i32_0 = arith.constant 0 : i32
    return %c0_i32, %arg0 : i32, i32
  }
}

module attributes {stable_mosaic.version = 14 : i64} {
  func.func @_meta_body(%arg0: memref<2048x1xi32, #tpu.memory_space<vmem>>, %arg1: memref<2048x1xi32, #tpu.memory_space<vmem>>, %arg2: memref<2048x1xi32, #tpu.memory_space<vmem>>, %arg3: memref<2048x1xi32, #tpu.memory_space<vmem>>, %arg4: memref<24x2xi32, #tpu.memory_space<vmem>>) attributes {dimension_semantics = [], scalar_prefetch = 0 : i64, scratch_operands = 0 : i64, tpu.core_type = #tpu.core_type<tc>} {
    %iota3A = tpu.iota {dimensions = array<i32: 1>} : vector<1x8xi32>
    %get3A = arith.constant 0 : index
    %get3A_0 = arith.constant 0 : index
    %get3A_1 = vector.load %arg0[%get3A, %get3A_0] : memref<2048x1xi32, #tpu.memory_space<vmem>>, vector<2048x1xi32>
    %eq3A = vector.broadcast %get3A_1 : vector<2048x1xi32> to vector<2048x8xi32>
    %eq3A_2 = vector.broadcast %iota3A : vector<1x8xi32> to vector<2048x8xi32>
    %eq3A_3 = arith.cmpi eq, %eq3A, %eq3A_2 : vector<2048x8xi32>
    %convert_element_type3A = arith.extui %eq3A_3 : vector<2048x8xi1> to vector<2048x8xi32>
    %convert_element_type3A_4 = arith.sitofp %convert_element_type3A : vector<2048x8xi32> to vector<2048x8xf32>
    %get3A_5 = arith.constant 0 : index
    %get3A_6 = arith.constant 0 : index
    %get3A_7 = vector.load %arg1[%get3A_5, %get3A_6] : memref<2048x1xi32, #tpu.memory_space<vmem>>, vector<2048x1xi32>
    %eq3A_8 = vector.broadcast %get3A_7 : vector<2048x1xi32> to vector<2048x8xi32>
    %eq3A_9 = vector.broadcast %iota3A : vector<1x8xi32> to vector<2048x8xi32>
    %eq3A_10 = arith.cmpi eq, %eq3A_8, %eq3A_9 : vector<2048x8xi32>
    %convert_element_type3A_11 = arith.extui %eq3A_10 : vector<2048x8xi1> to vector<2048x8xi32>
    %convert_element_type3A_12 = arith.sitofp %convert_element_type3A_11 : vector<2048x8xi32> to vector<2048x8xf32>
    %iota3A_13 = tpu.iota {dimensions = array<i32: 0>} : vector<256x256xi32>
    %iota3A_14 = tpu.iota {dimensions = array<i32: 1>} : vector<256x256xi32>
    %lt3A = arith.cmpi slt, %iota3A_14, %iota3A_13 : vector<256x256xi32>
    %convert_element_type3A_15 = arith.extui %lt3A : vector<256x256xi1> to vector<256x256xi32>
    %convert_element_type3A_16 = arith.sitofp %convert_element_type3A_15 : vector<256x256xi32> to vector<256x256xf32>
    %convert_element_type3A_17 = arith.truncf %convert_element_type3A_16 : vector<256x256xf32> to vector<256x256xbf16>
    %broadcast_in_dim3A = arith.constant 0.000000e+00 : f32
    %broadcast_in_dim3A_18 = vector.broadcast %broadcast_in_dim3A : f32 to vector<1x8xf32>
    %slice3A = vector.extract_strided_slice %convert_element_type3A_4 {offsets = [0, 0], sizes = [256, 8], strides = [1, 1]} : vector<2048x8xf32> to vector<256x8xf32>
    %convert_element_type3A_19 = arith.truncf %slice3A : vector<256x8xf32> to vector<256x8xbf16>
    %dot_general3A = arith.constant dense<0.000000e+00> : vector<256x8xf32>
    %dot_general3A_20 = tpu.matmul %convert_element_type3A_17, %convert_element_type3A_19, %dot_general3A {dimension_numbers = #tpu.dot_dimension_numbers<[1], [0], [0], [1], [0, 0, 1, 1], [], []>, transpose_lhs_hint = false} : vector<256x256xbf16>, vector<256x8xbf16>, vector<256x8xf32> -> vector<256x8xf32>
    %add3A = vector.broadcast %broadcast_in_dim3A_18 : vector<1x8xf32> to vector<256x8xf32>
    %add3A_21 = arith.addf %dot_general3A_20, %add3A : vector<256x8xf32>
    %reduce_sum3A = arith.constant dense<0.000000e+00> : vector<8xf32>
    %reduce_sum3A_22 = vector.multi_reduction <add>, %slice3A, %reduce_sum3A [0] : vector<256x8xf32> to vector<8xf32>
    %broadcast_in_dim3A_23 = vector.shape_cast %reduce_sum3A_22 : vector<8xf32> to vector<1x8xf32>
    %add3A_24 = arith.addf %broadcast_in_dim3A_18, %broadcast_in_dim3A_23 : vector<1x8xf32>
    %slice3A_25 = vector.extract_strided_slice %convert_element_type3A_4 {offsets = [256, 0], sizes = [256, 8], strides = [1, 1]} : vector<2048x8xf32> to vector<256x8xf32>
    %convert_element_type3A_26 = arith.truncf %slice3A_25 : vector<256x8xf32> to vector<256x8xbf16>
    %dot_general3A_27 = arith.constant dense<0.000000e+00> : vector<256x8xf32>
    %dot_general3A_28 = tpu.matmul %convert_element_type3A_17, %convert_element_type3A_26, %dot_general3A_27 {dimension_numbers = #tpu.dot_dimension_numbers<[1], [0], [0], [1], [0, 0, 1, 1], [], []>, transpose_lhs_hint = false} : vector<256x256xbf16>, vector<256x8xbf16>, vector<256x8xf32> -> vector<256x8xf32>
    %add3A_29 = vector.broadcast %add3A_24 : vector<1x8xf32> to vector<256x8xf32>
    %add3A_30 = arith.addf %dot_general3A_28, %add3A_29 : vector<256x8xf32>
    %reduce_sum3A_31 = arith.constant dense<0.000000e+00> : vector<8xf32>
    %reduce_sum3A_32 = vector.multi_reduction <add>, %slice3A_25, %reduce_sum3A_31 [0] : vector<256x8xf32> to vector<8xf32>
    %broadcast_in_dim3A_33 = vector.shape_cast %reduce_sum3A_32 : vector<8xf32> to vector<1x8xf32>
    %add3A_34 = arith.addf %add3A_24, %broadcast_in_dim3A_33 : vector<1x8xf32>
    %slice3A_35 = vector.extract_strided_slice %convert_element_type3A_4 {offsets = [512, 0], sizes = [256, 8], strides = [1, 1]} : vector<2048x8xf32> to vector<256x8xf32>
    %convert_element_type3A_36 = arith.truncf %slice3A_35 : vector<256x8xf32> to vector<256x8xbf16>
    %dot_general3A_37 = arith.constant dense<0.000000e+00> : vector<256x8xf32>
    %dot_general3A_38 = tpu.matmul %convert_element_type3A_17, %convert_element_type3A_36, %dot_general3A_37 {dimension_numbers = #tpu.dot_dimension_numbers<[1], [0], [0], [1], [0, 0, 1, 1], [], []>, transpose_lhs_hint = false} : vector<256x256xbf16>, vector<256x8xbf16>, vector<256x8xf32> -> vector<256x8xf32>
    %add3A_39 = vector.broadcast %add3A_34 : vector<1x8xf32> to vector<256x8xf32>
    %add3A_40 = arith.addf %dot_general3A_38, %add3A_39 : vector<256x8xf32>
    %reduce_sum3A_41 = arith.constant dense<0.000000e+00> : vector<8xf32>
    %reduce_sum3A_42 = vector.multi_reduction <add>, %slice3A_35, %reduce_sum3A_41 [0] : vector<256x8xf32> to vector<8xf32>
    %broadcast_in_dim3A_43 = vector.shape_cast %reduce_sum3A_42 : vector<8xf32> to vector<1x8xf32>
    %add3A_44 = arith.addf %add3A_34, %broadcast_in_dim3A_43 : vector<1x8xf32>
    %slice3A_45 = vector.extract_strided_slice %convert_element_type3A_4 {offsets = [768, 0], sizes = [256, 8], strides = [1, 1]} : vector<2048x8xf32> to vector<256x8xf32>
    %convert_element_type3A_46 = arith.truncf %slice3A_45 : vector<256x8xf32> to vector<256x8xbf16>
    %dot_general3A_47 = arith.constant dense<0.000000e+00> : vector<256x8xf32>
    %dot_general3A_48 = tpu.matmul %convert_element_type3A_17, %convert_element_type3A_46, %dot_general3A_47 {dimension_numbers = #tpu.dot_dimension_numbers<[1], [0], [0], [1], [0, 0, 1, 1], [], []>, transpose_lhs_hint = false} : vector<256x256xbf16>, vector<256x8xbf16>, vector<256x8xf32> -> vector<256x8xf32>
    %add3A_49 = vector.broadcast %add3A_44 : vector<1x8xf32> to vector<256x8xf32>
    %add3A_50 = arith.addf %dot_general3A_48, %add3A_49 : vector<256x8xf32>
    %reduce_sum3A_51 = arith.constant dense<0.000000e+00> : vector<8xf32>
    %reduce_sum3A_52 = vector.multi_reduction <add>, %slice3A_45, %reduce_sum3A_51 [0] : vector<256x8xf32> to vector<8xf32>
    %broadcast_in_dim3A_53 = vector.shape_cast %reduce_sum3A_52 : vector<8xf32> to vector<1x8xf32>
    %add3A_54 = arith.addf %add3A_44, %broadcast_in_dim3A_53 : vector<1x8xf32>
    %slice3A_55 = vector.extract_strided_slice %convert_element_type3A_4 {offsets = [1024, 0], sizes = [256, 8], strides = [1, 1]} : vector<2048x8xf32> to vector<256x8xf32>
    %convert_element_type3A_56 = arith.truncf %slice3A_55 : vector<256x8xf32> to vector<256x8xbf16>
    %dot_general3A_57 = arith.constant dense<0.000000e+00> : vector<256x8xf32>
    %dot_general3A_58 = tpu.matmul %convert_element_type3A_17, %convert_element_type3A_56, %dot_general3A_57 {dimension_numbers = #tpu.dot_dimension_numbers<[1], [0], [0], [1], [0, 0, 1, 1], [], []>, transpose_lhs_hint = false} : vector<256x256xbf16>, vector<256x8xbf16>, vector<256x8xf32> -> vector<256x8xf32>
    %add3A_59 = vector.broadcast %add3A_54 : vector<1x8xf32> to vector<256x8xf32>
    %add3A_60 = arith.addf %dot_general3A_58, %add3A_59 : vector<256x8xf32>
    %reduce_sum3A_61 = arith.constant dense<0.000000e+00> : vector<8xf32>
    %reduce_sum3A_62 = vector.multi_reduction <add>, %slice3A_55, %reduce_sum3A_61 [0] : vector<256x8xf32> to vector<8xf32>
    %broadcast_in_dim3A_63 = vector.shape_cast %reduce_sum3A_62 : vector<8xf32> to vector<1x8xf32>
    %add3A_64 = arith.addf %add3A_54, %broadcast_in_dim3A_63 : vector<1x8xf32>
    %slice3A_65 = vector.extract_strided_slice %convert_element_type3A_4 {offsets = [1280, 0], sizes = [256, 8], strides = [1, 1]} : vector<2048x8xf32> to vector<256x8xf32>
    %convert_element_type3A_66 = arith.truncf %slice3A_65 : vector<256x8xf32> to vector<256x8xbf16>
    %dot_general3A_67 = arith.constant dense<0.000000e+00> : vector<256x8xf32>
    %dot_general3A_68 = tpu.matmul %convert_element_type3A_17, %convert_element_type3A_66, %dot_general3A_67 {dimension_numbers = #tpu.dot_dimension_numbers<[1], [0], [0], [1], [0, 0, 1, 1], [], []>, transpose_lhs_hint = false} : vector<256x256xbf16>, vector<256x8xbf16>, vector<256x8xf32> -> vector<256x8xf32>
    %add3A_69 = vector.broadcast %add3A_64 : vector<1x8xf32> to vector<256x8xf32>
    %add3A_70 = arith.addf %dot_general3A_68, %add3A_69 : vector<256x8xf32>
    %reduce_sum3A_71 = arith.constant dense<0.000000e+00> : vector<8xf32>
    %reduce_sum3A_72 = vector.multi_reduction <add>, %slice3A_65, %reduce_sum3A_71 [0] : vector<256x8xf32> to vector<8xf32>
    %broadcast_in_dim3A_73 = vector.shape_cast %reduce_sum3A_72 : vector<8xf32> to vector<1x8xf32>
    %add3A_74 = arith.addf %add3A_64, %broadcast_in_dim3A_73 : vector<1x8xf32>
    %slice3A_75 = vector.extract_strided_slice %convert_element_type3A_4 {offsets = [1536, 0], sizes = [256, 8], strides = [1, 1]} : vector<2048x8xf32> to vector<256x8xf32>
    %convert_element_type3A_76 = arith.truncf %slice3A_75 : vector<256x8xf32> to vector<256x8xbf16>
    %dot_general3A_77 = arith.constant dense<0.000000e+00> : vector<256x8xf32>
    %dot_general3A_78 = tpu.matmul %convert_element_type3A_17, %convert_element_type3A_76, %dot_general3A_77 {dimension_numbers = #tpu.dot_dimension_numbers<[1], [0], [0], [1], [0, 0, 1, 1], [], []>, transpose_lhs_hint = false} : vector<256x256xbf16>, vector<256x8xbf16>, vector<256x8xf32> -> vector<256x8xf32>
    %add3A_79 = vector.broadcast %add3A_74 : vector<1x8xf32> to vector<256x8xf32>
    %add3A_80 = arith.addf %dot_general3A_78, %add3A_79 : vector<256x8xf32>
    %reduce_sum3A_81 = arith.constant dense<0.000000e+00> : vector<8xf32>
    %reduce_sum3A_82 = vector.multi_reduction <add>, %slice3A_75, %reduce_sum3A_81 [0] : vector<256x8xf32> to vector<8xf32>
    %broadcast_in_dim3A_83 = vector.shape_cast %reduce_sum3A_82 : vector<8xf32> to vector<1x8xf32>
    %add3A_84 = arith.addf %add3A_74, %broadcast_in_dim3A_83 : vector<1x8xf32>
    %slice3A_85 = vector.extract_strided_slice %convert_element_type3A_4 {offsets = [1792, 0], sizes = [256, 8], strides = [1, 1]} : vector<2048x8xf32> to vector<256x8xf32>
    %convert_element_type3A_86 = arith.truncf %slice3A_85 : vector<256x8xf32> to vector<256x8xbf16>
    %dot_general3A_87 = arith.constant dense<0.000000e+00> : vector<256x8xf32>
    %dot_general3A_88 = tpu.matmul %convert_element_type3A_17, %convert_element_type3A_86, %dot_general3A_87 {dimension_numbers = #tpu.dot_dimension_numbers<[1], [0], [0], [1], [0, 0, 1, 1], [], []>, transpose_lhs_hint = false} : vector<256x256xbf16>, vector<256x8xbf16>, vector<256x8xf32> -> vector<256x8xf32>
    %add3A_89 = vector.broadcast %add3A_84 : vector<1x8xf32> to vector<256x8xf32>
    %add3A_90 = arith.addf %dot_general3A_88, %add3A_89 : vector<256x8xf32>
    %reduce_sum3A_91 = arith.constant dense<0.000000e+00> : vector<8xf32>
    %reduce_sum3A_92 = vector.multi_reduction <add>, %slice3A_85, %reduce_sum3A_91 [0] : vector<256x8xf32> to vector<8xf32>
    %broadcast_in_dim3A_93 = vector.shape_cast %reduce_sum3A_92 : vector<8xf32> to vector<1x8xf32>
    %add3A_94 = arith.addf %add3A_84, %broadcast_in_dim3A_93 : vector<1x8xf32>
    %concatenate3A = tpu.concatenate %add3A_21, %add3A_30, %add3A_40, %add3A_50, %add3A_60, %add3A_70, %add3A_80, %add3A_90 in 0 : vector<256x8xf32>, vector<256x8xf32>, vector<256x8xf32>, vector<256x8xf32>, vector<256x8xf32>, vector<256x8xf32>, vector<256x8xf32>, vector<256x8xf32> -> vector<2048x8xf32>
    %slice3A_95 = vector.extract_strided_slice %convert_element_type3A_12 {offsets = [0, 0], sizes = [256, 8], strides = [1, 1]} : vector<2048x8xf32> to vector<256x8xf32>
    %convert_element_type3A_96 = arith.truncf %slice3A_95 : vector<256x8xf32> to vector<256x8xbf16>
    %dot_general3A_97 = arith.constant dense<0.000000e+00> : vector<256x8xf32>
    %dot_general3A_98 = tpu.matmul %convert_element_type3A_17, %convert_element_type3A_96, %dot_general3A_97 {dimension_numbers = #tpu.dot_dimension_numbers<[1], [0], [0], [1], [0, 0, 1, 1], [], []>, transpose_lhs_hint = false} : vector<256x256xbf16>, vector<256x8xbf16>, vector<256x8xf32> -> vector<256x8xf32>
    %add3A_99 = vector.broadcast %add3A_94 : vector<1x8xf32> to vector<256x8xf32>
    %add3A_100 = arith.addf %dot_general3A_98, %add3A_99 : vector<256x8xf32>
    %reduce_sum3A_101 = arith.constant dense<0.000000e+00> : vector<8xf32>
    %reduce_sum3A_102 = vector.multi_reduction <add>, %slice3A_95, %reduce_sum3A_101 [0] : vector<256x8xf32> to vector<8xf32>
    %broadcast_in_dim3A_103 = vector.shape_cast %reduce_sum3A_102 : vector<8xf32> to vector<1x8xf32>
    %add3A_104 = arith.addf %add3A_94, %broadcast_in_dim3A_103 : vector<1x8xf32>
    %slice3A_105 = vector.extract_strided_slice %convert_element_type3A_12 {offsets = [256, 0], sizes = [256, 8], strides = [1, 1]} : vector<2048x8xf32> to vector<256x8xf32>
    %convert_element_type3A_106 = arith.truncf %slice3A_105 : vector<256x8xf32> to vector<256x8xbf16>
    %dot_general3A_107 = arith.constant dense<0.000000e+00> : vector<256x8xf32>
    %dot_general3A_108 = tpu.matmul %convert_element_type3A_17, %convert_element_type3A_106, %dot_general3A_107 {dimension_numbers = #tpu.dot_dimension_numbers<[1], [0], [0], [1], [0, 0, 1, 1], [], []>, transpose_lhs_hint = false} : vector<256x256xbf16>, vector<256x8xbf16>, vector<256x8xf32> -> vector<256x8xf32>
    %add3A_109 = vector.broadcast %add3A_104 : vector<1x8xf32> to vector<256x8xf32>
    %add3A_110 = arith.addf %dot_general3A_108, %add3A_109 : vector<256x8xf32>
    %reduce_sum3A_111 = arith.constant dense<0.000000e+00> : vector<8xf32>
    %reduce_sum3A_112 = vector.multi_reduction <add>, %slice3A_105, %reduce_sum3A_111 [0] : vector<256x8xf32> to vector<8xf32>
    %broadcast_in_dim3A_113 = vector.shape_cast %reduce_sum3A_112 : vector<8xf32> to vector<1x8xf32>
    %add3A_114 = arith.addf %add3A_104, %broadcast_in_dim3A_113 : vector<1x8xf32>
    %slice3A_115 = vector.extract_strided_slice %convert_element_type3A_12 {offsets = [512, 0], sizes = [256, 8], strides = [1, 1]} : vector<2048x8xf32> to vector<256x8xf32>
    %convert_element_type3A_116 = arith.truncf %slice3A_115 : vector<256x8xf32> to vector<256x8xbf16>
    %dot_general3A_117 = arith.constant dense<0.000000e+00> : vector<256x8xf32>
    %dot_general3A_118 = tpu.matmul %convert_element_type3A_17, %convert_element_type3A_116, %dot_general3A_117 {dimension_numbers = #tpu.dot_dimension_numbers<[1], [0], [0], [1], [0, 0, 1, 1], [], []>, transpose_lhs_hint = false} : vector<256x256xbf16>, vector<256x8xbf16>, vector<256x8xf32> -> vector<256x8xf32>
    %add3A_119 = vector.broadcast %add3A_114 : vector<1x8xf32> to vector<256x8xf32>
    %add3A_120 = arith.addf %dot_general3A_118, %add3A_119 : vector<256x8xf32>
    %reduce_sum3A_121 = arith.constant dense<0.000000e+00> : vector<8xf32>
    %reduce_sum3A_122 = vector.multi_reduction <add>, %slice3A_115, %reduce_sum3A_121 [0] : vector<256x8xf32> to vector<8xf32>
    %broadcast_in_dim3A_123 = vector.shape_cast %reduce_sum3A_122 : vector<8xf32> to vector<1x8xf32>
    %add3A_124 = arith.addf %add3A_114, %broadcast_in_dim3A_123 : vector<1x8xf32>
    %slice3A_125 = vector.extract_strided_slice %convert_element_type3A_12 {offsets = [768, 0], sizes = [256, 8], strides = [1, 1]} : vector<2048x8xf32> to vector<256x8xf32>
    %convert_element_type3A_126 = arith.truncf %slice3A_125 : vector<256x8xf32> to vector<256x8xbf16>
    %dot_general3A_127 = arith.constant dense<0.000000e+00> : vector<256x8xf32>
    %dot_general3A_128 = tpu.matmul %convert_element_type3A_17, %convert_element_type3A_126, %dot_general3A_127 {dimension_numbers = #tpu.dot_dimension_numbers<[1], [0], [0], [1], [0, 0, 1, 1], [], []>, transpose_lhs_hint = false} : vector<256x256xbf16>, vector<256x8xbf16>, vector<256x8xf32> -> vector<256x8xf32>
    %add3A_129 = vector.broadcast %add3A_124 : vector<1x8xf32> to vector<256x8xf32>
    %add3A_130 = arith.addf %dot_general3A_128, %add3A_129 : vector<256x8xf32>
    %reduce_sum3A_131 = arith.constant dense<0.000000e+00> : vector<8xf32>
    %reduce_sum3A_132 = vector.multi_reduction <add>, %slice3A_125, %reduce_sum3A_131 [0] : vector<256x8xf32> to vector<8xf32>
    %broadcast_in_dim3A_133 = vector.shape_cast %reduce_sum3A_132 : vector<8xf32> to vector<1x8xf32>
    %add3A_134 = arith.addf %add3A_124, %broadcast_in_dim3A_133 : vector<1x8xf32>
    %slice3A_135 = vector.extract_strided_slice %convert_element_type3A_12 {offsets = [1024, 0], sizes = [256, 8], strides = [1, 1]} : vector<2048x8xf32> to vector<256x8xf32>
    %convert_element_type3A_136 = arith.truncf %slice3A_135 : vector<256x8xf32> to vector<256x8xbf16>
    %dot_general3A_137 = arith.constant dense<0.000000e+00> : vector<256x8xf32>
    %dot_general3A_138 = tpu.matmul %convert_element_type3A_17, %convert_element_type3A_136, %dot_general3A_137 {dimension_numbers = #tpu.dot_dimension_numbers<[1], [0], [0], [1], [0, 0, 1, 1], [], []>, transpose_lhs_hint = false} : vector<256x256xbf16>, vector<256x8xbf16>, vector<256x8xf32> -> vector<256x8xf32>
    %add3A_139 = vector.broadcast %add3A_134 : vector<1x8xf32> to vector<256x8xf32>
    %add3A_140 = arith.addf %dot_general3A_138, %add3A_139 : vector<256x8xf32>
    %reduce_sum3A_141 = arith.constant dense<0.000000e+00> : vector<8xf32>
    %reduce_sum3A_142 = vector.multi_reduction <add>, %slice3A_135, %reduce_sum3A_141 [0] : vector<256x8xf32> to vector<8xf32>
    %broadcast_in_dim3A_143 = vector.shape_cast %reduce_sum3A_142 : vector<8xf32> to vector<1x8xf32>
    %add3A_144 = arith.addf %add3A_134, %broadcast_in_dim3A_143 : vector<1x8xf32>
    %slice3A_145 = vector.extract_strided_slice %convert_element_type3A_12 {offsets = [1280, 0], sizes = [256, 8], strides = [1, 1]} : vector<2048x8xf32> to vector<256x8xf32>
    %convert_element_type3A_146 = arith.truncf %slice3A_145 : vector<256x8xf32> to vector<256x8xbf16>
    %dot_general3A_147 = arith.constant dense<0.000000e+00> : vector<256x8xf32>
    %dot_general3A_148 = tpu.matmul %convert_element_type3A_17, %convert_element_type3A_146, %dot_general3A_147 {dimension_numbers = #tpu.dot_dimension_numbers<[1], [0], [0], [1], [0, 0, 1, 1], [], []>, transpose_lhs_hint = false} : vector<256x256xbf16>, vector<256x8xbf16>, vector<256x8xf32> -> vector<256x8xf32>
    %add3A_149 = vector.broadcast %add3A_144 : vector<1x8xf32> to vector<256x8xf32>
    %add3A_150 = arith.addf %dot_general3A_148, %add3A_149 : vector<256x8xf32>
    %reduce_sum3A_151 = arith.constant dense<0.000000e+00> : vector<8xf32>
    %reduce_sum3A_152 = vector.multi_reduction <add>, %slice3A_145, %reduce_sum3A_151 [0] : vector<256x8xf32> to vector<8xf32>
    %broadcast_in_dim3A_153 = vector.shape_cast %reduce_sum3A_152 : vector<8xf32> to vector<1x8xf32>
    %add3A_154 = arith.addf %add3A_144, %broadcast_in_dim3A_153 : vector<1x8xf32>
    %slice3A_155 = vector.extract_strided_slice %convert_element_type3A_12 {offsets = [1536, 0], sizes = [256, 8], strides = [1, 1]} : vector<2048x8xf32> to vector<256x8xf32>
    %convert_element_type3A_156 = arith.truncf %slice3A_155 : vector<256x8xf32> to vector<256x8xbf16>
    %dot_general3A_157 = arith.constant dense<0.000000e+00> : vector<256x8xf32>
    %dot_general3A_158 = tpu.matmul %convert_element_type3A_17, %convert_element_type3A_156, %dot_general3A_157 {dimension_numbers = #tpu.dot_dimension_numbers<[1], [0], [0], [1], [0, 0, 1, 1], [], []>, transpose_lhs_hint = false} : vector<256x256xbf16>, vector<256x8xbf16>, vector<256x8xf32> -> vector<256x8xf32>
    %add3A_159 = vector.broadcast %add3A_154 : vector<1x8xf32> to vector<256x8xf32>
    %add3A_160 = arith.addf %dot_general3A_158, %add3A_159 : vector<256x8xf32>
    %reduce_sum3A_161 = arith.constant dense<0.000000e+00> : vector<8xf32>
    %reduce_sum3A_162 = vector.multi_reduction <add>, %slice3A_155, %reduce_sum3A_161 [0] : vector<256x8xf32> to vector<8xf32>
    %broadcast_in_dim3A_163 = vector.shape_cast %reduce_sum3A_162 : vector<8xf32> to vector<1x8xf32>
    %add3A_164 = arith.addf %add3A_154, %broadcast_in_dim3A_163 : vector<1x8xf32>
    %slice3A_165 = vector.extract_strided_slice %convert_element_type3A_12 {offsets = [1792, 0], sizes = [256, 8], strides = [1, 1]} : vector<2048x8xf32> to vector<256x8xf32>
    %convert_element_type3A_166 = arith.truncf %slice3A_165 : vector<256x8xf32> to vector<256x8xbf16>
    %dot_general3A_167 = arith.constant dense<0.000000e+00> : vector<256x8xf32>
    %dot_general3A_168 = tpu.matmul %convert_element_type3A_17, %convert_element_type3A_166, %dot_general3A_167 {dimension_numbers = #tpu.dot_dimension_numbers<[1], [0], [0], [1], [0, 0, 1, 1], [], []>, transpose_lhs_hint = false} : vector<256x256xbf16>, vector<256x8xbf16>, vector<256x8xf32> -> vector<256x8xf32>
    %add3A_169 = vector.broadcast %add3A_164 : vector<1x8xf32> to vector<256x8xf32>
    %add3A_170 = arith.addf %dot_general3A_168, %add3A_169 : vector<256x8xf32>
    %reduce_sum3A_171 = arith.constant dense<0.000000e+00> : vector<8xf32>
    %reduce_sum3A_172 = vector.multi_reduction <add>, %slice3A_165, %reduce_sum3A_171 [0] : vector<256x8xf32> to vector<8xf32>
    %broadcast_in_dim3A_173 = vector.shape_cast %reduce_sum3A_172 : vector<8xf32> to vector<1x8xf32>
    %add3A_174 = arith.addf %add3A_164, %broadcast_in_dim3A_173 : vector<1x8xf32>
    %concatenate3A_175 = tpu.concatenate %add3A_100, %add3A_110, %add3A_120, %add3A_130, %add3A_140, %add3A_150, %add3A_160, %add3A_170 in 0 : vector<256x8xf32>, vector<256x8xf32>, vector<256x8xf32>, vector<256x8xf32>, vector<256x8xf32>, vector<256x8xf32>, vector<256x8xf32>, vector<256x8xf32> -> vector<2048x8xf32>
    %div3A = arith.constant 2.560000e+02 : f32
    %div3A_176 = vector.broadcast %div3A : f32 to vector<1x8xf32>
    %div3A_177 = arith.divf %add3A_174, %div3A_176 : vector<1x8xf32>
    %ceil3A = math.ceil %div3A_177 : vector<1x8xf32>
    %mul3A = arith.constant 2.560000e+02 : f32
    %mul3A_178 = vector.broadcast %mul3A : f32 to vector<1x8xf32>
    %mul3A_179 = arith.mulf %ceil3A, %mul3A_178 : vector<1x8xf32>
    %iota3A_180 = tpu.iota {dimensions = array<i32: 0>} : vector<8x8xi32>
    %iota3A_181 = tpu.iota {dimensions = array<i32: 1>} : vector<8x8xi32>
    %lt3A_182 = arith.cmpi slt, %iota3A_180, %iota3A_181 : vector<8x8xi32>
    %convert_element_type3A_183 = arith.extui %lt3A_182 : vector<8x8xi1> to vector<8x8xi32>
    %convert_element_type3A_184 = arith.sitofp %convert_element_type3A_183 : vector<8x8xi32> to vector<8x8xf32>
    %dot_general3A_185 = arith.constant dense<0.000000e+00> : vector<1x8xf32>
    %dot_general3A_186 = tpu.matmul %mul3A_179, %convert_element_type3A_184, %dot_general3A_185 {dimension_numbers = #tpu.dot_dimension_numbers<[1], [0], [0], [1], [0, 0, 1, 1], [], []>, precision = #tpu.contract_precision<fp32>, transpose_lhs_hint = false} : vector<1x8xf32>, vector<8x8xf32>, vector<1x8xf32> -> vector<1x8xf32>
    %add3A_187 = vector.broadcast %dot_general3A_186 : vector<1x8xf32> to vector<2048x8xf32>
    %add3A_188 = arith.addf %add3A_187, %concatenate3A : vector<2048x8xf32>
    %mul3A_189 = arith.mulf %convert_element_type3A_4, %add3A_188 : vector<2048x8xf32>
    %reduce_sum3A_190 = arith.constant dense<0.000000e+00> : vector<2048xf32>
    %reduce_sum3A_191 = vector.multi_reduction <add>, %mul3A_189, %reduce_sum3A_190 [1] : vector<2048x8xf32> to vector<2048xf32>
    %broadcast_in_dim3A_192 = vector.shape_cast %reduce_sum3A_191 : vector<2048xf32> to vector<2048x1xf32>
    %convert_element_type3A_193 = arith.fptosi %broadcast_in_dim3A_192 : vector<2048x1xf32> to vector<2048x1xi32>
    %swap3A = arith.constant 0 : index
    %swap3A_194 = arith.constant 0 : index
    %swap3A_195 = vector.load %arg2[%swap3A, %swap3A_194] : memref<2048x1xi32, #tpu.memory_space<vmem>>, vector<2048x1xi32>
    tpu.vector_store %arg2[%swap3A, %swap3A_194], %convert_element_type3A_193 {strides = array<i32>} : memref<2048x1xi32, #tpu.memory_space<vmem>>, vector<2048x1xi32>,
    %add3A_196 = vector.broadcast %dot_general3A_186 : vector<1x8xf32> to vector<2048x8xf32>
    %add3A_197 = arith.addf %add3A_196, %concatenate3A_175 : vector<2048x8xf32>
    %mul3A_198 = arith.mulf %convert_element_type3A_12, %add3A_197 : vector<2048x8xf32>
    %reduce_sum3A_199 = arith.constant dense<0.000000e+00> : vector<2048xf32>
    %reduce_sum3A_200 = vector.multi_reduction <add>, %mul3A_198, %reduce_sum3A_199 [1] : vector<2048x8xf32> to vector<2048xf32>
    %broadcast_in_dim3A_201 = vector.shape_cast %reduce_sum3A_200 : vector<2048xf32> to vector<2048x1xf32>
    %convert_element_type3A_202 = arith.fptosi %broadcast_in_dim3A_201 : vector<2048x1xf32> to vector<2048x1xi32>
    %swap3A_203 = arith.constant 0 : index
    %swap3A_204 = arith.constant 0 : index
    %swap3A_205 = vector.load %arg3[%swap3A_203, %swap3A_204] : memref<2048x1xi32, #tpu.memory_space<vmem>>, vector<2048x1xi32>
    tpu.vector_store %arg3[%swap3A_203, %swap3A_204], %convert_element_type3A_202 {strides = array<i32>} : memref<2048x1xi32, #tpu.memory_space<vmem>>, vector<2048x1xi32>,
    %div3A_206 = arith.constant 2.560000e+02 : f32
    %div3A_207 = vector.broadcast %div3A_206 : f32 to vector<1x8xf32>
    %div3A_208 = arith.divf %dot_general3A_186, %div3A_207 : vector<1x8xf32>
    %reduce_sum3A_209 = vector.shape_cast %mul3A_179 : vector<1x8xf32> to vector<1x1x8xf32>
    %reduce_sum3A_210 = arith.constant dense<0.000000e+00> : vector<1xf32>
    %reduce_sum3A_211 = vector.multi_reduction <add>, %reduce_sum3A_209, %reduce_sum3A_210 [1, 2] : vector<1x1x8xf32> to vector<1xf32>
    %reduce_sum3A_212 = vector.shape_cast %reduce_sum3A_211 : vector<1xf32> to vector<1x1x1xf32>
    %reduce_sum3A_213 = vector.extract %reduce_sum3A_212[0, 0, 0] : f32 from vector<1x1x1xf32>
    %div3A_214 = arith.constant 2.560000e+02 : f32
    %div3A_215 = arith.divf %reduce_sum3A_213, %div3A_214 : f32
    %iota3A_216 = tpu.iota {dimensions = array<i32: 0>} : vector<24x1xi32>
    %convert_element_type3A_217 = arith.sitofp %iota3A_216 : vector<24x1xi32> to vector<24x1xf32>
    %sub3A = arith.constant 1.000000e+00 : f32
    %sub3A_218 = arith.subf %div3A_215, %sub3A : f32
    %min3A = vector.broadcast %sub3A_218 : f32 to vector<24x1xf32>
    %min3A_219 = arith.minimumf %convert_element_type3A_217, %min3A : vector<24x1xf32>
    %le3A = vector.broadcast %div3A_208 : vector<1x8xf32> to vector<24x8xf32>
    %le3A_220 = vector.broadcast %min3A_219 : vector<24x1xf32> to vector<24x8xf32>
    %le3A_221 = arith.cmpf ole, %le3A, %le3A_220 : vector<24x8xf32>
    %convert_element_type3A_222 = arith.extui %le3A_221 : vector<24x8xi1> to vector<24x8xi32>
    %convert_element_type3A_223 = arith.sitofp %convert_element_type3A_222 : vector<24x8xi32> to vector<24x8xf32>
    %reduce_sum3A_224 = arith.constant dense<0.000000e+00> : vector<24xf32>
    %reduce_sum3A_225 = vector.multi_reduction <add>, %convert_element_type3A_223, %reduce_sum3A_224 [1] : vector<24x8xf32> to vector<24xf32>
    %broadcast_in_dim3A_226 = vector.shape_cast %reduce_sum3A_225 : vector<24xf32> to vector<24x1xf32>
    %sub3A_227 = arith.constant 1.000000e+00 : f32
    %sub3A_228 = vector.broadcast %sub3A_227 : f32 to vector<24x1xf32>
    %sub3A_229 = arith.subf %broadcast_in_dim3A_226, %sub3A_228 : vector<24x1xf32>
    %lt3A_230 = vector.broadcast %div3A_215 : f32 to vector<24x1xf32>
    %lt3A_231 = arith.cmpf olt, %convert_element_type3A_217, %lt3A_230 : vector<24x1xf32>
    %convert_element_type3A_232 = arith.extui %lt3A_231 : vector<24x1xi1> to vector<24x1xi32>
    %convert_element_type3A_233 = arith.sitofp %convert_element_type3A_232 : vector<24x1xi32> to vector<24x1xf32>
    %concatenate3A_234 = tpu.concatenate %sub3A_229, %convert_element_type3A_233 in 1 : vector<24x1xf32>, vector<24x1xf32> -> vector<24x2xf32>
    %convert_element_type3A_235 = arith.fptosi %concatenate3A_234 : vector<24x2xf32> to vector<24x2xi32>
    %swap3A_236 = arith.constant 0 : index
    %swap3A_237 = arith.constant 0 : index
    %swap3A_238 = vector.load %arg4[%swap3A_236, %swap3A_237] : memref<24x2xi32, #tpu.memory_space<vmem>>, vector<24x2xi32>
    tpu.vector_store %arg4[%swap3A_236, %swap3A_237], %convert_element_type3A_235 {strides = array<i32>} : memref<24x2xi32, #tpu.memory_space<vmem>>, vector<24x2xi32>,
    return
  }
}

module attributes {stable_mosaic.version = 14 : i64} {
  func.func @_gmlp_body(%arg0: i32, %arg1: memref<24x2xi32, #tpu.memory_space<smem>>, %arg2: memref<256x1024xf32, #tpu.memory_space<vmem>>, %arg3: memref<256x1xf32, #tpu.memory_space<vmem>>, %arg4: memref<1x1024x2048xbf16, #tpu.memory_space<vmem>>, %arg5: memref<1x1024x2048xbf16, #tpu.memory_space<vmem>>, %arg6: memref<1x2048x1024xbf16, #tpu.memory_space<vmem>>, %arg7: memref<256x1024xf32, #tpu.memory_space<vmem>>) attributes {dimension_semantics = [#tpu.dimension_semantics<arbitrary>], iteration_bounds = array<i64: 24>, scalar_prefetch = 1 : i64, scratch_operands = 0 : i64, tpu.core_type = #tpu.core_type<tc>, window_params = [{transform_indices = @transform_0, window_bounds = array<i64: 256, 1024>}, {transform_indices = @transform_1, window_bounds = array<i64: 256, 1>}, {transform_indices = @transform_2, window_bounds = array<i64: 1, 1024, 2048>}, {transform_indices = @transform_3, window_bounds = array<i64: 1, 1024, 2048>}, {transform_indices = @transform_4, window_bounds = array<i64: 1, 2048, 1024>}, {transform_indices = @transform_5, window_bounds = array<i64: 256, 1024>}]} {
    %get3A = arith.index_cast %arg0 : i32 to index
    %get3A_0 = arith.constant 1 : index
    %get3A_1 = memref.load %arg1[%get3A, %get3A_0] : memref<24x2xi32, #tpu.memory_space<smem>>
    %eq3A = arith.constant 1 : i32
    %eq3A_2 = arith.cmpi eq, %get3A_1, %eq3A : i32
    %convert_element_type3A = arith.extui %eq3A_2 : i1 to i32
    %cond3A = arith.constant 0 : i32
    %cond3A_3 = arith.cmpi ne, %convert_element_type3A, %cond3A : i32
    scf.if %cond3A_3 {
      %get3A_4 = arith.constant 0 : index
      %get3A_5 = arith.constant 0 : index
      %get3A_6 = vector.load %arg2[%get3A_4, %get3A_5] : memref<256x1024xf32, #tpu.memory_space<vmem>>, vector<256x1024xf32>
      %get3A_7 = arith.constant 0 : index
      %get3A_8 = arith.constant 0 : index
      %get3A_9 = arith.constant 0 : index
      %get3A_10 = vector.load %arg4[%get3A_7, %get3A_8, %get3A_9] : memref<1x1024x2048xbf16, #tpu.memory_space<vmem>>, vector<1x1024x2048xbf16>
      %get3A_11 = vector.shape_cast %get3A_10 : vector<1x1024x2048xbf16> to vector<1024x2048xbf16>
      %convert_element_type3A_12 = arith.truncf %get3A_6 : vector<256x1024xf32> to vector<256x1024xbf16>
      %dot_general3A = arith.constant dense<0.000000e+00> : vector<256x2048xf32>
      %dot_general3A_13 = tpu.matmul %convert_element_type3A_12, %get3A_11, %dot_general3A {dimension_numbers = #tpu.dot_dimension_numbers<[1], [0], [0], [1], [0, 0, 1, 1], [], []>, transpose_lhs_hint = false} : vector<256x1024xbf16>, vector<1024x2048xbf16>, vector<256x2048xf32> -> vector<256x2048xf32>
      %get3A_14 = arith.constant 0 : index
      %get3A_15 = arith.constant 0 : index
      %get3A_16 = arith.constant 0 : index
      %get3A_17 = vector.load %arg5[%get3A_14, %get3A_15, %get3A_16] : memref<1x1024x2048xbf16, #tpu.memory_space<vmem>>, vector<1x1024x2048xbf16>
      %get3A_18 = vector.shape_cast %get3A_17 : vector<1x1024x2048xbf16> to vector<1024x2048xbf16>
      %convert_element_type3A_19 = arith.truncf %get3A_6 : vector<256x1024xf32> to vector<256x1024xbf16>
      %dot_general3A_20 = arith.constant dense<0.000000e+00> : vector<256x2048xf32>
      %dot_general3A_21 = tpu.matmul %convert_element_type3A_19, %get3A_18, %dot_general3A_20 {dimension_numbers = #tpu.dot_dimension_numbers<[1], [0], [0], [1], [0, 0, 1, 1], [], []>, transpose_lhs_hint = false} : vector<256x1024xbf16>, vector<1024x2048xbf16>, vector<256x2048xf32> -> vector<256x2048xf32>
      %mul3A = arith.constant 5.000000e-01 : f32
      %mul3A_22 = vector.broadcast %mul3A : f32 to vector<256x2048xf32>
      %mul3A_23 = arith.mulf %dot_general3A_13, %mul3A_22 : vector<256x2048xf32>
      %tanh3A = math.tanh %mul3A_23 : vector<256x2048xf32>
      %add3A = arith.constant 1.000000e+00 : f32
      %add3A_24 = vector.broadcast %add3A : f32 to vector<256x2048xf32>
      %add3A_25 = arith.addf %tanh3A, %add3A_24 : vector<256x2048xf32>
      %mul3A_26 = arith.constant 5.000000e-01 : f32
      %mul3A_27 = vector.broadcast %mul3A_26 : f32 to vector<256x2048xf32>
      %mul3A_28 = arith.mulf %mul3A_27, %add3A_25 : vector<256x2048xf32>
      %mul3A_29 = arith.mulf %dot_general3A_13, %mul3A_28 : vector<256x2048xf32>
      %mul3A_30 = arith.mulf %mul3A_29, %dot_general3A_21 : vector<256x2048xf32>
      %convert_element_type3A_31 = arith.truncf %mul3A_30 : vector<256x2048xf32> to vector<256x2048xbf16>
      %get3A_32 = arith.constant 0 : index
      %get3A_33 = arith.constant 0 : index
      %get3A_34 = arith.constant 0 : index
      %get3A_35 = vector.load %arg6[%get3A_32, %get3A_33, %get3A_34] : memref<1x2048x1024xbf16, #tpu.memory_space<vmem>>, vector<1x2048x1024xbf16>
      %get3A_36 = vector.shape_cast %get3A_35 : vector<1x2048x1024xbf16> to vector<2048x1024xbf16>
      %dot_general3A_37 = arith.constant dense<0.000000e+00> : vector<256x1024xf32>
      %dot_general3A_38 = tpu.matmul %convert_element_type3A_31, %get3A_36, %dot_general3A_37 {dimension_numbers = #tpu.dot_dimension_numbers<[1], [0], [0], [1], [0, 0, 1, 1], [], []>, transpose_lhs_hint = false} : vector<256x2048xbf16>, vector<2048x1024xbf16>, vector<256x1024xf32> -> vector<256x1024xf32>
      %get3A_39 = arith.constant 0 : index
      %get3A_40 = arith.constant 0 : index
      %get3A_41 = vector.load %arg3[%get3A_39, %get3A_40] : memref<256x1xf32, #tpu.memory_space<vmem>>, vector<256x1xf32>
      %mul3A_42 = vector.broadcast %get3A_41 : vector<256x1xf32> to vector<256x1024xf32>
      %mul3A_43 = arith.mulf %dot_general3A_38, %mul3A_42 : vector<256x1024xf32>
      %swap3A = arith.constant 0 : index
      %swap3A_44 = arith.constant 0 : index
      %swap3A_45 = vector.load %arg7[%swap3A, %swap3A_44] : memref<256x1024xf32, #tpu.memory_space<vmem>>, vector<256x1024xf32>
      tpu.vector_store %arg7[%swap3A, %swap3A_44], %mul3A_43 {strides = array<i32>} : memref<256x1024xf32, #tpu.memory_space<vmem>>, vector<256x1024xf32>,
    } else {
    }
    return
  }
  func.func @transform_0(%arg0: i32, %arg1: memref<24x2xi32, #tpu.memory_space<smem>>) -> (i32, i32) {
    %c0_i32 = arith.constant 0 : i32
    %c0_i32_0 = arith.constant 0 : i32
    return %arg0, %c0_i32 : i32, i32
  }
  func.func @transform_1(%arg0: i32, %arg1: memref<24x2xi32, #tpu.memory_space<smem>>) -> (i32, i32) {
    %c0_i32 = arith.constant 0 : i32
    %c0_i32_0 = arith.constant 0 : i32
    return %arg0, %c0_i32 : i32, i32
  }
  func.func @transform_2(%arg0: i32, %arg1: memref<24x2xi32, #tpu.memory_space<smem>>) -> (i32, i32, i32) {
    %get3A = arith.index_cast %arg0 : i32 to index
    %get3A_0 = arith.constant 0 : index
    %get3A_1 = memref.load %arg1[%get3A, %get3A_0] : memref<24x2xi32, #tpu.memory_space<smem>>
    %c0_i32 = arith.constant 0 : i32
    %c0_i32_2 = arith.constant 0 : i32
    %c0_i32_3 = arith.constant 0 : i32
    return %get3A_1, %c0_i32, %c0_i32_2 : i32, i32, i32
  }
  func.func @transform_3(%arg0: i32, %arg1: memref<24x2xi32, #tpu.memory_space<smem>>) -> (i32, i32, i32) {
    %get3A = arith.index_cast %arg0 : i32 to index
    %get3A_0 = arith.constant 0 : index
    %get3A_1 = memref.load %arg1[%get3A, %get3A_0] : memref<24x2xi32, #tpu.memory_space<smem>>
    %c0_i32 = arith.constant 0 : i32
    %c0_i32_2 = arith.constant 0 : i32
    %c0_i32_3 = arith.constant 0 : i32
    return %get3A_1, %c0_i32, %c0_i32_2 : i32, i32, i32
  }
  func.func @transform_4(%arg0: i32, %arg1: memref<24x2xi32, #tpu.memory_space<smem>>) -> (i32, i32, i32) {
    %get3A = arith.index_cast %arg0 : i32 to index
    %get3A_0 = arith.constant 0 : index
    %get3A_1 = memref.load %arg1[%get3A, %get3A_0] : memref<24x2xi32, #tpu.memory_space<smem>>
    %c0_i32 = arith.constant 0 : i32
    %c0_i32_2 = arith.constant 0 : i32
    %c0_i32_3 = arith.constant 0 : i32
    return %get3A_1, %c0_i32, %c0_i32_2 : i32, i32, i32
  }
  func.func @transform_5(%arg0: i32, %arg1: memref<24x2xi32, #tpu.memory_space<smem>>) -> (i32, i32) {
    %c0_i32 = arith.constant 0 : i32
    %c0_i32_0 = arith.constant 0 : i32
    return %arg0, %c0_i32 : i32, i32
  }
}

</mosaic_0001>

<sc_bundles>
// kernel: kernel.12.cloned.1.call-start
scs
__scs_entry_jumppad:
0x0: {  	(pc) =	sbr.rel $0x88, $3  }
0x1: {  	(tag) =	ssettag $0x0;
	lr =	simm.s32 $0x1  }
0x2: {  	[smem:$0x3F94] =	sst lr;
	_ =	strace $0xD0000000  }
0x3: {  	_ = 	snop  }
0x4: {  	_ = 	snop  }
0x5: {  	_ = 	snop  }
0x6: {  	_ = 	snop  }
0x7: {  	_ = 	snop  }
__scs_overlays_trampoline_lowered:
0x8: {  	[smem:$0x3FA3] =	sst s0  }
0x9: {  	[smem:$0x3FA4] =	sst s1  }
0xa: {  	[smem:$0x3FA5] =	sst s2  }
0xb: {  	[smem:$0x3FA6] =	sst s3  }
0xc: {  	[smem:$0x3FA7] =	sst s4  }
0xd: {  	[smem:$0x3FA8] =	sst s5  }
0xe: {  	[smem:$0x3FA9] =	sst s6  }
0xf: {  	[smem:$0x3FAA] =	sst s7  }
0x10: {  	[smem:$0x3FAB] =	sst s8  }
0x11: {  	[smem:$0x3FAC] =	sst s9;
	s0 =	simm.s32 @!p0 $0x0  }
0x12: {  	s1 =	sld [smem:$0x3F92];
	s0 =	simm.s32 @p0 $0x1  }
0x13: {  	[smem:$0x3FAD] =	sst s0;
	s0 =	simm.s32 @!p1 $0x0  }
0x14: {  	s2 =	sld [smem:$0x3F91];
	s0 =	simm.s32 @p1 $0x1  }
0x15: {  	[smem:$0x3FAE] =	sst s0;
	s0 =	simm.s32 @!p2 $0x0  }
0x16: {  	s3 =	sld [smem:$0x3FDB];
	s0 =	simm.s32 @p2 $0x1  }
0x17: {  	s4 =	simm.s32 $0x1BF5;
	[smem:$0x3FB0] =	sst s0  }
0x18: {  	s0 =	sld [smem:$0x3F93];
	_ =	swait.ge [sflag:s4], $0x0  }
0x19: {  	s7 =	sld [smem:$0x3F94]  }
0x1a: {  	s8 =	sadd.s32 $0xFFFFE003, lr  }
0x1b: {  	s9 =	sadd.s32 $0xFFFFFEF7, lr;
	s5 =	simm.s32 $0xFFFFFFFF;
	p2 =	slt.u32 s8, $0xFFFFF086  }
0x1c: {  	p1 =	slt.u32 s9, $0xF7A;
	s5 =	simm.s32 @!p2 $0x0  }
0x1d: {  	s5 =	simm.s32 @p1 $0x1;
	p0 =	seq.s32 s7, s2  }
0x1e: {  	s7 =	smul.u32 @!p0 $0xF7A, s2;
	p2 =	seq.s32 @!p0 s5, $0x0  }
0x1f: {  	s9 =	smul.u32 $0xF7A, s1;
	s8 =	simm.s32 @!p0 $0x1BF5;
	p2 =	por !p2, p0  }
0x20: {  	[sflag:s8] =	ssyncset.s32 @!p0 $0xFFFFF086;
	s6 =	sadd.s32 @!p0 s3, s7;
	s7 =	simm.s32 @!p0 $0x108  }
0x21: {  	s3 =	sadd.s32 s3, s9;
	s6 =	sadd.s32 @!p0 $0x88, s6;
	s7 =	simm.s32 @p2 $0x1082  }
0x22: {  	[simem:s7], [sflag:s8] =	dma.local @!p0 [hbm:s6], $0xF7A  }
0x23: {  	s9 =	sor.u32 $0xD0000000, s2;
	s6 =	simm.s32 $0x108;
	_ =	swait.ge @!p0 [sflag:s8], $0x0  }
0x24: {  	s3 =	sadd.s32 $0x88, s3;
	s6 =	simm.s32 @!p1 $0x1082;
	[sflag:s4] =	ssyncset.s32 $0xFFFFF086  }
0x25: {  	[simem:s6], [sflag:s4] =	dma.local [hbm:s3], $0xF7A  }
0x26: {  	[smem:$0x3F94] =	sst s1;
	(tag) =	ssettag s2;
	_ =	strace s9  }
0x27: {  	s1 =	sld [smem:$0x3FA4]  }
0x28: {  	s2 =	sld [smem:$0x3FA5]  }
0x29: {  	s4 =	sld [smem:$0x3FA7]  }
0x2a: {  	p0 =	seq.s32 s5, $0x0;
	s5 =	sld [smem:$0x3FA8]  }
0x2b: {  	s6 =	sld [smem:$0x3FA9]  }
0x2c: {  	s7 =	sld [smem:$0x3FAA]  }
0x2d: {  	s3 =	simm.s32 $0x108;
	s8 =	sld [smem:$0x3FAB]  }
0x2e: {  	s3 =	simm.s32 @!p0 $0x1082;
	s9 =	sld [smem:$0x3FAC]  }
0x2f: {  	lr =	sadd.s32 s0, s3;
	s0 =	sld [smem:$0x3FA3]  }
0x30: {  	s3 =	sld [smem:$0x3FA6]  }
0x31: {  	[smem:$0x3FAF] =	sst s10  }
0x32: {  	s10 =	sld [smem:$0x3FAD];
	_ =	sdelay $0x3  }
0x33: {  	p0 =	seq.s32 s10, $0x1;
	s10 =	sld [smem:$0x3FAF];
	_ =	sdelay $0x3  }
0x34: {  	[smem:$0x3FAF] =	sst s10  }
0x35: {  	s10 =	sld [smem:$0x3FAE];
	_ =	sdelay $0x3  }
0x36: {  	p1 =	seq.s32 s10, $0x1;
	s10 =	sld [smem:$0x3FAF];
	_ =	sdelay $0x3  }
0x37: {  	[smem:$0x3FAF] =	sst s10  }
0x38: {  	s10 =	sld [smem:$0x3FB0]  }
0x39: {  	_ = 	snop;
	(pc) =	sbr.ind lr, $3  }
0x3a: {  	_ = 	snop  }
0x3b: {  	_ = 	snop  }
0x3c: {  	p2 =	seq.s32 s10, $0x1;
	s10 =	sld [smem:$0x3FAF]  }
0x3d: {  	_ =	shalt  }
0x3e: {  	_ =	shalt  }
0x3f: {  	_ =	shalt  }
0x40: {  	_ =	shalt  }
0x41: {  	_ =	shalt  }
0x42: {  	_ =	shalt  }
0x43: {  	_ =	shalt  }
0x44: {  	_ =	shalt  }
0x45: {  	_ =	shalt  }
0x46: {  	_ =	shalt  }
0x47: {  	_ =	shalt  }
0x48: {  	_ =	shalt  }
0x49: {  	_ =	shalt  }
0x4a: {  	_ =	shalt  }
0x4b: {  	_ =	shalt  }
0x4c: {  	_ =	shalt  }
0x4d: {  	_ =	shalt  }
0x4e: {  	_ =	shalt  }
0x4f: {  	_ =	shalt  }
0x50: {  	_ =	shalt  }
0x51: {  	_ =	shalt  }
0x52: {  	_ =	shalt  }
0x53: {  	_ =	shalt  }
0x54: {  	_ =	shalt  }
0x55: {  	_ =	shalt  }
0x56: {  	_ =	shalt  }
0x57: {  	_ =	shalt  }
0x58: {  	_ =	shalt  }
0x59: {  	_ =	shalt  }
0x5a: {  	_ =	shalt  }
0x5b: {  	_ =	shalt  }
0x5c: {  	_ =	shalt  }
0x5d: {  	_ =	shalt  }
0x5e: {  	_ =	shalt  }
0x5f: {  	_ =	shalt  }
0x60: {  	_ =	shalt  }
0x61: {  	_ =	shalt  }
0x62: {  	_ =	shalt  }
0x63: {  	_ =	shalt  }
0x64: {  	_ =	shalt  }
0x65: {  	_ =	shalt  }
0x66: {  	_ =	shalt  }
0x67: {  	_ =	shalt  }
0x68: {  	_ =	shalt  }
0x69: {  	_ =	shalt  }
0x6a: {  	_ =	shalt  }
0x6b: {  	_ =	shalt  }
0x6c: {  	_ =	shalt  }
0x6d: {  	_ =	shalt  }
0x6e: {  	_ =	shalt  }
0x6f: {  	_ =	shalt  }
0x70: {  	_ =	shalt  }
0x71: {  	_ =	shalt  }
0x72: {  	_ =	shalt  }
0x73: {  	_ =	shalt  }
0x74: {  	_ =	shalt  }
0x75: {  	_ =	shalt  }
0x76: {  	_ =	shalt  }
0x77: {  	_ =	shalt  }
0x78: {  	_ =	shalt  }
0x79: {  	_ =	shalt  }
0x7a: {  	_ =	shalt  }
0x7b: {  	_ =	shalt  }
0x7c: {  	_ =	shalt  }
0x7d: {  	_ =	shalt  }
0x7e: {  	_ =	shalt  }
0x7f: {  	_ =	shalt  }
0x80: {  	_ =	shalt  }
0x81: {  	_ =	shalt  }
0x82: {  	_ =	shalt  }
0x83: {  	_ =	shalt  }
0x84: {  	_ =	shalt  }
0x85: {  	_ =	shalt  }
0x86: {  	_ =	shalt  }
0x87: {  	_ =	shalt  }
.Lfunc_end0:
.L_simem_size_0:
called_computation.1_lowered:
.L_overlay_start_0:
0x88: {  	s2 =	sld [smem:$0x3FD9]  }
0x89: {  	s3 =	sld [smem:$0x3FFE];
	_ =	sdelay $0x1  }
0x8a: {  	s1 =	srdreg.scid  }
0x8b: {  	s0 =	sand.u32 $0x1, s1  }
0x8c: {  	s14 =	sshll.u32 s0, $0xA;
	s2 =	sadd.s32 s3, s2  }
0x8d: {  	s2 =	sadd.s32 s2, s14  }
0x8e: {  	[smem:$0x3FBB] =	sst s2  }
0x8f: {  	_ = 	snop  }
0x90: {  	s2 =	sld [smem:$0x3FD0];
	_ =	sdelay $0x2  }
0x91: {  	s15 =	simm.s32 $0xA;
	s4 =	simm.s32 $0x10  }
0x92: {  	[smem:s4], [sflag:s15] =	dma.local [hbm:s2], $0x1  }
0x93: {  	_ =	swait.eq [sflag:s15], $0x1  }
0x94: {  	[sflag:s15] =	ssyncset.done $0x0  }
0x95: {  	[sflag:s15] =	ssyncadd.s32 $0xFFFFFFFF  }
0x96: {  	s16 =	sld [smem:$0x10];
	(tm) =	ssettm $0x1  }
0x97: {  	s17 =	sld [smem:$0x3FFB];
	_ =	sdelay $0x3  }
0x98: {  	_ =	strace s17  }
0x99: {  	s3 =	sld [smem:$0x3FFC];
	_ =	sdelay $0x3  }
0x9a: {  	_ =	strace s3  }
0x9b: {  	s3 =	sld [smem:$0x3FFD];
	_ =	sdelay $0x3  }
0x9c: {  	_ =	strace s3  }
0x9d: {  	_ =	strace $0x8FFFFFFF  }
0x9e: {  	s18 =	sld [smem:$0x3FDB];
	_ =	sdelay $0x1  }
0x9f: {  	s19 =	simm.s32 $_scs_section_size  }
0xa0: {  	s5 =	simm.s32 $_size__tile_overlayer_lowered;
	s6 =	simm.s32 $_tile_overlayer_lowered  }
0xa1: {  	s22 =	simm.s32 $0x1BFF;
	s21 =	sshll.u32 s6, $0x1;
	s3 =	sadd.s32 s19, s18  }
0xa2: {  	s7 =	simm.s32 $0x0;
	s20 =	sshll.u32 s5, $0x1;
	s5 =	sadd.s32 s21, s3  }
0xa3: {  	[timem:s7], [sflag:s22] =	dma.local [hbm:s5], s20  }
0xa4: {  	_ =	swait.ge [sflag:s22], s20  }
0xa5: {  	s4 =	ssub.s32 $0x0, s20;
	[sflag:s22] =	ssyncset.done $0x0  }
0xa6: {  	[sflag:s22] =	ssyncadd.s32 s4;
	_ =	sdelay $0x1  }
0xa7: {  	s23 =	simm.s32 $0x1B8B  }
0xa8: {  	_ =	swait.ge [sflag:s23], $0x1  }
0xa9: {  	[sflag:s23] =	ssyncset.done $0x0  }
0xaa: {  	s25 =	simm.s32 $0x1B8E;
	s24 =	sld [smem:$0x3FFE];
	[sflag:s23] =	ssyncadd.s32 $0xFFFFFFFF  }
0xab: {  	s26 =	simm.s32 $execute0_lowered;
	[smem:$0x3FD2] =	sst s25  }
0xac: {  	s5 =	sshll.u32 s26, $0x1;
	_ =	strace $0x80000049;
	[dreg:$0x1] =	wrdreg $0xFFFFFFFF  }
0xad: {  	s28 =	simm.s32 $_size_execute0_lowered;
	s3 =	sadd.s32 s3, s5;
	[dreg:$0x0] =	wrdreg $0x0  }
0xae: {  	s5 =	sshll.u32 s28, $0x1;
	[dreg:$0x2] =	wrdreg s3  }
0xaf: {  	[dreg:$0x3] =	wrdreg s5  }
0xb0: {  	[dreg:$0x4] =	wrdreg $0xC0  }
0xb1: {  	_ =	task [dreg:s7], $0x5FFFF  }
0xb2: {  	[dreg:$0x1] =	wrdreg $0xFFFFFFFF  }
0xb3: {  	[dreg:$0x0] =	wrdreg $0x60  }
0xb4: {  	[dreg:$0x2] =	wrdreg s24  }
0xb5: {  	[dreg:$0x3] =	wrdreg s16  }
0xb6: {  	[dreg:$0x4] =	wrdreg $0x9  }
0xb7: {  	_ =	task.clear_ibuf [dreg:s7], $0x5FFFF;
	_ =	strace $0x90000049  }
0xb8: {  	s29 =	simm.s32 $0x9;
	_ =	strace $0x8000004B  }
0xb9: {  	_ =	swait.ge [sflag:s29], $0x1  }
0xba: {  	[sflag:s29] =	ssyncadd.s32 $0xFFFFFFFF  }
0xbb: {  	_ =	strace $0x9000004B  }
0xbc: {  	_ =	sfence  }
0xbd: {  	s30 =	sld [smem:$0x0];
	_ =	sdelay $0x2  }
0xbe: {  	s31 =	sshll.u32 s1, $0xD;
	s1 =	sshrl.u32 s1, $0x2  }
0xbf: {  	s3 =	sand.u32 $0x4000, s31;
	s1 =	sadd.s32 s1, s30  }
0xc0: {  	s0 =	sor.u32 s3, s0;
	s1 =	sshll.u32 s1, $0x11  }
0xc1: {  	s0 =	sor.u32 s1, s0  }
0xc2: {  	s0 =	sadd.s32 $0x8F2B, s0  }
0xc3: {  	[sflag:s0] =	ssyncadd.remote.s32 $0x1  }
0xc4: {  	_ =	sfence.sel $0xFFFF  }
0xc5: {  	[dreg:$0x0] =	wrdreg $0xFFFFFFFF;
	(pc) =	sbr.abs _section_cstart, $3  }
0xc6: {  	[dreg:$0x1] =	wrdreg $0xFFFFFFFF  }
0xc7: {  	_ =	task.clear_ibuf [dreg:s7], $0x2FFFF;
	_ =	strace $0x9FFFFFFF  }
0xc8: {  	(tm) =	ssettm $0x7FFFFFFF  }
0xc9: {  	_ =	shalt  }
tec
execute0_lowered:
.L_overlay_start_1:
0x0: {  	(tag) =	ssettag $0x1  }
0x1: {  	s0 =	rddreg [dreg:$0x0]  }
0x2: {  	s2 =	rddreg [dreg:$0x1]  }
0x3: {  	s1 =	simm.s32 $0x0;
	s3 =	srdreg.scid;
	s7 =	stileid.u32  }
0x4: {  	s16 =	simm.s32 $0x3;
	s18 =	simm.s32 $0x100;
	s17 =	simm.s32 $0x11900  }
0x5: {  	s13 =	simm.s32 $0x12900;
	s19 =	simm.s32 $0x13100;
	s14 =	simm.s32 $0x13900  }
0x6: {  	s20 =	simm.s32 $0x14100;
	s15 =	simm.s32 $0x14900;
	s28 =	simm.s32 $0x1  }
0x7: {  	s29 =	simm.s32 $0x2;
	s30 =	simm.s32 $0x0;
	[smem:$0x7FF] =	sst s1  }
0x8: {  	s4 =	sadd.s32 $0x103000, s0;
	s5 =	sadd.s32 $0x103200, s0;
	s3 =	sand.u32 $0x1, s3  }
0x9: {  	s7 =	sshll.u32 s7, $0x7;
	s10 =	sadd.s32 $0x2800, s0;
	s6 =	ssub.s32 $0x2, s3  }
0xa: {  	_ =	strace $0x8000004A;
	s3 =	sshll.u32 s3, $0x6;
	s8 =	sshrl.u32 s6, $0x1  }
0xb: {  	s9 =	sor.u32 s3, s7;
	s3 =	sadd.s32 $0x103400, s0;
	s6 =	ssub.s32 s6, s8  }
0xc: {  	s7 =	sshrl.u32 s9, $0x3;
	s11 =	sshll.u32 s9, $0x7;
	s12 =	sor.u32 $0x20, s9  }
0xd: {  	s8 =	sadd.s32 $0x103600, s0;
	s9 =	sadd.s32 $0x103700, s0;
	s21 =	sadd.s32 s4, s7  }
0xe: {  	s7 =	sadd.s32 s5, s7;
	s22 =	sadd.s32 s10, s11;
	[dreg:$0x3] =	wrdreg s21  }
0xf: {  	s23 =	sshrl.u32 s12, $0x3;
	s11 =	sadd.s32 s2, s11;
	[dreg:$0x4] =	wrdreg s7  }
0x10: {  	s24 =	sshll.u32 s12, $0x7;
	s31 =	smax.u32 s6, $0x1;
	[dreg:$0x5] =	wrdreg s22  }
0x11: {  	s12 =	simm.s32 $0x12100;
	s7 =	sadd.s32 $0x103500, s0;
	[dreg:$0x6] =	wrdreg s11  }
0x12: {  	s4 =	sadd.s32 s4, s23;
	s0 =	sadd.s32 s5, s23;
	[dreg:$0xb] =	wrdreg s31  }
0x13: {  	s25 =	sadd.s32 s10, s24;
	s26 =	sadd.s32 s2, s24;
	[dreg:$0x7] =	wrdreg s4  }
0x14: {  	v2 =	vlaneseq.u32;
	s21 =	simm.s32 $0x15100;
	s22 =	simm.s32 $0x15900;
	[dreg:$0x8] =	wrdreg s0  }
0x15: {  	vm0 =	vmmov $0xffff;
	v1 =	vshrl.u32 v2, $0x3;
	s23 =	simm.s32 $0x16100;
	s24 =	simm.s32 $0x16900;
	[dreg:$0x9] =	wrdreg s25  }
0x16: {  	v0 =	vand.u32 $0x7, v2;
	v2 =	vor.u32 $0x8, v2;
	v1 =	vmul.u32 $0x8, v1;
	[dreg:$0xa] =	wrdreg s26;
	s25 =	simm.s32 $0x17100;
	s26 =	simm.s32 $0x17900  }
.LBB2_1:
0x17: {  	s0 =	rddreg [dreg:$0x3]  }
0x18: {  	[tilespmem:s1], [sflag:$0x3] =	stream.linear.gather [hbm4b:s0+s1], $0x20, $0x38;
	[tilespmem:$0x18100] =	vst v63  }
0x19: {  	_ =	swait.ge [sflag:s16], $0x20  }
0x1a: {  	[sflag:s16] =	ssyncset.done $0x0  }
0x1b: {  	s2 =	simm.s32 $0x80;
	s5 =	rddreg [dreg:$0x4];
	[sflag:s16] =	ssyncadd.s32 $0xFFFFFFE0  }
0x1c: {  	[tilespmem:s2], [sflag:$0x3] =	stream.linear.gather [hbm4b:s5+s1], $0x20, $0x38;
	[tilespmem:$0x18100] =	vst v63  }
0x1d: {  	_ =	swait.ge [sflag:s16], $0x20  }
0x1e: {  	[sflag:s16] =	ssyncset.done $0x0  }
0x1f: {  	s6 =	rddreg [dreg:$0x5];
	[sflag:s16] =	ssyncadd.s32 $0xFFFFFFE0  }
0x20: {  	[tilespmem:s18], [sflag:$0x3] =	stream.linear.gather [hbm4b:s6+s1], $0x8000, $0x38;
	[tilespmem:$0x18100] =	vst v63  }
0x21: {  	_ =	swait.ge [sflag:s16], $0x8000  }
0x22: {  	[sflag:s16] =	ssyncset.done $0x0  }
0x23: {  	[sflag:s16] =	ssyncadd.s32 $0xFFFF8000  }
0x24: {  	v3 =	vld [tilespmem:$0x0];
	_ =	sdelay $0x4  }
0x25: {  	v4 =	vshll.u32 v3, $0x3  }
0x26: {  	v3 =	vand.u32 $0x7, v3;
	v4 =	vand.u32 $0xFFFFFFC0, v4  }
0x27: {  	v3 =	vor.u32 v3, v4  }
0x28: {  	v4 =	vperm.xlane v3, v0;
	_ =	sdelay $0x1  }
0x29: {  	v4 =	vadd.s32 v1, v4;
	_ =	sdelay $0x3  }
0x2a: {  	s10 =	simm.s32 $0x8100  }
0x2b: {  	[tilespmem:s10], [sflag:$0x1] =	stream.indirect_vreg.gather [hbm4b:s3+s1], $0x80, v4, vm0, $0xb8;
	[tilespmem:$0x18100] =	vst v63  }
0x2c: {  	s11 =	simm.s32 $0x8900;
	v3 =	vperm.xlane v3, v2  }
0x2d: {  	[tilespmem:s11], [sflag:$0x1] =	stream.indirect_vreg.gather [hbm4b:s7+s1], $0x80, v4, vm0, $0xb8;
	[tilespmem:$0x18100] =	vst v63  }
0x2e: {  	s2 =	simm.s32 $0x9100;
	v3 =	vadd.s32 v1, v3  }
0x2f: {  	[tilespmem:s2], [sflag:$0x1] =	stream.indirect_vreg.gather [hbm4b:s8+s1], $0x80, v4, vm0, $0xb8;
	[tilespmem:$0x18100] =	vst v63  }
0x30: {  	s4 =	simm.s32 $0x9900  }
0x31: {  	[tilespmem:s4], [sflag:$0x1] =	stream.indirect_vreg.gather [hbm4b:s9+s1], $0x80, v4, vm0, $0xb8;
	[tilespmem:$0x18100] =	vst v63  }
0x32: {  	s5 =	simm.s32 $0xA100  }
0x33: {  	[tilespmem:s5], [sflag:$0x1] =	stream.indirect_vreg.gather [hbm4b:s3+s1], $0x80, v3, vm0, $0xb8;
	[tilespmem:$0x18100] =	vst v63  }
0x34: {  	s6 =	simm.s32 $0xA900  }
0x35: {  	[tilespmem:s6], [sflag:$0x1] =	stream.indirect_vreg.gather [hbm4b:s7+s1], $0x80, v3, vm0, $0xb8;
	[tilespmem:$0x18100] =	vst v63  }
0x36: {  	s10 =	simm.s32 $0xB100  }
0x37: {  	[tilespmem:s10], [sflag:$0x1] =	stream.indirect_vreg.gather [hbm4b:s8+s1], $0x80, v3, vm0, $0xb8;
	[tilespmem:$0x18100] =	vst v63  }
0x38: {  	s11 =	simm.s32 $0xB900  }
0x39: {  	[tilespmem:s11], [sflag:$0x1] =	stream.indirect_vreg.gather [hbm4b:s9+s1], $0x80, v3, vm0, $0xb8;
	[tilespmem:$0x18100] =	vst v63  }
0x3a: {  	v3 =	vld [tilespmem:$0x10];
	_ =	sdelay $0x4  }
0x3b: {  	v4 =	vshll.u32 v3, $0x3  }
0x3c: {  	v3 =	vand.u32 $0x7, v3;
	v4 =	vand.u32 $0xFFFFFFC0, v4  }
0x3d: {  	v3 =	vor.u32 v3, v4  }
0x3e: {  	v4 =	vperm.xlane v3, v0;
	_ =	sdelay $0x1  }
0x3f: {  	v4 =	vadd.s32 v1, v4;
	_ =	sdelay $0x3  }
0x40: {  	s2 =	simm.s32 $0xC100  }
0x41: {  	[tilespmem:s2], [sflag:$0x1] =	stream.indirect_vreg.gather [hbm4b:s3+s1], $0x80, v4, vm0, $0xb8;
	[tilespmem:$0x18100] =	vst v63  }
0x42: {  	s4 =	simm.s32 $0xC900;
	v3 =	vperm.xlane v3, v2  }
0x43: {  	[tilespmem:s4], [sflag:$0x1] =	stream.indirect_vreg.gather [hbm4b:s7+s1], $0x80, v4, vm0, $0xb8;
	[tilespmem:$0x18100] =	vst v63  }
0x44: {  	s5 =	simm.s32 $0xD100;
	v3 =	vadd.s32 v1, v3  }
0x45: {  	[tilespmem:s5], [sflag:$0x1] =	stream.indirect_vreg.gather [hbm4b:s8+s1], $0x80, v4, vm0, $0xb8;
	[tilespmem:$0x18100] =	vst v63  }
0x46: {  	s6 =	simm.s32 $0xD900  }
0x47: {  	[tilespmem:s6], [sflag:$0x1] =	stream.indirect_vreg.gather [hbm4b:s9+s1], $0x80, v4, vm0, $0xb8;
	[tilespmem:$0x18100] =	vst v63  }
0x48: {  	s10 =	simm.s32 $0xE100  }
0x49: {  	[tilespmem:s10], [sflag:$0x1] =	stream.indirect_vreg.gather [hbm4b:s3+s1], $0x80, v3, vm0, $0xb8;
	[tilespmem:$0x18100] =	vst v63  }
0x4a: {  	s11 =	simm.s32 $0xE900  }
0x4b: {  	[tilespmem:s11], [sflag:$0x1] =	stream.indirect_vreg.gather [hbm4b:s7+s1], $0x80, v3, vm0, $0xb8;
	[tilespmem:$0x18100] =	vst v63  }
0x4c: {  	s2 =	simm.s32 $0xF100  }
0x4d: {  	[tilespmem:s2], [sflag:$0x1] =	stream.indirect_vreg.gather [hbm4b:s8+s1], $0x80, v3, vm0, $0xb8;
	[tilespmem:$0x18100] =	vst v63  }
0x4e: {  	s4 =	simm.s32 $0xF900  }
0x4f: {  	[tilespmem:s4], [sflag:$0x1] =	stream.indirect_vreg.gather [hbm4b:s9+s1], $0x80, v3, vm0, $0xb8;
	[tilespmem:$0x18100] =	vst v63  }
0x50: {  	v3 =	vld [tilespmem:$0x80];
	_ =	sdelay $0x4  }
0x51: {  	v4 =	vshll.u32 v3, $0x3  }
0x52: {  	v3 =	vand.u32 $0x7, v3;
	v4 =	vand.u32 $0xFFFFFFC0, v4  }
0x53: {  	v3 =	vor.u32 v3, v4  }
0x54: {  	v4 =	vperm.xlane v3, v0;
	_ =	sdelay $0x1  }
0x55: {  	v4 =	vadd.s32 v1, v4;
	_ =	sdelay $0x3  }
0x56: {  	s5 =	simm.s32 $0x10100  }
0x57: {  	[tilespmem:s5], [sflag:$0x2] =	stream.indirect_vreg.gather [hbm4b:s3+s1], $0x80, v4, vm0, $0xb8;
	[tilespmem:$0x18100] =	vst v63  }
0x58: {  	s6 =	simm.s32 $0x10900;
	v3 =	vperm.xlane v3, v2  }
0x59: {  	[tilespmem:s6], [sflag:$0x2] =	stream.indirect_vreg.gather [hbm4b:s7+s1], $0x80, v4, vm0, $0xb8;
	[tilespmem:$0x18100] =	vst v63  }
0x5a: {  	s10 =	simm.s32 $0x11100;
	v3 =	vadd.s32 v1, v3  }
0x5b: {  	[tilespmem:s10], [sflag:$0x2] =	stream.indirect_vreg.gather [hbm4b:s8+s1], $0x80, v4, vm0, $0xb8;
	[tilespmem:$0x18100] =	vst v63  }
0x5c: {  	_ = 	snop  }
0x5d: {  	[tilespmem:s17], [sflag:$0x2] =	stream.indirect_vreg.gather [hbm4b:s9+s1], $0x80, v4, vm0, $0xb8;
	[tilespmem:$0x18100] =	vst v63  }
0x5e: {  	_ = 	snop  }
0x5f: {  	[tilespmem:s12], [sflag:$0x2] =	stream.indirect_vreg.gather [hbm4b:s3+s1], $0x80, v3, vm0, $0xb8;
	[tilespmem:$0x18100] =	vst v63  }
0x60: {  	_ = 	snop  }
0x61: {  	[tilespmem:s13], [sflag:$0x2] =	stream.indirect_vreg.gather [hbm4b:s7+s1], $0x80, v3, vm0, $0xb8;
	[tilespmem:$0x18100] =	vst v63  }
0x62: {  	_ = 	snop  }
0x63: {  	[tilespmem:s19], [sflag:$0x2] =	stream.indirect_vreg.gather [hbm4b:s8+s1], $0x80, v3, vm0, $0xb8;
	[tilespmem:$0x18100] =	vst v63  }
0x64: {  	_ = 	snop  }
0x65: {  	[tilespmem:s14], [sflag:$0x2] =	stream.indirect_vreg.gather [hbm4b:s9+s1], $0x80, v3, vm0, $0xb8;
	[tilespmem:$0x18100] =	vst v63  }
0x66: {  	v3 =	vld [tilespmem:$0x90];
	_ =	sdelay $0x4  }
0x67: {  	v4 =	vshll.u32 v3, $0x3  }
0x68: {  	v3 =	vand.u32 $0x7, v3;
	v4 =	vand.u32 $0xFFFFFFC0, v4  }
0x69: {  	v3 =	vor.u32 v3, v4  }
0x6a: {  	v4 =	vperm.xlane v3, v0;
	_ =	sdelay $0x1  }
0x6b: {  	v4 =	vadd.s32 v1, v4;
	_ =	sdelay $0x4  }
0x6c: {  	[tilespmem:s20], [sflag:$0x2] =	stream.indirect_vreg.gather [hbm4b:s3+s1], $0x80, v4, vm0, $0xb8;
	[tilespmem:$0x18100] =	vst v63  }
0x6d: {  	v3 =	vperm.xlane v3, v2  }
0x6e: {  	[tilespmem:s15], [sflag:$0x2] =	stream.indirect_vreg.gather [hbm4b:s7+s1], $0x80, v4, vm0, $0xb8;
	[tilespmem:$0x18100] =	vst v63  }
0x6f: {  	v3 =	vadd.s32 v1, v3  }
0x70: {  	[tilespmem:s21], [sflag:$0x2] =	stream.indirect_vreg.gather [hbm4b:s8+s1], $0x80, v4, vm0, $0xb8;
	[tilespmem:$0x18100] =	vst v63  }
0x71: {  	_ = 	snop  }
0x72: {  	[tilespmem:s22], [sflag:$0x2] =	stream.indirect_vreg.gather [hbm4b:s9+s1], $0x80, v4, vm0, $0xb8;
	[tilespmem:$0x18100] =	vst v63  }
0x73: {  	_ = 	snop  }
0x74: {  	[tilespmem:s23], [sflag:$0x2] =	stream.indirect_vreg.gather [hbm4b:s3+s1], $0x80, v3, vm0, $0xb8;
	[tilespmem:$0x18100] =	vst v63  }
0x75: {  	_ = 	snop  }
0x76: {  	[tilespmem:s24], [sflag:$0x2] =	stream.indirect_vreg.gather [hbm4b:s7+s1], $0x80, v3, vm0, $0xb8;
	[tilespmem:$0x18100] =	vst v63  }
0x77: {  	_ = 	snop  }
0x78: {  	[tilespmem:s25], [sflag:$0x2] =	stream.indirect_vreg.gather [hbm4b:s8+s1], $0x80, v3, vm0, $0xb8;
	[tilespmem:$0x18100] =	vst v63  }
0x79: {  	_ = 	snop  }
0x7a: {  	[tilespmem:s26], [sflag:$0x2] =	stream.indirect_vreg.gather [hbm4b:s9+s1], $0x80, v3, vm0, $0xb8;
	[tilespmem:$0x18100] =	vst v63  }
0x7b: {  	_ =	swait.ge [sflag:s28], $0x8000  }
0x7c: {  	s11 =	sand.u32 $0x70, s1;
	s4 =	sand.u32 $0x1C00, s1;
	[sflag:s28] =	ssyncset.done $0x0  }
0x7d: {  	s0 =	sor.u32 s4, s11;
	s6 =	simm.s32 $0x0;
	[sflag:s28] =	ssyncadd.s32 $0xFFFF8000  }
0x7e: {  	s5 =	simm.s32 $0x0;
	s2 =	sand.u32 $0x6000, s6;
	_ =	swait.ge [sflag:s29], $0x8000  }
0x7f: {  	s10 =	sand.u32 $0x380, s5;
	s0 =	sor.u32 s2, s0;
	[sflag:s29] =	ssyncset.done $0x0  }
0x80: {  	s31 =	sor.u32 s10, s0;
	[sflag:s29] =	ssyncadd.s32 $0xFFFF8000  }
0x81: {  	v4 =	vld [tilespmem:s31+$0x8100]  }
0x82: {  	v5 =	vld [tilespmem:s31+$0x100];
	_ =	sdelay $0x1  }
0x83: {  	v3 =	vld [tilespmem:s31+$0x10100];
	_ =	sdelay $0x1  }
0x84: {  	s4 =	simm.s32 $0x2;
	s2 =	simm.s32 $0x80;
	s0 =	simm.s32 $0x10  }
0x85: {  	s6 =	simm.s32 $0x10;
	s10 =	sand.u32 $0x1C00, s2;
	s11 =	sand.u32 $0x70, s0;
	v4 =	vadd.f32 v4, v5  }
0x86: {  	s5 =	simm.s32 $0x2;
	s6 =	sand.u32 $0x6000, s6;
	s10 =	sor.u32 s10, s11  }
.LBB2_2:
0x87: {  	p0 =	sne.s32 s4, $0x7FF;
	s5 =	sand.u32 $0x380, s5;
	s6 =	sor.u32 s6, s10;
	v3 =	vadd.f32 v3, v4  }
0x88: {  	s5 =	sor.u32 s5, s6  }
0x89: {  	v4 =	vld [tilespmem:s5+$0x8100];
	[tilespmem:s31+$0x100] =	vst v3;
	s31 =	smov.u32 s5  }
0x8a: {  	v5 =	vld [tilespmem:s31+$0x100];
	_ =	sdelay $0x1  }
.Ltmp0:
0x8b: {  	v3 =	vld [tilespmem:s31+$0x10100];
	(pc) =	sbr.rel @p0 .LBB2_2-.Ltmp0, $4  }
0x8c: {  	_ = 	snop  }
0x8d: {  	s0 =	sadd.s32 $0x10, s0;
	s2 =	sadd.s32 $0x80, s2;
	s5 =	sshll.u32 s4, $0x1  }
0x8e: {  	s10 =	sand.u32 $0x70, s0;
	s6 =	sshll.u32 s4, $0x4;
	s11 =	sand.u32 $0x1C00, s2;
	v4 =	vadd.f32 v4, v5  }
0x8f: {  	s6 =	sand.u32 $0x6000, s6;
	s10 =	sor.u32 s11, s10;
	s4 =	sadd.s32 $0x1, s4  }
0x90: {  	s0 =	sand.u32 $0x380, s5;
	s2 =	sor.u32 s6, s10;
	v3 =	vadd.f32 v3, v4  }
0x91: {  	s0 =	sor.u32 s0, s2  }
0x92: {  	v4 =	vld [tilespmem:s0+$0x8100];
	[tilespmem:s31+$0x100] =	vst v3  }
0x93: {  	v3 =	vld [tilespmem:s0+$0x100];
	_ =	sdelay $0x1  }
0x94: {  	v5 =	vld [tilespmem:s0+$0x10100];
	_ =	sdelay $0x2  }
0x95: {  	v3 =	vadd.f32 v4, v3;
	_ =	sdelay $0x1  }
0x96: {  	v3 =	vadd.f32 v5, v3;
	_ =	sdelay $0x1  }
0x97: {  	s5 =	rddreg [dreg:$0x6];
	s31 =	simm.s32 $0x0;
	[tilespmem:s0+$0x100] =	vst v3  }
0x98: {  	[hbm4b:s5+s31] =	stream.linear.scatter [tilespmem:s18], [sflag:$0x3], $0x8000, $0x38;
	[tilespmem:$0x18100] =	vst v63  }
0x99: {  	_ =	swait.ge [sflag:s16], $0x8000  }
0x9a: {  	[sflag:s16] =	ssyncset.done $0x0  }
0x9b: {  	s6 =	rddreg [dreg:$0x7];
	[sflag:s16] =	ssyncadd.s32 $0xFFFF8000  }
0x9c: {  	[tilespmem:s31], [sflag:$0x3] =	stream.linear.gather [hbm4b:s6+s31], $0x20, $0x38;
	[tilespmem:$0x18100] =	vst v63  }
0x9d: {  	_ =	swait.ge [sflag:s16], $0x20  }
0x9e: {  	[sflag:s16] =	ssyncset.done $0x0  }
0x9f: {  	s11 =	simm.s32 $0x80;
	s10 =	rddreg [dreg:$0x8];
	[sflag:s16] =	ssyncadd.s32 $0xFFFFFFE0  }
0xa0: {  	[tilespmem:s11], [sflag:$0x3] =	stream.linear.gather [hbm4b:s10+s31], $0x20, $0x38;
	[tilespmem:$0x18100] =	vst v63  }
0xa1: {  	_ =	swait.ge [sflag:s16], $0x20  }
0xa2: {  	[sflag:s16] =	ssyncset.done $0x0  }
0xa3: {  	s4 =	rddreg [dreg:$0x9];
	[sflag:s16] =	ssyncadd.s32 $0xFFFFFFE0  }
0xa4: {  	[tilespmem:s18], [sflag:$0x3] =	stream.linear.gather [hbm4b:s4+s31], $0x8000, $0x38;
	[tilespmem:$0x18100] =	vst v63  }
0xa5: {  	_ =	swait.ge [sflag:s16], $0x8000  }
0xa6: {  	[sflag:s16] =	ssyncset.done $0x0  }
0xa7: {  	[sflag:s16] =	ssyncadd.s32 $0xFFFF8000  }
0xa8: {  	v3 =	vld [tilespmem:$0x0];
	_ =	sdelay $0x4  }
0xa9: {  	v4 =	vshll.u32 v3, $0x3  }
0xaa: {  	v3 =	vand.u32 $0x7, v3;
	v4 =	vand.u32 $0xFFFFFFC0, v4  }
0xab: {  	v3 =	vor.u32 v3, v4  }
0xac: {  	v4 =	vperm.xlane v3, v0;
	_ =	sdelay $0x1  }
0xad: {  	v4 =	vadd.s32 v1, v4;
	_ =	sdelay $0x3  }
0xae: {  	s5 =	simm.s32 $0x8100  }
0xaf: {  	[tilespmem:s5], [sflag:$0x1] =	stream.indirect_vreg.gather [hbm4b:s3+s31], $0x80, v4, vm0, $0xb8;
	[tilespmem:$0x18100] =	vst v63  }
0xb0: {  	s6 =	simm.s32 $0x8900;
	v3 =	vperm.xlane v3, v2  }
0xb1: {  	[tilespmem:s6], [sflag:$0x1] =	stream.indirect_vreg.gather [hbm4b:s7+s31], $0x80, v4, vm0, $0xb8;
	[tilespmem:$0x18100] =	vst v63  }
0xb2: {  	s10 =	simm.s32 $0x9100;
	v3 =	vadd.s32 v1, v3  }
0xb3: {  	[tilespmem:s10], [sflag:$0x1] =	stream.indirect_vreg.gather [hbm4b:s8+s31], $0x80, v4, vm0, $0xb8;
	[tilespmem:$0x18100] =	vst v63  }
0xb4: {  	s11 =	simm.s32 $0x9900  }
0xb5: {  	[tilespmem:s11], [sflag:$0x1] =	stream.indirect_vreg.gather [hbm4b:s9+s31], $0x80, v4, vm0, $0xb8;
	[tilespmem:$0x18100] =	vst v63  }
0xb6: {  	s2 =	simm.s32 $0xA100  }
0xb7: {  	[tilespmem:s2], [sflag:$0x1] =	stream.indirect_vreg.gather [hbm4b:s3+s31], $0x80, v3, vm0, $0xb8;
	[tilespmem:$0x18100] =	vst v63  }
0xb8: {  	s4 =	simm.s32 $0xA900  }
0xb9: {  	[tilespmem:s4], [sflag:$0x1] =	stream.indirect_vreg.gather [hbm4b:s7+s31], $0x80, v3, vm0, $0xb8;
	[tilespmem:$0x18100] =	vst v63  }
0xba: {  	s5 =	simm.s32 $0xB100  }
0xbb: {  	[tilespmem:s5], [sflag:$0x1] =	stream.indirect_vreg.gather [hbm4b:s8+s31], $0x80, v3, vm0, $0xb8;
	[tilespmem:$0x18100] =	vst v63  }
0xbc: {  	s6 =	simm.s32 $0xB900  }
0xbd: {  	[tilespmem:s6], [sflag:$0x1] =	stream.indirect_vreg.gather [hbm4b:s9+s31], $0x80, v3, vm0, $0xb8;
	[tilespmem:$0x18100] =	vst v63  }
0xbe: {  	v3 =	vld [tilespmem:$0x10];
	_ =	sdelay $0x4  }
0xbf: {  	v4 =	vshll.u32 v3, $0x3  }
0xc0: {  	v3 =	vand.u32 $0x7, v3;
	v4 =	vand.u32 $0xFFFFFFC0, v4  }
0xc1: {  	v3 =	vor.u32 v3, v4  }
0xc2: {  	v4 =	vperm.xlane v3, v0;
	_ =	sdelay $0x1  }
0xc3: {  	v4 =	vadd.s32 v1, v4;
	_ =	sdelay $0x3  }
0xc4: {  	s10 =	simm.s32 $0xC100  }
0xc5: {  	[tilespmem:s10], [sflag:$0x1] =	stream.indirect_vreg.gather [hbm4b:s3+s31], $0x80, v4, vm0, $0xb8;
	[tilespmem:$0x18100] =	vst v63  }
0xc6: {  	s11 =	simm.s32 $0xC900;
	v3 =	vperm.xlane v3, v2  }
0xc7: {  	[tilespmem:s11], [sflag:$0x1] =	stream.indirect_vreg.gather [hbm4b:s7+s31], $0x80, v4, vm0, $0xb8;
	[tilespmem:$0x18100] =	vst v63  }
0xc8: {  	s2 =	simm.s32 $0xD100;
	v3 =	vadd.s32 v1, v3  }
0xc9: {  	[tilespmem:s2], [sflag:$0x1] =	stream.indirect_vreg.gather [hbm4b:s8+s31], $0x80, v4, vm0, $0xb8;
	[tilespmem:$0x18100] =	vst v63  }
0xca: {  	s4 =	simm.s32 $0xD900  }
0xcb: {  	[tilespmem:s4], [sflag:$0x1] =	stream.indirect_vreg.gather [hbm4b:s9+s31], $0x80, v4, vm0, $0xb8;
	[tilespmem:$0x18100] =	vst v63  }
0xcc: {  	s5 =	simm.s32 $0xE100  }
0xcd: {  	[tilespmem:s5], [sflag:$0x1] =	stream.indirect_vreg.gather [hbm4b:s3+s31], $0x80, v3, vm0, $0xb8;
	[tilespmem:$0x18100] =	vst v63  }
0xce: {  	s6 =	simm.s32 $0xE900  }
0xcf: {  	[tilespmem:s6], [sflag:$0x1] =	stream.indirect_vreg.gather [hbm4b:s7+s31], $0x80, v3, vm0, $0xb8;
	[tilespmem:$0x18100] =	vst v63  }
0xd0: {  	s10 =	simm.s32 $0xF100  }
0xd1: {  	[tilespmem:s10], [sflag:$0x1] =	stream.indirect_vreg.gather [hbm4b:s8+s31], $0x80, v3, vm0, $0xb8;
	[tilespmem:$0x18100] =	vst v63  }
0xd2: {  	s11 =	simm.s32 $0xF900  }
0xd3: {  	[tilespmem:s11], [sflag:$0x1] =	stream.indirect_vreg.gather [hbm4b:s9+s31], $0x80, v3, vm0, $0xb8;
	[tilespmem:$0x18100] =	vst v63  }
0xd4: {  	v3 =	vld [tilespmem:$0x80];
	_ =	sdelay $0x4  }
0xd5: {  	v4 =	vshll.u32 v3, $0x3  }
0xd6: {  	v3 =	vand.u32 $0x7, v3;
	v4 =	vand.u32 $0xFFFFFFC0, v4  }
0xd7: {  	v3 =	vor.u32 v3, v4  }
0xd8: {  	v4 =	vperm.xlane v3, v0;
	_ =	sdelay $0x1  }
0xd9: {  	v4 =	vadd.s32 v1, v4;
	_ =	sdelay $0x3  }
0xda: {  	s2 =	simm.s32 $0x10100  }
0xdb: {  	[tilespmem:s2], [sflag:$0x2] =	stream.indirect_vreg.gather [hbm4b:s3+s31], $0x80, v4, vm0, $0xb8;
	[tilespmem:$0x18100] =	vst v63  }
0xdc: {  	s4 =	simm.s32 $0x10900;
	v3 =	vperm.xlane v3, v2  }
0xdd: {  	[tilespmem:s4], [sflag:$0x2] =	stream.indirect_vreg.gather [hbm4b:s7+s31], $0x80, v4, vm0, $0xb8;
	[tilespmem:$0x18100] =	vst v63  }
0xde: {  	s5 =	simm.s32 $0x11100;
	v3 =	vadd.s32 v1, v3  }
0xdf: {  	[tilespmem:s5], [sflag:$0x2] =	stream.indirect_vreg.gather [hbm4b:s8+s31], $0x80, v4, vm0, $0xb8;
	[tilespmem:$0x18100] =	vst v63  }
0xe0: {  	_ = 	snop  }
0xe1: {  	[tilespmem:s17], [sflag:$0x2] =	stream.indirect_vreg.gather [hbm4b:s9+s31], $0x80, v4, vm0, $0xb8;
	[tilespmem:$0x18100] =	vst v63  }
0xe2: {  	_ = 	snop  }
0xe3: {  	[tilespmem:s12], [sflag:$0x2] =	stream.indirect_vreg.gather [hbm4b:s3+s31], $0x80, v3, vm0, $0xb8;
	[tilespmem:$0x18100] =	vst v63  }
0xe4: {  	_ = 	snop  }
0xe5: {  	[tilespmem:s13], [sflag:$0x2] =	stream.indirect_vreg.gather [hbm4b:s7+s31], $0x80, v3, vm0, $0xb8;
	[tilespmem:$0x18100] =	vst v63  }
0xe6: {  	_ = 	snop  }
0xe7: {  	[tilespmem:s19], [sflag:$0x2] =	stream.indirect_vreg.gather [hbm4b:s8+s31], $0x80, v3, vm0, $0xb8;
	[tilespmem:$0x18100] =	vst v63  }
0xe8: {  	_ = 	snop  }
0xe9: {  	[tilespmem:s14], [sflag:$0x2] =	stream.indirect_vreg.gather [hbm4b:s9+s31], $0x80, v3, vm0, $0xb8;
	[tilespmem:$0x18100] =	vst v63  }
0xea: {  	v3 =	vld [tilespmem:$0x90];
	_ =	sdelay $0x4  }
0xeb: {  	v4 =	vshll.u32 v3, $0x3  }
0xec: {  	v3 =	vand.u32 $0x7, v3;
	v4 =	vand.u32 $0xFFFFFFC0, v4  }
0xed: {  	v3 =	vor.u32 v3, v4  }
0xee: {  	v4 =	vperm.xlane v3, v0;
	_ =	sdelay $0x1  }
0xef: {  	v4 =	vadd.s32 v1, v4;
	_ =	sdelay $0x4  }
0xf0: {  	[tilespmem:s20], [sflag:$0x2] =	stream.indirect_vreg.gather [hbm4b:s3+s31], $0x80, v4, vm0, $0xb8;
	[tilespmem:$0x18100] =	vst v63  }
0xf1: {  	v3 =	vperm.xlane v3, v2  }
0xf2: {  	[tilespmem:s15], [sflag:$0x2] =	stream.indirect_vreg.gather [hbm4b:s7+s31], $0x80, v4, vm0, $0xb8;
	[tilespmem:$0x18100] =	vst v63  }
0xf3: {  	v3 =	vadd.s32 v1, v3  }
0xf4: {  	[tilespmem:s21], [sflag:$0x2] =	stream.indirect_vreg.gather [hbm4b:s8+s31], $0x80, v4, vm0, $0xb8;
	[tilespmem:$0x18100] =	vst v63  }
0xf5: {  	_ = 	snop  }
0xf6: {  	[tilespmem:s22], [sflag:$0x2] =	stream.indirect_vreg.gather [hbm4b:s9+s31], $0x80, v4, vm0, $0xb8;
	[tilespmem:$0x18100] =	vst v63  }
0xf7: {  	_ = 	snop  }
0xf8: {  	[tilespmem:s23], [sflag:$0x2] =	stream.indirect_vreg.gather [hbm4b:s3+s31], $0x80, v3, vm0, $0xb8;
	[tilespmem:$0x18100] =	vst v63  }
0xf9: {  	_ = 	snop  }
0xfa: {  	[tilespmem:s24], [sflag:$0x2] =	stream.indirect_vreg.gather [hbm4b:s7+s31], $0x80, v3, vm0, $0xb8;
	[tilespmem:$0x18100] =	vst v63  }
0xfb: {  	_ = 	snop  }
0xfc: {  	[tilespmem:s25], [sflag:$0x2] =	stream.indirect_vreg.gather [hbm4b:s8+s31], $0x80, v3, vm0, $0xb8;
	[tilespmem:$0x18100] =	vst v63  }
0xfd: {  	_ = 	snop  }
0xfe: {  	[tilespmem:s26], [sflag:$0x2] =	stream.indirect_vreg.gather [hbm4b:s9+s31], $0x80, v3, vm0, $0xb8;
	[tilespmem:$0x18100] =	vst v63  }
0xff: {  	_ =	swait.ge [sflag:s28], $0x8000  }
0x100: {  	s6 =	sand.u32 $0x70, s31;
	s10 =	simm.s32 $0x0;
	[sflag:s28] =	ssyncset.done $0x0  }
0x101: {  	s11 =	simm.s32 $0x0;
	s4 =	sand.u32 $0x1C00, s31;
	[sflag:s28] =	ssyncadd.s32 $0xFFFF8000  }
0x102: {  	s2 =	sand.u32 $0x6000, s10;
	s0 =	sor.u32 s4, s6;
	_ =	swait.ge [sflag:s29], $0x8000  }
0x103: {  	s6 =	sand.u32 $0x380, s11;
	s0 =	sor.u32 s2, s0;
	[sflag:s29] =	ssyncset.done $0x0  }
0x104: {  	s31 =	sor.u32 s6, s0;
	[sflag:s29] =	ssyncadd.s32 $0xFFFF8000  }
0x105: {  	v4 =	vld [tilespmem:s31+$0x8100]  }
0x106: {  	v5 =	vld [tilespmem:s31+$0x100];
	_ =	sdelay $0x1  }
0x107: {  	v3 =	vld [tilespmem:s31+$0x10100];
	_ =	sdelay $0x1  }
0x108: {  	s10 =	simm.s32 $0x10;
	s2 =	simm.s32 $0x80;
	s0 =	simm.s32 $0x10  }
0x109: {  	s5 =	simm.s32 $0x2;
	s11 =	sand.u32 $0x1C00, s2;
	s4 =	sand.u32 $0x70, s0;
	v4 =	vadd.f32 v4, v5  }
0x10a: {  	s6 =	sand.u32 $0x6000, s10;
	s10 =	sor.u32 s11, s4;
	s4 =	simm.s32 $0x2  }
.LBB2_4:
0x10b: {  	p0 =	sne.s32 s4, $0x7FF;
	s5 =	sand.u32 $0x380, s5;
	s6 =	sor.u32 s6, s10;
	v3 =	vadd.f32 v3, v4  }
0x10c: {  	s5 =	sor.u32 s5, s6  }
0x10d: {  	v4 =	vld [tilespmem:s5+$0x8100];
	[tilespmem:s31+$0x100] =	vst v3;
	s31 =	smov.u32 s5  }
0x10e: {  	v5 =	vld [tilespmem:s31+$0x100];
	_ =	sdelay $0x1  }
.Ltmp1:
0x10f: {  	v3 =	vld [tilespmem:s31+$0x10100];
	(pc) =	sbr.rel @p0 .LBB2_4-.Ltmp1, $4  }
0x110: {  	_ = 	snop  }
0x111: {  	s0 =	sadd.s32 $0x10, s0;
	s2 =	sadd.s32 $0x80, s2;
	s5 =	sshll.u32 s4, $0x1  }
0x112: {  	s10 =	sand.u32 $0x70, s0;
	s6 =	sshll.u32 s4, $0x4;
	s11 =	sand.u32 $0x1C00, s2;
	v4 =	vadd.f32 v4, v5  }
0x113: {  	s6 =	sand.u32 $0x6000, s6;
	s10 =	sor.u32 s11, s10;
	s4 =	sadd.s32 $0x1, s4  }
0x114: {  	s0 =	sand.u32 $0x380, s5;
	s2 =	sor.u32 s6, s10;
	v3 =	vadd.f32 v3, v4  }
0x115: {  	s0 =	sor.u32 s0, s2  }
0x116: {  	v63 =	vld [tilespmem:s0+$0x8100];
	[tilespmem:s31+$0x100] =	vst v3  }
0x117: {  	v3 =	vld [tilespmem:s0+$0x100];
	_ =	sdelay $0x1  }
0x118: {  	v5 =	vld [tilespmem:s0+$0x10100];
	_ =	sdelay $0x2  }
0x119: {  	v3 =	vadd.f32 v63, v3;
	_ =	sdelay $0x1  }
0x11a: {  	v3 =	vadd.f32 v5, v3;
	_ =	sdelay $0x1  }
0x11b: {  	s11 =	rddreg [dreg:$0xa];
	[tilespmem:s0+$0x100] =	vst v3  }
0x11c: {  	[hbm4b:s11+s1] =	stream.linear.scatter [tilespmem:s18], [sflag:$0x3], $0x8000, $0x38;
	[tilespmem:$0x18100] =	vst v63  }
0x11d: {  	_ =	swait.ge [sflag:s16], $0x8000  }
0x11e: {  	s30 =	sadd.s32 $0x1, s30;
	s31 =	rddreg [dreg:$0xb]  }
0x11f: {  	p0 =	sne.s32 s30, s31  }
.Ltmp2:
0x120: {  	_ = 	snop;
	(pc) =	sbr.rel @p0 .LBB2_1-.Ltmp2, $3  }
0x121: {  	_ =	sdelay $0x1  }
0x122: {  	[sflag:s16] =	ssyncset.done $0x0  }
0x123: {  	[sflag:s16] =	ssyncadd.s32 $0xFFFF8000  }
0x124: {  	_ =	sfence.sel $0x180000  }
0x125: {  	[bflag:$0x0] =	sbarrier.arrive $0xFFFF  }
0x126: {  	_ =	strace $0x9000004A  }
0x127: {  	s0 =	stileid.u32;
	[bflag:$0x2] =	sbarrier.arrive $0xFFFF  }
0x128: {  	p0 =	sne.s32 s0, $0x0;
	s0 =	rddreg [dreg:$0x2]  }
0x129: {  	s0 =	sadd.s32 @!p0 $0x100000, s0  }
0x12a: {  	[sflag:s0] =	ssyncadd.tile.s32 @!p0 $0x1;
	_ =	shalt  }
.Lfunc_end2:
_tile_overlayer_lowered:
.L_overlay_start_2:
0x12b: {  	(tag) =	ssettag $0x2  }
0x12c: {  	s0 =	rddreg [dreg:$0x0];
	s2 =	stileid.u32  }
0x12d: {  	s1 =	rddreg [dreg:$0x1];
	p0 =	sne.s32 s2, $0x0  }
0x12e: {  	s3 =	rddreg [dreg:$0x2];
	[bflag:$0x3] =	sbarrier.arrive $0xFFFF;
	s2 =	simm.s32 @!p0 $0x1C03  }
0x12f: {  	[timem:s3], [sflag:s2] =	dma.local @!p0 [hbm:s0], s1  }
0x130: {  	s0 =	simm.s32 @!p0 $0x3  }
0x131: {  	_ =	swait.ge @!p0 [sflag:s0], s1  }
0x132: {  	s1 =	ssub.s32 @!p0 $0x0, s1;
	[sflag:s0] =	ssyncset.done @!p0 $0x0  }
0x133: {  	[sflag:s0] =	ssyncadd.s32 @!p0 s1  }
0x134: {  	[bflag:$0x3] =	sbarrier.arrive $0xFFFF  }
0x135: {  	_ =	shalt  }

// kernel: kernel.9.cloned.1.call-start
scs
__scs_entry_jumppad:
0x0: {  	(pc) =	sbr.rel $0x88, $3  }
0x1: {  	(tag) =	ssettag $0x0;
	lr =	simm.s32 $0x1  }
0x2: {  	[smem:$0x3F94] =	sst lr;
	_ =	strace $0xD0000000  }
0x3: {  	_ = 	snop  }
0x4: {  	_ = 	snop  }
0x5: {  	_ = 	snop  }
0x6: {  	_ = 	snop  }
0x7: {  	_ = 	snop  }
__scs_overlays_trampoline_lowered:
0x8: {  	[smem:$0x3FA3] =	sst s0  }
0x9: {  	[smem:$0x3FA4] =	sst s1  }
0xa: {  	[smem:$0x3FA5] =	sst s2  }
0xb: {  	[smem:$0x3FA6] =	sst s3  }
0xc: {  	[smem:$0x3FA7] =	sst s4  }
0xd: {  	[smem:$0x3FA8] =	sst s5  }
0xe: {  	[smem:$0x3FA9] =	sst s6  }
0xf: {  	[smem:$0x3FAA] =	sst s7  }
0x10: {  	[smem:$0x3FAB] =	sst s8  }
0x11: {  	[smem:$0x3FAC] =	sst s9;
	s0 =	simm.s32 @!p0 $0x0  }
0x12: {  	s1 =	sld [smem:$0x3F92];
	s0 =	simm.s32 @p0 $0x1  }
0x13: {  	[smem:$0x3FAD] =	sst s0;
	s0 =	simm.s32 @!p1 $0x0  }
0x14: {  	s2 =	sld [smem:$0x3F91];
	s0 =	simm.s32 @p1 $0x1  }
0x15: {  	[smem:$0x3FAE] =	sst s0;
	s0 =	simm.s32 @!p2 $0x0  }
0x16: {  	s3 =	sld [smem:$0x3FDB];
	s0 =	simm.s32 @p2 $0x1  }
0x17: {  	s4 =	simm.s32 $0x1BF5;
	[smem:$0x3FB0] =	sst s0  }
0x18: {  	s0 =	sld [smem:$0x3F93];
	_ =	swait.ge [sflag:s4], $0x0  }
0x19: {  	s7 =	sld [smem:$0x3F94]  }
0x1a: {  	s8 =	sadd.s32 $0xFFFFE003, lr  }
0x1b: {  	s9 =	sadd.s32 $0xFFFFFEF7, lr;
	s5 =	simm.s32 $0xFFFFFFFF;
	p2 =	slt.u32 s8, $0xFFFFF086  }
0x1c: {  	p1 =	slt.u32 s9, $0xF7A;
	s5 =	simm.s32 @!p2 $0x0  }
0x1d: {  	s5 =	simm.s32 @p1 $0x1;
	p0 =	seq.s32 s7, s2  }
0x1e: {  	s7 =	smul.u32 @!p0 $0xF7A, s2;
	p2 =	seq.s32 @!p0 s5, $0x0  }
0x1f: {  	s9 =	smul.u32 $0xF7A, s1;
	s8 =	simm.s32 @!p0 $0x1BF5;
	p2 =	por !p2, p0  }
0x20: {  	[sflag:s8] =	ssyncset.s32 @!p0 $0xFFFFF086;
	s6 =	sadd.s32 @!p0 s3, s7;
	s7 =	simm.s32 @!p0 $0x108  }
0x21: {  	s3 =	sadd.s32 s3, s9;
	s6 =	sadd.s32 @!p0 $0x88, s6;
	s7 =	simm.s32 @p2 $0x1082  }
0x22: {  	[simem:s7], [sflag:s8] =	dma.local @!p0 [hbm:s6], $0xF7A  }
0x23: {  	s9 =	sor.u32 $0xD0000000, s2;
	s6 =	simm.s32 $0x108;
	_ =	swait.ge @!p0 [sflag:s8], $0x0  }
0x24: {  	s3 =	sadd.s32 $0x88, s3;
	s6 =	simm.s32 @!p1 $0x1082;
	[sflag:s4] =	ssyncset.s32 $0xFFFFF086  }
0x25: {  	[simem:s6], [sflag:s4] =	dma.local [hbm:s3], $0xF7A  }
0x26: {  	[smem:$0x3F94] =	sst s1;
	(tag) =	ssettag s2;
	_ =	strace s9  }
0x27: {  	s1 =	sld [smem:$0x3FA4]  }
0x28: {  	s2 =	sld [smem:$0x3FA5]  }
0x29: {  	s4 =	sld [smem:$0x3FA7]  }
0x2a: {  	p0 =	seq.s32 s5, $0x0;
	s5 =	sld [smem:$0x3FA8]  }
0x2b: {  	s6 =	sld [smem:$0x3FA9]  }
0x2c: {  	s7 =	sld [smem:$0x3FAA]  }
0x2d: {  	s3 =	simm.s32 $0x108;
	s8 =	sld [smem:$0x3FAB]  }
0x2e: {  	s3 =	simm.s32 @!p0 $0x1082;
	s9 =	sld [smem:$0x3FAC]  }
0x2f: {  	lr =	sadd.s32 s0, s3;
	s0 =	sld [smem:$0x3FA3]  }
0x30: {  	s3 =	sld [smem:$0x3FA6]  }
0x31: {  	[smem:$0x3FAF] =	sst s10  }
0x32: {  	s10 =	sld [smem:$0x3FAD];
	_ =	sdelay $0x3  }
0x33: {  	p0 =	seq.s32 s10, $0x1;
	s10 =	sld [smem:$0x3FAF];
	_ =	sdelay $0x3  }
0x34: {  	[smem:$0x3FAF] =	sst s10  }
0x35: {  	s10 =	sld [smem:$0x3FAE];
	_ =	sdelay $0x3  }
0x36: {  	p1 =	seq.s32 s10, $0x1;
	s10 =	sld [smem:$0x3FAF];
	_ =	sdelay $0x3  }
0x37: {  	[smem:$0x3FAF] =	sst s10  }
0x38: {  	s10 =	sld [smem:$0x3FB0]  }
0x39: {  	_ = 	snop;
	(pc) =	sbr.ind lr, $3  }
0x3a: {  	_ = 	snop  }
0x3b: {  	_ = 	snop  }
0x3c: {  	p2 =	seq.s32 s10, $0x1;
	s10 =	sld [smem:$0x3FAF]  }
0x3d: {  	_ =	shalt  }
0x3e: {  	_ =	shalt  }
0x3f: {  	_ =	shalt  }
0x40: {  	_ =	shalt  }
0x41: {  	_ =	shalt  }
0x42: {  	_ =	shalt  }
0x43: {  	_ =	shalt  }
0x44: {  	_ =	shalt  }
0x45: {  	_ =	shalt  }
0x46: {  	_ =	shalt  }
0x47: {  	_ =	shalt  }
0x48: {  	_ =	shalt  }
0x49: {  	_ =	shalt  }
0x4a: {  	_ =	shalt  }
0x4b: {  	_ =	shalt  }
0x4c: {  	_ =	shalt  }
0x4d: {  	_ =	shalt  }
0x4e: {  	_ =	shalt  }
0x4f: {  	_ =	shalt  }
0x50: {  	_ =	shalt  }
0x51: {  	_ =	shalt  }
0x52: {  	_ =	shalt  }
0x53: {  	_ =	shalt  }
0x54: {  	_ =	shalt  }
0x55: {  	_ =	shalt  }
0x56: {  	_ =	shalt  }
0x57: {  	_ =	shalt  }
0x58: {  	_ =	shalt  }
0x59: {  	_ =	shalt  }
0x5a: {  	_ =	shalt  }
0x5b: {  	_ =	shalt  }
0x5c: {  	_ =	shalt  }
0x5d: {  	_ =	shalt  }
0x5e: {  	_ =	shalt  }
0x5f: {  	_ =	shalt  }
0x60: {  	_ =	shalt  }
0x61: {  	_ =	shalt  }
0x62: {  	_ =	shalt  }
0x63: {  	_ =	shalt  }
0x64: {  	_ =	shalt  }
0x65: {  	_ =	shalt  }
0x66: {  	_ =	shalt  }
0x67: {  	_ =	shalt  }
0x68: {  	_ =	shalt  }
0x69: {  	_ =	shalt  }
0x6a: {  	_ =	shalt  }
0x6b: {  	_ =	shalt  }
0x6c: {  	_ =	shalt  }
0x6d: {  	_ =	shalt  }
0x6e: {  	_ =	shalt  }
0x6f: {  	_ =	shalt  }
0x70: {  	_ =	shalt  }
0x71: {  	_ =	shalt  }
0x72: {  	_ =	shalt  }
0x73: {  	_ =	shalt  }
0x74: {  	_ =	shalt  }
0x75: {  	_ =	shalt  }
0x76: {  	_ =	shalt  }
0x77: {  	_ =	shalt  }
0x78: {  	_ =	shalt  }
0x79: {  	_ =	shalt  }
0x7a: {  	_ =	shalt  }
0x7b: {  	_ =	shalt  }
0x7c: {  	_ =	shalt  }
0x7d: {  	_ =	shalt  }
0x7e: {  	_ =	shalt  }
0x7f: {  	_ =	shalt  }
0x80: {  	_ =	shalt  }
0x81: {  	_ =	shalt  }
0x82: {  	_ =	shalt  }
0x83: {  	_ =	shalt  }
0x84: {  	_ =	shalt  }
0x85: {  	_ =	shalt  }
0x86: {  	_ =	shalt  }
0x87: {  	_ =	shalt  }
.Lfunc_end0:
.L_simem_size_0:
called_computation_lowered:
.L_overlay_start_0:
0x88: {  	s2 =	sld [smem:$0x3FD9]  }
0x89: {  	s3 =	sld [smem:$0x3FFE];
	_ =	sdelay $0x1  }
0x8a: {  	s1 =	srdreg.scid  }
0x8b: {  	s0 =	sand.u32 $0x1, s1  }
0x8c: {  	s14 =	sshll.u32 s0, $0xA;
	s2 =	sadd.s32 s3, s2  }
0x8d: {  	s2 =	sadd.s32 s2, s14  }
0x8e: {  	[smem:$0x3FBB] =	sst s2  }
0x8f: {  	_ = 	snop  }
0x90: {  	s2 =	sld [smem:$0x3FD0];
	_ =	sdelay $0x2  }
0x91: {  	s15 =	simm.s32 $0xA;
	s4 =	simm.s32 $0x10  }
0x92: {  	[smem:s4], [sflag:s15] =	dma.local [hbm:s2], $0x1  }
0x93: {  	_ =	swait.eq [sflag:s15], $0x1  }
0x94: {  	[sflag:s15] =	ssyncset.done $0x0  }
0x95: {  	[sflag:s15] =	ssyncadd.s32 $0xFFFFFFFF  }
0x96: {  	s16 =	sld [smem:$0x10];
	(tm) =	ssettm $0x1  }
0x97: {  	s17 =	sld [smem:$0x3FFB];
	_ =	sdelay $0x3  }
0x98: {  	_ =	strace s17  }
0x99: {  	s3 =	sld [smem:$0x3FFC];
	_ =	sdelay $0x3  }
0x9a: {  	_ =	strace s3  }
0x9b: {  	s3 =	sld [smem:$0x3FFD];
	_ =	sdelay $0x3  }
0x9c: {  	_ =	strace s3  }
0x9d: {  	_ =	strace $0x8FFFFFFF  }
0x9e: {  	s18 =	sld [smem:$0x3FDB];
	_ =	sdelay $0x1  }
0x9f: {  	s19 =	simm.s32 $_scs_section_size  }
0xa0: {  	s5 =	simm.s32 $_size__tile_overlayer_lowered;
	s6 =	simm.s32 $_tile_overlayer_lowered  }
0xa1: {  	s22 =	simm.s32 $0x1BFF;
	s21 =	sshll.u32 s6, $0x1;
	s3 =	sadd.s32 s19, s18  }
0xa2: {  	s7 =	simm.s32 $0x0;
	s20 =	sshll.u32 s5, $0x1;
	s5 =	sadd.s32 s21, s3  }
0xa3: {  	[timem:s7], [sflag:s22] =	dma.local [hbm:s5], s20  }
0xa4: {  	_ =	swait.ge [sflag:s22], s20  }
0xa5: {  	s4 =	ssub.s32 $0x0, s20;
	[sflag:s22] =	ssyncset.done $0x0  }
0xa6: {  	[sflag:s22] =	ssyncadd.s32 s4;
	_ =	sdelay $0x1  }
0xa7: {  	s23 =	simm.s32 $0x1B8B  }
0xa8: {  	_ =	swait.ge [sflag:s23], $0x1  }
0xa9: {  	[sflag:s23] =	ssyncset.done $0x0  }
0xaa: {  	s25 =	simm.s32 $0x1B8E;
	s24 =	sld [smem:$0x3FFE];
	[sflag:s23] =	ssyncadd.s32 $0xFFFFFFFF  }
0xab: {  	s26 =	simm.s32 $execute0_lowered;
	[smem:$0x3FD2] =	sst s25  }
0xac: {  	s5 =	sshll.u32 s26, $0x1;
	_ =	strace $0x80000046;
	[dreg:$0x1] =	wrdreg $0xFFFFFFFF  }
0xad: {  	s28 =	simm.s32 $_size_execute0_lowered;
	s3 =	sadd.s32 s3, s5;
	[dreg:$0x0] =	wrdreg $0x0  }
0xae: {  	s5 =	sshll.u32 s28, $0x1;
	[dreg:$0x2] =	wrdreg s3  }
0xaf: {  	[dreg:$0x3] =	wrdreg s5  }
0xb0: {  	[dreg:$0x4] =	wrdreg $0xC0  }
0xb1: {  	_ =	task [dreg:s7], $0x5FFFF  }
0xb2: {  	[dreg:$0x1] =	wrdreg $0xFFFFFFFF  }
0xb3: {  	[dreg:$0x0] =	wrdreg $0x60  }
0xb4: {  	[dreg:$0x2] =	wrdreg s24  }
0xb5: {  	[dreg:$0x3] =	wrdreg s16  }
0xb6: {  	[dreg:$0x4] =	wrdreg $0x9  }
0xb7: {  	_ =	task.clear_ibuf [dreg:s7], $0x5FFFF;
	_ =	strace $0x90000046  }
0xb8: {  	s29 =	simm.s32 $0x9;
	_ =	strace $0x80000048  }
0xb9: {  	_ =	swait.ge [sflag:s29], $0x1  }
0xba: {  	[sflag:s29] =	ssyncadd.s32 $0xFFFFFFFF  }
0xbb: {  	_ =	strace $0x90000048  }
0xbc: {  	_ =	sfence  }
0xbd: {  	s30 =	sld [smem:$0x0];
	_ =	sdelay $0x2  }
0xbe: {  	s31 =	sshll.u32 s1, $0xD;
	s1 =	sshrl.u32 s1, $0x2  }
0xbf: {  	s3 =	sand.u32 $0x4000, s31;
	s1 =	sadd.s32 s1, s30  }
0xc0: {  	s0 =	sor.u32 s3, s0;
	s1 =	sshll.u32 s1, $0x11  }
0xc1: {  	s0 =	sor.u32 s1, s0  }
0xc2: {  	s0 =	sadd.s32 $0x8F2B, s0  }
0xc3: {  	[sflag:s0] =	ssyncadd.remote.s32 $0x1  }
0xc4: {  	_ =	sfence.sel $0xFFFF  }
0xc5: {  	[dreg:$0x0] =	wrdreg $0xFFFFFFFF;
	(pc) =	sbr.abs _section_cstart, $3  }
0xc6: {  	[dreg:$0x1] =	wrdreg $0xFFFFFFFF  }
0xc7: {  	_ =	task.clear_ibuf [dreg:s7], $0x2FFFF;
	_ =	strace $0x9FFFFFFF  }
0xc8: {  	(tm) =	ssettm $0x7FFFFFFF  }
0xc9: {  	_ =	shalt  }
tec
execute0_lowered:
.L_overlay_start_1:
0x0: {  	(tag) =	ssettag $0x1  }
0x1: {  	s1 =	rddreg [dreg:$0x0]  }
0x2: {  	s2 =	rddreg [dreg:$0x1];
	s3 =	simm.s32 $0x0;
	s0 =	srdreg.scid  }
0x3: {  	s5 =	stileid.u32;
	s24 =	simm.s32 $0x1000;
	s25 =	simm.s32 $0x2000  }
0x4: {  	s26 =	simm.s32 $0x2080;
	s15 =	simm.s32 $0x2A00;
	s16 =	simm.s32 $0x3200  }
0x5: {  	s28 =	simm.s32 $0x8A00;
	s29 =	simm.s32 $0x9200;
	s30 =	simm.s32 $0x9A00  }
0x6: {  	s31 =	simm.s32 $0xA200;
	[smem:$0x7FF] =	sst s3;
	s18 =	sadd.s32 $0x42800, s1  }
0x7: {  	s19 =	sadd.s32 $0x42A00, s1;
	_ =	strace $0x80000047;
	[dreg:$0x3] =	wrdreg s18  }
0x8: {  	s12 =	simm.s32 $0xD200;
	s4 =	sand.u32 $0x1, s0;
	[dreg:$0x4] =	wrdreg s19  }
0x9: {  	s17 =	sshll.u32 s5, $0x1;
	s20 =	sadd.s32 $0x43000, s1;
	[dreg:$0x8] =	wrdreg s24  }
0xa: {  	s5 =	sadd.s32 $0x200, s2;
	s6 =	sor.u32 s4, s17;
	[dreg:$0x9] =	wrdreg s25  }
0xb: {  	s4 =	ssub.s32 $0x2, s4;
	[dreg:$0xa] =	wrdreg s26;
	s17 =	simm.s32 $0x3A00  }
0xc: {  	s18 =	simm.s32 $0x4200;
	s19 =	simm.s32 $0x4A00;
	s24 =	simm.s32 $0x7200  }
0xd: {  	s25 =	simm.s32 $0x7A00;
	s0 =	smul.u32 $0xC0, s6;
	s8 =	sshrl.u32 s4, $0x1  }
0xe: {  	s26 =	simm.s32 $0x8200;
	s6 =	smul.u32 $0x6000, s6;
	s21 =	ssub.s32 s4, s8  }
0xf: {  	s4 =	sadd.s32 $0x100, s2;
	s8 =	simm.s32 $0x2;
	s7 =	sshrl.u32 s0, $0x3  }
0x10: {  	s10 =	sadd.s32 $0x60, s0;
	s11 =	sadd.s32 $0xC0, s0;
	s6 =	sadd.s32 s20, s6  }
0x11: {  	s9 =	smax.u32 s21, $0x1;
	s21 =	simm.s32 $0x5A00;
	s1 =	sadd.s32 s7, s1  }
0x12: {  	v3 =	vimm.s32 $0x0;
	v4 =	vlaneseq.u32;
	s22 =	sshll.u32 s10, $0x7;
	[dreg:$0x5] =	wrdreg s6;
	s6 =	sadd.s32 $0x300, s2  }
0x13: {  	v5 =	vimm.f32 $0.0e+00;
	v1 =	vmov s10;
	v2 =	vmov s11;
	s11 =	simm.s32 $0xC200;
	s10 =	simm.s32 $0xCA00;
	s23 =	sadd.s32 s20, s22  }
0x14: {  	vm0 =	vmmov $0xffff;
	v6 =	vand.u32 $0x7, v4;
	v7 =	vshrl.u32 v4, $0x3;
	s1 =	sadd.s32 $0x42C00, s1;
	s20 =	simm.s32 $0x5200;
	[dreg:$0x6] =	wrdreg s23  }
0x15: {  	v8 =	vor.u32 $0x8, v4;
	v7 =	vmul.u32 $0x8, v7;
	v0 =	vmov s0;
	s22 =	simm.s32 $0x6200;
	[dreg:$0x7] =	wrdreg s1;
	s23 =	simm.s32 $0x6A00  }
.LBB2_1:
0x16: {  	s13 =	rddreg [dreg:$0x3]  }
0x17: {  	[tilespmem:s3], [sflag:$0x2] =	stream.linear.gather [hbm4b:s13+s3], $0x1000, $0x38;
	[tilespmem:$0x1A200] =	vst v63  }
0x18: {  	_ =	swait.ge [sflag:s8], $0x1000  }
0x19: {  	s0 =	rddreg [dreg:$0x4];
	[sflag:s8] =	ssyncset.done $0x0  }
0x1a: {  	s14 =	rddreg [dreg:$0x8];
	[sflag:s8] =	ssyncadd.s32 $0xFFFFF000  }
0x1b: {  	[tilespmem:s14], [sflag:$0x2] =	stream.linear.gather [hbm4b:s0+s3], $0x1000, $0x38;
	[tilespmem:$0x1A200] =	vst v63  }
0x1c: {  	_ =	swait.ge [sflag:s8], $0x1000  }
0x1d: {  	[sflag:s8] =	ssyncset.done $0x0  }
0x1e: {  	[sflag:s8] =	ssyncadd.s32 $0xFFFFF000  }
0x1f: {  	[tilespmem:$0x2000] =	vst v3  }
0x20: {  	[tilespmem:$0x2080] =	vst v3  }
0x21: {  	[tilespmem:$0x2010] =	vst v3  }
0x22: {  	[tilespmem:$0x2090] =	vst v3  }
0x23: {  	[tilespmem:$0x2020] =	vst v3  }
0x24: {  	[tilespmem:$0x20A0] =	vst v3  }
0x25: {  	[tilespmem:$0x2030] =	vst v3  }
0x26: {  	[tilespmem:$0x20B0] =	vst v3  }
0x27: {  	[tilespmem:$0x2040] =	vst v3  }
0x28: {  	[tilespmem:$0x20C0] =	vst v3  }
0x29: {  	[tilespmem:$0x2050] =	vst v3;
	v9 =	vld [tilespmem:$0x0]  }
0x2a: {  	[tilespmem:$0x20D0] =	vst v3  }
0x2b: {  	[tilespmem:$0x2100] =	vst v5  }
0x2c: {  	[tilespmem:$0x2110] =	vst v5  }
0x2d: {  	[tilespmem:$0x2120] =	vst v5  }
0x2e: {  	[tilespmem:$0x2130] =	vst v5;
	vm1 =	vge.s32 v9, v0  }
0x2f: {  	[tilespmem:$0x2140] =	vst v5;
	vm2 =	vlt.s32 v9, v1;
	v10 =	vsub.s32 v9, v0;
	v11 =	vsub.s32 v9, v1  }
0x30: {  	[tilespmem:$0x2150] =	vst v5;
	vm4 =	vlt.s32 v9, v2;
	vm1 =	vmand vm1, vm2;
	vm3 =	vgt.s32 v10, $0x0  }
0x31: {  	[tilespmem:$0x2160] =	vst v5;
	vm2 =	vge.s32 v9, v1;
	v9 =	vnsel vm3, $0x0, v10;
	vm3 =	vgt.s32 v11, $0x0  }
0x32: {  	[tilespmem:$0x2170] =	vst v5;
	vm2 =	vmand vm2, vm4;
	v10 =	vmin.u32 v9, $0x5F;
	v11 =	vnsel vm3, $0x0, v11  }
0x33: {  	[tilespmem:$0x2180] =	vst v5;
	v11 =	vmin.u32 v11, $0x5F  }
0x34: {  	[tilespmem:$0x2190] =	vst v5  }
0x35: {  	[tilespmem:$0x21A0] =	vst v5  }
0x36: {  	s1 =	rddreg [dreg:$0x9];
	[tilespmem:$0x21B0] =	vst v5  }
0x37: {  	s7 =	rddreg [dreg:$0xa];
	[tilespmem:v10+s1+$0x0] =	vst.idx.msk vm1, v4  }
0x38: {  	vm1 =	vmor vm1, vm2;
	[tilespmem:v11+s7+$0x0] =	vst.idx.msk vm2, v4  }
0x39: {  	v9 =	vmin.u32 v9, $0xBF;
	v10 =	vld [tilespmem:$0x1000];
	_ =	sdelay $0x3  }
0x3a: {  	s0 =	simm.s32 $0x2100  }
0x3b: {  	[tilespmem:v9+s0+$0x0] =	vst.idx.msk vm1, v10  }
0x3c: {  	v9 =	vld [tilespmem:$0x2000];
	_ =	sdelay $0x4  }
0x3d: {  	v10 =	vshll.u32 v9, $0x3  }
0x3e: {  	v9 =	vand.u32 $0x7, v9;
	v10 =	vand.u32 $0xFFFFFFC0, v10  }
0x3f: {  	v9 =	vor.u32 v9, v10  }
0x40: {  	v10 =	vperm.xlane v9, v6;
	_ =	sdelay $0x1  }
0x41: {  	v10 =	vadd.s32 v7, v10;
	_ =	sdelay $0x3  }
0x42: {  	s14 =	simm.s32 $0x2200  }
0x43: {  	[tilespmem:s14], [sflag:$0x1] =	stream.indirect_vreg.gather [hbm4b:s2+s3], $0x80, v10, vm0, $0xb8;
	[tilespmem:$0x1A200] =	vst v63  }
0x44: {  	v9 =	vperm.xlane v9, v8  }
0x45: {  	[tilespmem:s15], [sflag:$0x1] =	stream.indirect_vreg.gather [hbm4b:s4+s3], $0x80, v10, vm0, $0xb8;
	[tilespmem:$0x1A200] =	vst v63  }
0x46: {  	v9 =	vadd.s32 v7, v9  }
0x47: {  	[tilespmem:s16], [sflag:$0x1] =	stream.indirect_vreg.gather [hbm4b:s5+s3], $0x80, v10, vm0, $0xb8;
	[tilespmem:$0x1A200] =	vst v63  }
0x48: {  	_ = 	snop  }
0x49: {  	[tilespmem:s17], [sflag:$0x1] =	stream.indirect_vreg.gather [hbm4b:s6+s3], $0x80, v10, vm0, $0xb8;
	[tilespmem:$0x1A200] =	vst v63  }
0x4a: {  	_ = 	snop  }
0x4b: {  	[tilespmem:s18], [sflag:$0x1] =	stream.indirect_vreg.gather [hbm4b:s2+s3], $0x80, v9, vm0, $0xb8;
	[tilespmem:$0x1A200] =	vst v63  }
0x4c: {  	_ = 	snop  }
0x4d: {  	[tilespmem:s19], [sflag:$0x1] =	stream.indirect_vreg.gather [hbm4b:s4+s3], $0x80, v9, vm0, $0xb8;
	[tilespmem:$0x1A200] =	vst v63  }
0x4e: {  	_ = 	snop  }
0x4f: {  	[tilespmem:s20], [sflag:$0x1] =	stream.indirect_vreg.gather [hbm4b:s5+s3], $0x80, v9, vm0, $0xb8;
	[tilespmem:$0x1A200] =	vst v63  }
0x50: {  	_ = 	snop  }
0x51: {  	[tilespmem:s21], [sflag:$0x1] =	stream.indirect_vreg.gather [hbm4b:s6+s3], $0x80, v9, vm0, $0xb8;
	[tilespmem:$0x1A200] =	vst v63  }
0x52: {  	v9 =	vld [tilespmem:$0x2010];
	_ =	sdelay $0x4  }
0x53: {  	v10 =	vshll.u32 v9, $0x3  }
0x54: {  	v9 =	vand.u32 $0x7, v9;
	v10 =	vand.u32 $0xFFFFFFC0, v10  }
0x55: {  	v9 =	vor.u32 v9, v10  }
0x56: {  	v10 =	vperm.xlane v9, v6;
	_ =	sdelay $0x1  }
0x57: {  	v10 =	vadd.s32 v7, v10;
	_ =	sdelay $0x4  }
0x58: {  	[tilespmem:s22], [sflag:$0x1] =	stream.indirect_vreg.gather [hbm4b:s2+s3], $0x80, v10, vm0, $0xb8;
	[tilespmem:$0x1A200] =	vst v63  }
0x59: {  	v9 =	vperm.xlane v9, v8  }
0x5a: {  	[tilespmem:s23], [sflag:$0x1] =	stream.indirect_vreg.gather [hbm4b:s4+s3], $0x80, v10, vm0, $0xb8;
	[tilespmem:$0x1A200] =	vst v63  }
0x5b: {  	v9 =	vadd.s32 v7, v9  }
0x5c: {  	[tilespmem:s24], [sflag:$0x1] =	stream.indirect_vreg.gather [hbm4b:s5+s3], $0x80, v10, vm0, $0xb8;
	[tilespmem:$0x1A200] =	vst v63  }
0x5d: {  	_ = 	snop  }
0x5e: {  	[tilespmem:s25], [sflag:$0x1] =	stream.indirect_vreg.gather [hbm4b:s6+s3], $0x80, v10, vm0, $0xb8;
	[tilespmem:$0x1A200] =	vst v63  }
0x5f: {  	_ = 	snop  }
0x60: {  	[tilespmem:s26], [sflag:$0x1] =	stream.indirect_vreg.gather [hbm4b:s2+s3], $0x80, v9, vm0, $0xb8;
	[tilespmem:$0x1A200] =	vst v63  }
0x61: {  	_ = 	snop  }
0x62: {  	[tilespmem:s28], [sflag:$0x1] =	stream.indirect_vreg.gather [hbm4b:s4+s3], $0x80, v9, vm0, $0xb8;
	[tilespmem:$0x1A200] =	vst v63  }
0x63: {  	_ = 	snop  }
0x64: {  	[tilespmem:s29], [sflag:$0x1] =	stream.indirect_vreg.gather [hbm4b:s5+s3], $0x80, v9, vm0, $0xb8;
	[tilespmem:$0x1A200] =	vst v63  }
0x65: {  	_ = 	snop  }
0x66: {  	[tilespmem:s30], [sflag:$0x1] =	stream.indirect_vreg.gather [hbm4b:s6+s3], $0x80, v9, vm0, $0xb8;
	[tilespmem:$0x1A200] =	vst v63  }
0x67: {  	v9 =	vld [tilespmem:$0x2020];
	_ =	sdelay $0x4  }
0x68: {  	v10 =	vshll.u32 v9, $0x3  }
0x69: {  	v9 =	vand.u32 $0x7, v9;
	v10 =	vand.u32 $0xFFFFFFC0, v10  }
0x6a: {  	v9 =	vor.u32 v9, v10  }
0x6b: {  	v10 =	vperm.xlane v9, v6;
	_ =	sdelay $0x1  }
0x6c: {  	v10 =	vadd.s32 v7, v10;
	_ =	sdelay $0x4  }
0x6d: {  	[tilespmem:s31], [sflag:$0x1] =	stream.indirect_vreg.gather [hbm4b:s2+s3], $0x80, v10, vm0, $0xb8;
	[tilespmem:$0x1A200] =	vst v63  }
0x6e: {  	s1 =	simm.s32 $0xAA00;
	v9 =	vperm.xlane v9, v8  }
0x6f: {  	[tilespmem:s1], [sflag:$0x1] =	stream.indirect_vreg.gather [hbm4b:s4+s3], $0x80, v10, vm0, $0xb8;
	[tilespmem:$0x1A200] =	vst v63  }
0x70: {  	v9 =	vadd.s32 v7, v9;
	s1 =	simm.s32 $0xB200  }
0x71: {  	[tilespmem:s1], [sflag:$0x1] =	stream.indirect_vreg.gather [hbm4b:s5+s3], $0x80, v10, vm0, $0xb8;
	[tilespmem:$0x1A200] =	vst v63  }
0x72: {  	s7 =	simm.s32 $0xBA00  }
0x73: {  	[tilespmem:s7], [sflag:$0x1] =	stream.indirect_vreg.gather [hbm4b:s6+s3], $0x80, v10, vm0, $0xb8;
	[tilespmem:$0x1A200] =	vst v63  }
0x74: {  	_ = 	snop  }
0x75: {  	[tilespmem:s11], [sflag:$0x1] =	stream.indirect_vreg.gather [hbm4b:s2+s3], $0x80, v9, vm0, $0xb8;
	[tilespmem:$0x1A200] =	vst v63  }
0x76: {  	_ = 	snop  }
0x77: {  	[tilespmem:s10], [sflag:$0x1] =	stream.indirect_vreg.gather [hbm4b:s4+s3], $0x80, v9, vm0, $0xb8;
	[tilespmem:$0x1A200] =	vst v63  }
0x78: {  	_ = 	snop  }
0x79: {  	[tilespmem:s12], [sflag:$0x1] =	stream.indirect_vreg.gather [hbm4b:s5+s3], $0x80, v9, vm0, $0xb8;
	[tilespmem:$0x1A200] =	vst v63  }
0x7a: {  	s14 =	simm.s32 $0xDA00  }
0x7b: {  	[tilespmem:s14], [sflag:$0x1] =	stream.indirect_vreg.gather [hbm4b:s6+s3], $0x80, v9, vm0, $0xb8;
	[tilespmem:$0x1A200] =	vst v63  }
0x7c: {  	v9 =	vld [tilespmem:$0x2030];
	_ =	sdelay $0x4  }
0x7d: {  	v10 =	vshll.u32 v9, $0x3  }
0x7e: {  	v9 =	vand.u32 $0x7, v9;
	v10 =	vand.u32 $0xFFFFFFC0, v10  }
0x7f: {  	v9 =	vor.u32 v9, v10  }
0x80: {  	v10 =	vperm.xlane v9, v6;
	_ =	sdelay $0x1  }
0x81: {  	v10 =	vadd.s32 v7, v10;
	_ =	sdelay $0x3  }
0x82: {  	s13 =	simm.s32 $0xE200  }
0x83: {  	[tilespmem:s13], [sflag:$0x1] =	stream.indirect_vreg.gather [hbm4b:s2+s3], $0x80, v10, vm0, $0xb8;
	[tilespmem:$0x1A200] =	vst v63  }
0x84: {  	s7 =	simm.s32 $0xEA00;
	v9 =	vperm.xlane v9, v8  }
0x85: {  	[tilespmem:s7], [sflag:$0x1] =	stream.indirect_vreg.gather [hbm4b:s4+s3], $0x80, v10, vm0, $0xb8;
	[tilespmem:$0x1A200] =	vst v63  }
0x86: {  	v9 =	vadd.s32 v7, v9;
	s13 =	simm.s32 $0xF200  }
0x87: {  	[tilespmem:s13], [sflag:$0x1] =	stream.indirect_vreg.gather [hbm4b:s5+s3], $0x80, v10, vm0, $0xb8;
	[tilespmem:$0x1A200] =	vst v63  }
0x88: {  	s7 =	simm.s32 $0xFA00  }
0x89: {  	[tilespmem:s7], [sflag:$0x1] =	stream.indirect_vreg.gather [hbm4b:s6+s3], $0x80, v10, vm0, $0xb8;
	[tilespmem:$0x1A200] =	vst v63  }
0x8a: {  	s13 =	simm.s32 $0x10200  }
0x8b: {  	[tilespmem:s13], [sflag:$0x1] =	stream.indirect_vreg.gather [hbm4b:s2+s3], $0x80, v9, vm0, $0xb8;
	[tilespmem:$0x1A200] =	vst v63  }
0x8c: {  	s7 =	simm.s32 $0x10A00  }
0x8d: {  	[tilespmem:s7], [sflag:$0x1] =	stream.indirect_vreg.gather [hbm4b:s4+s3], $0x80, v9, vm0, $0xb8;
	[tilespmem:$0x1A200] =	vst v63  }
0x8e: {  	s13 =	simm.s32 $0x11200  }
0x8f: {  	[tilespmem:s13], [sflag:$0x1] =	stream.indirect_vreg.gather [hbm4b:s5+s3], $0x80, v9, vm0, $0xb8;
	[tilespmem:$0x1A200] =	vst v63  }
0x90: {  	s7 =	simm.s32 $0x11A00  }
0x91: {  	[tilespmem:s7], [sflag:$0x1] =	stream.indirect_vreg.gather [hbm4b:s6+s3], $0x80, v9, vm0, $0xb8;
	[tilespmem:$0x1A200] =	vst v63  }
0x92: {  	v9 =	vld [tilespmem:$0x2040];
	_ =	sdelay $0x4  }
0x93: {  	v10 =	vshll.u32 v9, $0x3  }
0x94: {  	v9 =	vand.u32 $0x7, v9;
	v10 =	vand.u32 $0xFFFFFFC0, v10  }
0x95: {  	v9 =	vor.u32 v9, v10  }
0x96: {  	v10 =	vperm.xlane v9, v6;
	_ =	sdelay $0x1  }
0x97: {  	v10 =	vadd.s32 v7, v10;
	_ =	sdelay $0x3  }
0x98: {  	s13 =	simm.s32 $0x12200  }
0x99: {  	[tilespmem:s13], [sflag:$0x1] =	stream.indirect_vreg.gather [hbm4b:s2+s3], $0x80, v10, vm0, $0xb8;
	[tilespmem:$0x1A200] =	vst v63  }
0x9a: {  	s7 =	simm.s32 $0x12A00;
	v9 =	vperm.xlane v9, v8  }
0x9b: {  	[tilespmem:s7], [sflag:$0x1] =	stream.indirect_vreg.gather [hbm4b:s4+s3], $0x80, v10, vm0, $0xb8;
	[tilespmem:$0x1A200] =	vst v63  }
0x9c: {  	v9 =	vadd.s32 v7, v9;
	s13 =	simm.s32 $0x13200  }
0x9d: {  	[tilespmem:s13], [sflag:$0x1] =	stream.indirect_vreg.gather [hbm4b:s5+s3], $0x80, v10, vm0, $0xb8;
	[tilespmem:$0x1A200] =	vst v63  }
0x9e: {  	s7 =	simm.s32 $0x13A00  }
0x9f: {  	[tilespmem:s7], [sflag:$0x1] =	stream.indirect_vreg.gather [hbm4b:s6+s3], $0x80, v10, vm0, $0xb8;
	[tilespmem:$0x1A200] =	vst v63  }
0xa0: {  	s13 =	simm.s32 $0x14200  }
0xa1: {  	[tilespmem:s13], [sflag:$0x1] =	stream.indirect_vreg.gather [hbm4b:s2+s3], $0x80, v9, vm0, $0xb8;
	[tilespmem:$0x1A200] =	vst v63  }
0xa2: {  	s7 =	simm.s32 $0x14A00  }
0xa3: {  	[tilespmem:s7], [sflag:$0x1] =	stream.indirect_vreg.gather [hbm4b:s4+s3], $0x80, v9, vm0, $0xb8;
	[tilespmem:$0x1A200] =	vst v63  }
0xa4: {  	s13 =	simm.s32 $0x15200  }
0xa5: {  	[tilespmem:s13], [sflag:$0x1] =	stream.indirect_vreg.gather [hbm4b:s5+s3], $0x80, v9, vm0, $0xb8;
	[tilespmem:$0x1A200] =	vst v63  }
0xa6: {  	s7 =	simm.s32 $0x15A00  }
0xa7: {  	[tilespmem:s7], [sflag:$0x1] =	stream.indirect_vreg.gather [hbm4b:s6+s3], $0x80, v9, vm0, $0xb8;
	[tilespmem:$0x1A200] =	vst v63  }
0xa8: {  	v9 =	vld [tilespmem:$0x2050];
	_ =	sdelay $0x4  }
0xa9: {  	v10 =	vshll.u32 v9, $0x3  }
0xaa: {  	v9 =	vand.u32 $0x7, v9;
	v10 =	vand.u32 $0xFFFFFFC0, v10  }
0xab: {  	v9 =	vor.u32 v9, v10  }
0xac: {  	v10 =	vperm.xlane v9, v6;
	_ =	sdelay $0x1  }
0xad: {  	v10 =	vadd.s32 v7, v10;
	_ =	sdelay $0x3  }
0xae: {  	s13 =	simm.s32 $0x16200  }
0xaf: {  	[tilespmem:s13], [sflag:$0x1] =	stream.indirect_vreg.gather [hbm4b:s2+s3], $0x80, v10, vm0, $0xb8;
	[tilespmem:$0x1A200] =	vst v63  }
0xb0: {  	s7 =	simm.s32 $0x16A00;
	v9 =	vperm.xlane v9, v8  }
0xb1: {  	[tilespmem:s7], [sflag:$0x1] =	stream.indirect_vreg.gather [hbm4b:s4+s3], $0x80, v10, vm0, $0xb8;
	[tilespmem:$0x1A200] =	vst v63  }
0xb2: {  	v9 =	vadd.s32 v7, v9;
	s13 =	simm.s32 $0x17200  }
0xb3: {  	[tilespmem:s13], [sflag:$0x1] =	stream.indirect_vreg.gather [hbm4b:s5+s3], $0x80, v10, vm0, $0xb8;
	[tilespmem:$0x1A200] =	vst v63  }
0xb4: {  	s7 =	simm.s32 $0x17A00  }
0xb5: {  	[tilespmem:s7], [sflag:$0x1] =	stream.indirect_vreg.gather [hbm4b:s6+s3], $0x80, v10, vm0, $0xb8;
	[tilespmem:$0x1A200] =	vst v63  }
0xb6: {  	s13 =	simm.s32 $0x18200  }
0xb7: {  	[tilespmem:s13], [sflag:$0x1] =	stream.indirect_vreg.gather [hbm4b:s2+s3], $0x80, v9, vm0, $0xb8;
	[tilespmem:$0x1A200] =	vst v63  }
0xb8: {  	s7 =	simm.s32 $0x18A00  }
0xb9: {  	[tilespmem:s7], [sflag:$0x1] =	stream.indirect_vreg.gather [hbm4b:s4+s3], $0x80, v9, vm0, $0xb8;
	[tilespmem:$0x1A200] =	vst v63  }
0xba: {  	s13 =	simm.s32 $0x19200  }
0xbb: {  	[tilespmem:s13], [sflag:$0x1] =	stream.indirect_vreg.gather [hbm4b:s5+s3], $0x80, v9, vm0, $0xb8;
	[tilespmem:$0x1A200] =	vst v63  }
0xbc: {  	s0 =	simm.s32 $0x1;
	s7 =	simm.s32 $0x19A00  }
0xbd: {  	[tilespmem:s7], [sflag:$0x1] =	stream.indirect_vreg.gather [hbm4b:s6+s3], $0x80, v9, vm0, $0xb8;
	[tilespmem:$0x1A200] =	vst v63  }
0xbe: {  	_ =	swait.ge [sflag:s0], $0x18000  }
0xbf: {  	[sflag:s0] =	ssyncset.done $0x0  }
0xc0: {  	s7 =	simm.s32 $0x2200;
	s13 =	rddreg [dreg:$0x5];
	[sflag:s0] =	ssyncadd.s32 $0xFFFE8000  }
0xc1: {  	[hbm4b:s13+s3] =	stream.linear.scatter [tilespmem:s7], [sflag:$0x2], $0x18000, $0x38;
	[tilespmem:$0x1A200] =	vst v63  }
0xc2: {  	_ =	swait.ge [sflag:s8], $0x18000  }
0xc3: {  	[sflag:s8] =	ssyncset.done $0x0  }
0xc4: {  	[sflag:s8] =	ssyncadd.s32 $0xFFFE8000  }
0xc5: {  	v9 =	vld [tilespmem:$0x2080];
	_ =	sdelay $0x4  }
0xc6: {  	v10 =	vshll.u32 v9, $0x3  }
0xc7: {  	v9 =	vand.u32 $0x7, v9;
	v10 =	vand.u32 $0xFFFFFFC0, v10  }
0xc8: {  	v9 =	vor.u32 v9, v10  }
0xc9: {  	v10 =	vperm.xlane v9, v6;
	_ =	sdelay $0x1  }
0xca: {  	v10 =	vadd.s32 v7, v10;
	_ =	sdelay $0x4  }
0xcb: {  	[tilespmem:s7], [sflag:$0x1] =	stream.indirect_vreg.gather [hbm4b:s2+s3], $0x80, v10, vm0, $0xb8;
	[tilespmem:$0x1A200] =	vst v63  }
0xcc: {  	v9 =	vperm.xlane v9, v8  }
0xcd: {  	[tilespmem:s15], [sflag:$0x1] =	stream.indirect_vreg.gather [hbm4b:s4+s3], $0x80, v10, vm0, $0xb8;
	[tilespmem:$0x1A200] =	vst v63  }
0xce: {  	v9 =	vadd.s32 v7, v9  }
0xcf: {  	[tilespmem:s16], [sflag:$0x1] =	stream.indirect_vreg.gather [hbm4b:s5+s3], $0x80, v10, vm0, $0xb8;
	[tilespmem:$0x1A200] =	vst v63  }
0xd0: {  	_ = 	snop  }
0xd1: {  	[tilespmem:s17], [sflag:$0x1] =	stream.indirect_vreg.gather [hbm4b:s6+s3], $0x80, v10, vm0, $0xb8;
	[tilespmem:$0x1A200] =	vst v63  }
0xd2: {  	_ = 	snop  }
0xd3: {  	[tilespmem:s18], [sflag:$0x1] =	stream.indirect_vreg.gather [hbm4b:s2+s3], $0x80, v9, vm0, $0xb8;
	[tilespmem:$0x1A200] =	vst v63  }
0xd4: {  	_ = 	snop  }
0xd5: {  	[tilespmem:s19], [sflag:$0x1] =	stream.indirect_vreg.gather [hbm4b:s4+s3], $0x80, v9, vm0, $0xb8;
	[tilespmem:$0x1A200] =	vst v63  }
0xd6: {  	_ = 	snop  }
0xd7: {  	[tilespmem:s20], [sflag:$0x1] =	stream.indirect_vreg.gather [hbm4b:s5+s3], $0x80, v9, vm0, $0xb8;
	[tilespmem:$0x1A200] =	vst v63  }
0xd8: {  	_ = 	snop  }
0xd9: {  	[tilespmem:s21], [sflag:$0x1] =	stream.indirect_vreg.gather [hbm4b:s6+s3], $0x80, v9, vm0, $0xb8;
	[tilespmem:$0x1A200] =	vst v63  }
0xda: {  	v9 =	vld [tilespmem:$0x2090];
	_ =	sdelay $0x4  }
0xdb: {  	v10 =	vshll.u32 v9, $0x3  }
0xdc: {  	v9 =	vand.u32 $0x7, v9;
	v10 =	vand.u32 $0xFFFFFFC0, v10  }
0xdd: {  	v9 =	vor.u32 v9, v10  }
0xde: {  	v10 =	vperm.xlane v9, v6;
	_ =	sdelay $0x1  }
0xdf: {  	v10 =	vadd.s32 v7, v10;
	_ =	sdelay $0x4  }
0xe0: {  	[tilespmem:s22], [sflag:$0x1] =	stream.indirect_vreg.gather [hbm4b:s2+s3], $0x80, v10, vm0, $0xb8;
	[tilespmem:$0x1A200] =	vst v63  }
0xe1: {  	v9 =	vperm.xlane v9, v8  }
0xe2: {  	[tilespmem:s23], [sflag:$0x1] =	stream.indirect_vreg.gather [hbm4b:s4+s3], $0x80, v10, vm0, $0xb8;
	[tilespmem:$0x1A200] =	vst v63  }
0xe3: {  	v9 =	vadd.s32 v7, v9  }
0xe4: {  	[tilespmem:s24], [sflag:$0x1] =	stream.indirect_vreg.gather [hbm4b:s5+s3], $0x80, v10, vm0, $0xb8;
	[tilespmem:$0x1A200] =	vst v63  }
0xe5: {  	_ = 	snop  }
0xe6: {  	[tilespmem:s25], [sflag:$0x1] =	stream.indirect_vreg.gather [hbm4b:s6+s3], $0x80, v10, vm0, $0xb8;
	[tilespmem:$0x1A200] =	vst v63  }
0xe7: {  	_ = 	snop  }
0xe8: {  	[tilespmem:s26], [sflag:$0x1] =	stream.indirect_vreg.gather [hbm4b:s2+s3], $0x80, v9, vm0, $0xb8;
	[tilespmem:$0x1A200] =	vst v63  }
0xe9: {  	_ = 	snop  }
0xea: {  	[tilespmem:s28], [sflag:$0x1] =	stream.indirect_vreg.gather [hbm4b:s4+s3], $0x80, v9, vm0, $0xb8;
	[tilespmem:$0x1A200] =	vst v63  }
0xeb: {  	_ = 	snop  }
0xec: {  	[tilespmem:s29], [sflag:$0x1] =	stream.indirect_vreg.gather [hbm4b:s5+s3], $0x80, v9, vm0, $0xb8;
	[tilespmem:$0x1A200] =	vst v63  }
0xed: {  	_ = 	snop  }
0xee: {  	[tilespmem:s30], [sflag:$0x1] =	stream.indirect_vreg.gather [hbm4b:s6+s3], $0x80, v9, vm0, $0xb8;
	[tilespmem:$0x1A200] =	vst v63  }
0xef: {  	v9 =	vld [tilespmem:$0x20A0];
	_ =	sdelay $0x4  }
0xf0: {  	v10 =	vshll.u32 v9, $0x3  }
0xf1: {  	v9 =	vand.u32 $0x7, v9;
	v10 =	vand.u32 $0xFFFFFFC0, v10  }
0xf2: {  	v9 =	vor.u32 v9, v10  }
0xf3: {  	v10 =	vperm.xlane v9, v6;
	_ =	sdelay $0x1  }
0xf4: {  	v10 =	vadd.s32 v7, v10;
	_ =	sdelay $0x4  }
0xf5: {  	[tilespmem:s31], [sflag:$0x1] =	stream.indirect_vreg.gather [hbm4b:s2+s3], $0x80, v10, vm0, $0xb8;
	[tilespmem:$0x1A200] =	vst v63  }
0xf6: {  	s13 =	simm.s32 $0xAA00;
	v9 =	vperm.xlane v9, v8  }
0xf7: {  	[tilespmem:s13], [sflag:$0x1] =	stream.indirect_vreg.gather [hbm4b:s4+s3], $0x80, v10, vm0, $0xb8;
	[tilespmem:$0x1A200] =	vst v63  }
0xf8: {  	v9 =	vadd.s32 v7, v9  }
0xf9: {  	[tilespmem:s1], [sflag:$0x1] =	stream.indirect_vreg.gather [hbm4b:s5+s3], $0x80, v10, vm0, $0xb8;
	[tilespmem:$0x1A200] =	vst v63  }
0xfa: {  	s13 =	simm.s32 $0xBA00  }
0xfb: {  	[tilespmem:s13], [sflag:$0x1] =	stream.indirect_vreg.gather [hbm4b:s6+s3], $0x80, v10, vm0, $0xb8;
	[tilespmem:$0x1A200] =	vst v63  }
0xfc: {  	_ = 	snop  }
0xfd: {  	[tilespmem:s11], [sflag:$0x1] =	stream.indirect_vreg.gather [hbm4b:s2+s3], $0x80, v9, vm0, $0xb8;
	[tilespmem:$0x1A200] =	vst v63  }
0xfe: {  	_ = 	snop  }
0xff: {  	[tilespmem:s10], [sflag:$0x1] =	stream.indirect_vreg.gather [hbm4b:s4+s3], $0x80, v9, vm0, $0xb8;
	[tilespmem:$0x1A200] =	vst v63  }
0x100: {  	_ = 	snop  }
0x101: {  	[tilespmem:s12], [sflag:$0x1] =	stream.indirect_vreg.gather [hbm4b:s5+s3], $0x80, v9, vm0, $0xb8;
	[tilespmem:$0x1A200] =	vst v63  }
0x102: {  	_ = 	snop  }
0x103: {  	[tilespmem:s14], [sflag:$0x1] =	stream.indirect_vreg.gather [hbm4b:s6+s3], $0x80, v9, vm0, $0xb8;
	[tilespmem:$0x1A200] =	vst v63  }
0x104: {  	v9 =	vld [tilespmem:$0x20B0];
	_ =	sdelay $0x4  }
0x105: {  	v10 =	vshll.u32 v9, $0x3  }
0x106: {  	v9 =	vand.u32 $0x7, v9;
	v10 =	vand.u32 $0xFFFFFFC0, v10  }
0x107: {  	v9 =	vor.u32 v9, v10  }
0x108: {  	v10 =	vperm.xlane v9, v6;
	_ =	sdelay $0x1  }
0x109: {  	v10 =	vadd.s32 v7, v10;
	_ =	sdelay $0x3  }
0x10a: {  	s14 =	simm.s32 $0xE200  }
0x10b: {  	[tilespmem:s14], [sflag:$0x1] =	stream.indirect_vreg.gather [hbm4b:s2+s3], $0x80, v10, vm0, $0xb8;
	[tilespmem:$0x1A200] =	vst v63  }
0x10c: {  	s7 =	simm.s32 $0xEA00;
	v9 =	vperm.xlane v9, v8  }
0x10d: {  	[tilespmem:s7], [sflag:$0x1] =	stream.indirect_vreg.gather [hbm4b:s4+s3], $0x80, v10, vm0, $0xb8;
	[tilespmem:$0x1A200] =	vst v63  }
0x10e: {  	s13 =	simm.s32 $0xF200;
	v9 =	vadd.s32 v7, v9  }
0x10f: {  	[tilespmem:s13], [sflag:$0x1] =	stream.indirect_vreg.gather [hbm4b:s5+s3], $0x80, v10, vm0, $0xb8;
	[tilespmem:$0x1A200] =	vst v63  }
0x110: {  	s14 =	simm.s32 $0xFA00  }
0x111: {  	[tilespmem:s14], [sflag:$0x1] =	stream.indirect_vreg.gather [hbm4b:s6+s3], $0x80, v10, vm0, $0xb8;
	[tilespmem:$0x1A200] =	vst v63  }
0x112: {  	s7 =	simm.s32 $0x10200  }
0x113: {  	[tilespmem:s7], [sflag:$0x1] =	stream.indirect_vreg.gather [hbm4b:s2+s3], $0x80, v9, vm0, $0xb8;
	[tilespmem:$0x1A200] =	vst v63  }
0x114: {  	s13 =	simm.s32 $0x10A00  }
0x115: {  	[tilespmem:s13], [sflag:$0x1] =	stream.indirect_vreg.gather [hbm4b:s4+s3], $0x80, v9, vm0, $0xb8;
	[tilespmem:$0x1A200] =	vst v63  }
0x116: {  	s14 =	simm.s32 $0x11200  }
0x117: {  	[tilespmem:s14], [sflag:$0x1] =	stream.indirect_vreg.gather [hbm4b:s5+s3], $0x80, v9, vm0, $0xb8;
	[tilespmem:$0x1A200] =	vst v63  }
0x118: {  	s7 =	simm.s32 $0x11A00  }
0x119: {  	[tilespmem:s7], [sflag:$0x1] =	stream.indirect_vreg.gather [hbm4b:s6+s3], $0x80, v9, vm0, $0xb8;
	[tilespmem:$0x1A200] =	vst v63  }
0x11a: {  	v9 =	vld [tilespmem:$0x20C0];
	_ =	sdelay $0x4  }
0x11b: {  	v10 =	vshll.u32 v9, $0x3  }
0x11c: {  	v9 =	vand.u32 $0x7, v9;
	v10 =	vand.u32 $0xFFFFFFC0, v10  }
0x11d: {  	v9 =	vor.u32 v9, v10  }
0x11e: {  	v10 =	vperm.xlane v9, v6;
	_ =	sdelay $0x1  }
0x11f: {  	v10 =	vadd.s32 v7, v10;
	_ =	sdelay $0x3  }
0x120: {  	s13 =	simm.s32 $0x12200  }
0x121: {  	[tilespmem:s13], [sflag:$0x1] =	stream.indirect_vreg.gather [hbm4b:s2+s3], $0x80, v10, vm0, $0xb8;
	[tilespmem:$0x1A200] =	vst v63  }
0x122: {  	s14 =	simm.s32 $0x12A00;
	v9 =	vperm.xlane v9, v8  }
0x123: {  	[tilespmem:s14], [sflag:$0x1] =	stream.indirect_vreg.gather [hbm4b:s4+s3], $0x80, v10, vm0, $0xb8;
	[tilespmem:$0x1A200] =	vst v63  }
0x124: {  	s7 =	simm.s32 $0x13200;
	v9 =	vadd.s32 v7, v9  }
0x125: {  	[tilespmem:s7], [sflag:$0x1] =	stream.indirect_vreg.gather [hbm4b:s5+s3], $0x80, v10, vm0, $0xb8;
	[tilespmem:$0x1A200] =	vst v63  }
0x126: {  	s13 =	simm.s32 $0x13A00  }
0x127: {  	[tilespmem:s13], [sflag:$0x1] =	stream.indirect_vreg.gather [hbm4b:s6+s3], $0x80, v10, vm0, $0xb8;
	[tilespmem:$0x1A200] =	vst v63  }
0x128: {  	s14 =	simm.s32 $0x14200  }
0x129: {  	[tilespmem:s14], [sflag:$0x1] =	stream.indirect_vreg.gather [hbm4b:s2+s3], $0x80, v9, vm0, $0xb8;
	[tilespmem:$0x1A200] =	vst v63  }
0x12a: {  	s7 =	simm.s32 $0x14A00  }
0x12b: {  	[tilespmem:s7], [sflag:$0x1] =	stream.indirect_vreg.gather [hbm4b:s4+s3], $0x80, v9, vm0, $0xb8;
	[tilespmem:$0x1A200] =	vst v63  }
0x12c: {  	s13 =	simm.s32 $0x15200  }
0x12d: {  	[tilespmem:s13], [sflag:$0x1] =	stream.indirect_vreg.gather [hbm4b:s5+s3], $0x80, v9, vm0, $0xb8;
	[tilespmem:$0x1A200] =	vst v63  }
0x12e: {  	s14 =	simm.s32 $0x15A00  }
0x12f: {  	[tilespmem:s14], [sflag:$0x1] =	stream.indirect_vreg.gather [hbm4b:s6+s3], $0x80, v9, vm0, $0xb8;
	[tilespmem:$0x1A200] =	vst v63  }
0x130: {  	v9 =	vld [tilespmem:$0x20D0];
	_ =	sdelay $0x4  }
0x131: {  	v10 =	vshll.u32 v9, $0x3  }
0x132: {  	v9 =	vand.u32 $0x7, v9;
	v10 =	vand.u32 $0xFFFFFFC0, v10  }
0x133: {  	v9 =	vor.u32 v9, v10  }
0x134: {  	v10 =	vperm.xlane v9, v6;
	_ =	sdelay $0x1  }
0x135: {  	v10 =	vadd.s32 v7, v10;
	_ =	sdelay $0x3  }
0x136: {  	s7 =	simm.s32 $0x16200  }
0x137: {  	[tilespmem:s7], [sflag:$0x1] =	stream.indirect_vreg.gather [hbm4b:s2+s3], $0x80, v10, vm0, $0xb8;
	[tilespmem:$0x1A200] =	vst v63  }
0x138: {  	s13 =	simm.s32 $0x16A00;
	v9 =	vperm.xlane v9, v8  }
0x139: {  	[tilespmem:s13], [sflag:$0x1] =	stream.indirect_vreg.gather [hbm4b:s4+s3], $0x80, v10, vm0, $0xb8;
	[tilespmem:$0x1A200] =	vst v63  }
0x13a: {  	s14 =	simm.s32 $0x17200;
	v9 =	vadd.s32 v7, v9  }
0x13b: {  	[tilespmem:s14], [sflag:$0x1] =	stream.indirect_vreg.gather [hbm4b:s5+s3], $0x80, v10, vm0, $0xb8;
	[tilespmem:$0x1A200] =	vst v63  }
0x13c: {  	s7 =	simm.s32 $0x17A00  }
0x13d: {  	[tilespmem:s7], [sflag:$0x1] =	stream.indirect_vreg.gather [hbm4b:s6+s3], $0x80, v10, vm0, $0xb8;
	[tilespmem:$0x1A200] =	vst v63  }
0x13e: {  	s13 =	simm.s32 $0x18200  }
0x13f: {  	[tilespmem:s13], [sflag:$0x1] =	stream.indirect_vreg.gather [hbm4b:s2+s3], $0x80, v9, vm0, $0xb8;
	[tilespmem:$0x1A200] =	vst v63  }
0x140: {  	s14 =	simm.s32 $0x18A00  }
0x141: {  	[tilespmem:s14], [sflag:$0x1] =	stream.indirect_vreg.gather [hbm4b:s4+s3], $0x80, v9, vm0, $0xb8;
	[tilespmem:$0x1A200] =	vst v63  }
0x142: {  	s7 =	simm.s32 $0x19200  }
0x143: {  	[tilespmem:s7], [sflag:$0x1] =	stream.indirect_vreg.gather [hbm4b:s5+s3], $0x80, v9, vm0, $0xb8;
	[tilespmem:$0x1A200] =	vst v63  }
0x144: {  	s13 =	simm.s32 $0x19A00  }
0x145: {  	[tilespmem:s13], [sflag:$0x1] =	stream.indirect_vreg.gather [hbm4b:s6+s3], $0x80, v9, vm0, $0xb8;
	[tilespmem:$0x1A200] =	vst v63  }
0x146: {  	_ =	swait.ge [sflag:s0], $0x18000  }
0x147: {  	[sflag:s0] =	ssyncset.done $0x0  }
0x148: {  	s1 =	simm.s32 $0x2200;
	s14 =	rddreg [dreg:$0x6];
	[sflag:s0] =	ssyncadd.s32 $0xFFFE8000  }
0x149: {  	[hbm4b:s14+s3] =	stream.linear.scatter [tilespmem:s1], [sflag:$0x2], $0x18000, $0x38;
	[tilespmem:$0x1A200] =	vst v63  }
0x14a: {  	_ =	swait.ge [sflag:s8], $0x18000  }
0x14b: {  	p0 =	sne.s32 s9, $0x1;
	s14 =	simm.s32 $0x2100;
	[sflag:s8] =	ssyncset.done $0x0  }
.Ltmp0:
0x14c: {  	s7 =	rddreg [dreg:$0x7];
	[sflag:s8] =	ssyncadd.s32 $0xFFFE8000;
	(pc) =	sbr.rel @p0 .LBB2_1-.Ltmp0, $4  }
0x14d: {  	[hbm4b:s7+s3] =	stream.linear.scatter [tilespmem:s14], [sflag:$0x2], $0xC0, $0x38;
	[tilespmem:$0x1A200] =	vst v63  }
0x14e: {  	_ =	swait.ge [sflag:s8], $0xC0  }
0x14f: {  	[sflag:s8] =	ssyncset.done $0x0  }
0x150: {  	s9 =	sadd.s32 $0xFFFFFFFF, s9;
	[sflag:s8] =	ssyncadd.s32 $0xFFFFFF40  }
0x151: {  	_ =	sfence.sel $0x180000  }
0x152: {  	[bflag:$0x0] =	sbarrier.arrive $0xFFFF  }
0x153: {  	_ =	strace $0x90000047  }
0x154: {  	s0 =	stileid.u32;
	[bflag:$0x2] =	sbarrier.arrive $0xFFFF  }
0x155: {  	p0 =	sne.s32 s0, $0x0;
	s0 =	rddreg [dreg:$0x2]  }
0x156: {  	s0 =	sadd.s32 @!p0 $0x100000, s0  }
0x157: {  	[sflag:s0] =	ssyncadd.tile.s32 @!p0 $0x1;
	_ =	shalt  }
.Lfunc_end2:
_tile_overlayer_lowered:
.L_overlay_start_2:
0x158: {  	(tag) =	ssettag $0x2  }
0x159: {  	s0 =	rddreg [dreg:$0x0];
	s2 =	stileid.u32  }
0x15a: {  	s1 =	rddreg [dreg:$0x1];
	p0 =	sne.s32 s2, $0x0  }
0x15b: {  	s3 =	rddreg [dreg:$0x2];
	[bflag:$0x3] =	sbarrier.arrive $0xFFFF;
	s2 =	simm.s32 @!p0 $0x1C02  }
0x15c: {  	[timem:s3], [sflag:s2] =	dma.local @!p0 [hbm:s0], s1  }
0x15d: {  	s0 =	simm.s32 @!p0 $0x2  }
0x15e: {  	_ =	swait.ge @!p0 [sflag:s0], s1  }
0x15f: {  	s1 =	ssub.s32 @!p0 $0x0, s1;
	[sflag:s0] =	ssyncset.done @!p0 $0x0  }
0x160: {  	[sflag:s0] =	ssyncadd.s32 @!p0 s1  }
0x161: {  	[bflag:$0x3] =	sbarrier.arrive $0xFFFF  }
0x162: {  	_ =	shalt  }

</sc_bundles>
